<compile_context>
chip_gen: v7x
topology: tpu7x:2x2x1
jax: 0.10.2.dev20260603
libtpu: 0.0.44.dev20260713+nightly
codegen_flags: <defaults>
</compile_context>

<pallas_src>
import functools

import jax
import jax.numpy as jnp
from jax import lax
from jax.experimental import pallas as pl
from jax.experimental.pallas import tpu as pltpu
from jax.experimental.pallas import tpu_sc as plsc

NC = 2
NS = 16
C = 128


@functools.cache
def _sc_segsum_halves(n, dh, g):
    assert g % 8 == 0 and n % 8 == 0
    rpt = (n // NS) // 8 * 8
    tail = n - NS * rpt
    assert tail % 8 == 0
    zrpt = -(-(n + 8) // (NS * 8)) * 8
    n_acc = NS * zrpt
    mesh = plsc.VectorSubcoreMesh(core_axis_name="c", subcore_axis_name="s",
                                  num_cores=NC)

    @functools.partial(
        pl.kernel,
        out_type=jax.ShapeDtypeStruct((NC, n, dh), jnp.float32),
        mesh=mesh,
        scratch_types=[
            pltpu.VMEM_SHARED((n, dh), jnp.float32),
            pltpu.VMEM_SHARED((n_acc, dh), jnp.float32),
            pltpu.VMEM((2, 8, C), jnp.int32),
            pltpu.VMEM((2, 8, C), jnp.int32),
            pltpu.VMEM((C, dh), jnp.float32),
            pltpu.VMEM((C, dh), jnp.float32),
            pltpu.SemaphoreType.DMA,
            pltpu.SemaphoreType.DMA,
            pltpu.SemaphoreType.DMA,
            pltpu.SemaphoreType.DMA,
        ],
    )
    def seg(xh_hbm, srcm, dstm, zeros_hbm, out_hbm, tab, acc, src_v, dst_v,
            rows_a, rows_b, gsem_a, gsem_b, isem_a, isem_b):
        c = lax.axis_index("c")
        s = lax.axis_index("s")
        pltpu.sync_copy(xh_hbm.at[c, pl.ds(s * rpt, rpt)],
                        tab.at[pl.ds(s * rpt, rpt)])
        if tail:
            @pl.when(s == NS - 1)
            def _():
                pltpu.sync_copy(xh_hbm.at[c, pl.ds(NS * rpt, tail)],
                                tab.at[pl.ds(NS * rpt, tail)])
        pltpu.sync_copy(zeros_hbm.at[pl.ds(s * zrpt, zrpt)],
                        acc.at[pl.ds(s * zrpt, zrpt)])
        plsc.subcore_barrier()

        nblk = g // 8
        pltpu.async_copy(srcm.at[pl.ds(s * g, 8)], src_v.at[0], isem_a)
        pltpu.async_copy(dstm.at[pl.ds(s * g, 8)], dst_v.at[0], isem_b)

        def blk(bi, carry):
            pb = lax.rem(bi, 2)
            sv = src_v.at[pb]
            dv = dst_v.at[pb]
            pltpu.make_async_copy(srcm.at[pl.ds(s * g, 8)], sv, isem_a).wait()
            pltpu.make_async_copy(dstm.at[pl.ds(s * g, 8)], dv, isem_b).wait()

            @pl.when(bi + 1 < nblk)
            def _():
                base_n = s * g + (bi + 1) * 8
                pltpu.async_copy(srcm.at[pl.ds(base_n, 8)],
                                 src_v.at[1 - pb], isem_a)
                pltpu.async_copy(dstm.at[pl.ds(base_n, 8)],
                                 dst_v.at[1 - pb], isem_b)

            pltpu.async_copy(tab.at[sv.at[0]], rows_a, gsem_a)
            for j in range(0, 8, 2):
                pltpu.make_async_copy(tab.at[sv.at[j]], rows_a, gsem_a).wait()
                pltpu.async_copy(tab.at[sv.at[j + 1]], rows_b, gsem_b)
                pltpu.sync_copy(rows_a, acc.at[dv.at[j]], add=True)
                pltpu.make_async_copy(tab.at[sv.at[j + 1]], rows_b,
                                      gsem_b).wait()
                if j + 2 < 8:
                    pltpu.async_copy(tab.at[sv.at[j + 2]], rows_a, gsem_a)
                pltpu.sync_copy(rows_b, acc.at[dv.at[j + 1]], add=True)
            return carry

        lax.fori_loop(0, nblk, blk, 0)
        plsc.subcore_barrier()
        pltpu.sync_copy(acc.at[pl.ds(s * rpt, rpt)],
                        out_hbm.at[c, pl.ds(s * rpt, rpt)])
        if tail:
            @pl.when(s == NS - 1)
            def _():
                pltpu.sync_copy(acc.at[pl.ds(NS * rpt, tail)],
                                out_hbm.at[c, pl.ds(NS * rpt, tail)])

    return seg


@functools.cache
def _tc_linear_relu(n, d, rblk):
    assert n % rblk == 0
    dh = d // 2

    def body(p, w, b, out):
        x = p[...]
        h = jnp.dot(x[0], w[0:dh, :], preferred_element_type=jnp.float32)
        h = h + jnp.dot(x[1], w[dh:d, :], preferred_element_type=jnp.float32)
        h = jnp.maximum(h + b[...], 0.0)
        out[...] = jnp.stack([h[:, 0:dh], h[:, dh:d]])

    return pl.pallas_call(
        body,
        grid=(n // rblk,),
        in_specs=[
            pl.BlockSpec((2, rblk, dh), lambda i: (0, i, 0)),
            pl.BlockSpec((d, d), lambda i: (0, 0)),
            pl.BlockSpec((1, d), lambda i: (0, 0)),
        ],
        out_specs=pl.BlockSpec((2, rblk, dh), lambda i: (0, i, 0)),
        out_shape=jax.ShapeDtypeStruct((2, n, dh), jnp.float32),
    )


@functools.cache
def _tc_head(n, d, rblk):
    assert n % rblk == 0
    dh = d // 2

    def body(p, w, b, hw, hb, out, acc):
        i = pl.program_id(0)
        x = p[...]
        h = jnp.dot(x[0], w[0:dh, :], preferred_element_type=jnp.float32)
        h = h + jnp.dot(x[1], w[dh:d, :], preferred_element_type=jnp.float32)
        h = jnp.maximum(h + b[...], 0.0)
        part = jnp.sum(h, axis=0, keepdims=True)

        @pl.when(i == 0)
        def _():
            acc[...] = part

        @pl.when(i > 0)
        def _():
            acc[...] = acc[...] + part

        @pl.when(i == pl.num_programs(0) - 1)
        def _():
            pooled = acc[...] * (1.0 / n)
            out[...] = jnp.sum(pooled * hw[...], axis=1, keepdims=True) + hb[...]

    return pl.pallas_call(
        body,
        grid=(n // rblk,),
        in_specs=[
            pl.BlockSpec((2, rblk, dh), lambda i: (0, i, 0)),
            pl.BlockSpec((d, d), lambda i: (0, 0)),
            pl.BlockSpec((1, d), lambda i: (0, 0)),
            pl.BlockSpec((1, d), lambda i: (0, 0)),
            pl.BlockSpec((1, 1), lambda i: (0, 0)),
        ],
        out_specs=pl.BlockSpec((1, 1), lambda i: (0, 0)),
        out_shape=jax.ShapeDtypeStruct((1, 1), jnp.float32),
        scratch_shapes=[pltpu.VMEM((1, d), jnp.float32)],
    )


def kernel(node_features, edge_index, W1, b1, W2, b2, head_W, head_b):
    n, d = node_features.shape
    dh = d // 2
    e = edge_index.shape[1]
    g = -(-e // (NS * C * 8)) * 8
    e_pad = NS * C * g
    src = edge_index[0].astype(jnp.int32)
    dst = edge_index[1].astype(jnp.int32)
    pad = e_pad - e
    if pad:
        src = jnp.concatenate([src, jnp.zeros((pad,), jnp.int32)])
        dst = jnp.concatenate([dst, jnp.full((pad,), n, jnp.int32)])
    srcm = src.reshape(NS * g, C)
    dstm = dst.reshape(NS * g, C)
    zrpt = -(-(n + 8) // (NS * 8)) * 8
    zeros = jnp.zeros((NS * zrpt, dh), jnp.float32)

    seg = _sc_segsum_halves(n, dh, g)
    lin = _tc_linear_relu(n, d, 1000)
    head = _tc_head(n, d, 1000)

    x2 = jnp.stack([node_features[:, 0:dh], node_features[:, dh:d]])
    parts1 = seg(x2, srcm, dstm, zeros)
    h1 = lin(parts1, W1, b1.reshape(1, d))
    parts2 = seg(h1, srcm, dstm, zeros)
    out = head(parts2, W2, b2.reshape(1, d),
               head_W.reshape(1, d), head_b.reshape(1, 1))
    return jnp.squeeze(out)

# --- scband reference (transcript-rebuilt; emitter-appended) ---
"""Pipeline reference for scband-gnn-26139170963563 (READ-ONLY COPY).

The authoritative reference and input builder live on the scoring server;
editing this copy changes nothing except your own understanding.
"""

import jax, jax.numpy as jnp
import numpy as np

N = 10000
E = 320000
D = 128

def setup_inputs(seed: int = 0) -> dict:
    key = jax.random.key(seed)
    ks = jax.random.split(key, 8)
    x = jax.random.normal(ks[0], (N, D), dtype=jnp.float32)
    edge_index = jax.random.randint(ks[1], (2, E), 0, N)
    W1 = jax.random.normal(ks[2], (D, D), dtype=jnp.float32) * (1.0 / np.sqrt(D))
    b1 = jnp.zeros((D,), dtype=jnp.float32)
    W2 = jax.random.normal(ks[3], (D, D), dtype=jnp.float32) * (1.0 / np.sqrt(D))
    b2 = jnp.zeros((D,), dtype=jnp.float32)
    head_W = jax.random.normal(ks[4], (D, 1), dtype=jnp.float32) * (1.0 / np.sqrt(D))
    head_b = jnp.zeros((1,), dtype=jnp.float32)
    return {"node_features": x, "edge_index": edge_index, "W1": W1, "b1": b1, "W2": W2, "b2": b2, "head_W": head_W, "head_b": head_b}

def reference(node_features, edge_index, W1, b1, W2, b2, head_W, head_b):
    # Single-graph list: graphs = [{'node_features': x, 'adj': edge_index}]
    src = edge_index[0]
    dst = edge_index[1]

    def conv(X, W, b):
        # Message passing GCN-style conv: gather from src, scatter-add to dst, then linear + relu
        msgs = jnp.take(X, src, axis=0)
        agg = jax.ops.segment_sum(msgs, dst, num_segments=N)
        return jax.nn.relu(agg @ W + b)

    h = conv(node_features, W1, b1)
    # dropout is identity in eval mode (training=False)
    h = conv(h, W2, b2)
    # head: global mean pooling over nodes, then Linear(D, 1)
    pooled = jnp.mean(h, axis=0)
    yhat = pooled @ head_W + head_b
    # torch.stack([yhat]).squeeze() -> scalar
    return jnp.squeeze(yhat)

if __name__ == "__main__":
    import jax
    _d = setup_inputs()
    print(jax.jit(kernel)(*tuple(_d.values())))

</pallas_src>

<mosaic_0001>
#map = affine_map<(d0, d1) -> (0, 0, 0)>
#map1 = affine_map<(d0, d1) -> (0, 0)>
module attributes {stable_mosaic.version = 14 : i64} {
  func.func @seg(%arg0: i32, %arg1: i32, %arg2: memref<2x10000x64xf32, #tpu.memory_space<hbm>>, %arg3: memref<2560x128xi32, #tpu.memory_space<hbm>>, %arg4: memref<2560x128xi32, #tpu.memory_space<hbm>>, %arg5: memref<10112x64xf32, #tpu.memory_space<hbm>>, %arg6: memref<2x10000x64xf32, #tpu.memory_space<hbm>>, %arg7: memref<10000x64xf32, #tpu.memory_space<vmem_shared>>, %arg8: memref<10112x64xf32, #tpu.memory_space<vmem_shared>>, %arg9: memref<2x8x128xi32, #tpu.memory_space<vmem>>, %arg10: memref<2x8x128xi32, #tpu.memory_space<vmem>>, %arg11: memref<128x64xf32, #tpu.memory_space<vmem>>, %arg12: memref<128x64xf32, #tpu.memory_space<vmem>>, %arg13: memref<!tpu.dma_semaphore, #tpu.memory_space<semaphore_mem>>, %arg14: memref<!tpu.dma_semaphore, #tpu.memory_space<semaphore_mem>>, %arg15: memref<!tpu.dma_semaphore, #tpu.memory_space<semaphore_mem>>, %arg16: memref<!tpu.dma_semaphore, #tpu.memory_space<semaphore_mem>>) attributes {dimension_semantics = [#tpu.dimension_semantics<core_parallel>, #tpu.dimension_semantics<subcore_parallel>], iteration_bounds = array<i64: 2, 16>, scalar_prefetch = 0 : i64, scratch_operands = 10 : i64, tpu.core_type = #tpu.core_type<sc_vector_subcore>, window_params = [{transform_indices = #map}, {transform_indices = #map1}, {transform_indices = #map1}, {transform_indices = #map1}, {transform_indices = #map}]} {
    %mul3A = arith.constant 624 : i32
    %mul3A_0 = arith.muli %arg1, %mul3A : i32
    %mul3A_1 = arith.constant 624 : i32
    %mul3A_2 = arith.muli %arg1, %mul3A_1 : i32
    "tpu.region"() ({
      %run_scoped3A = tpu.sem_alloc : memref<!tpu.dma_semaphore, #tpu.memory_space<semaphore_mem>>
      %dma_start3A_53 = arith.constant 0 : i32
      %dma_start3A_54 = tpu.memref_slice %arg7[%mul3A_2, %dma_start3A_53] : memref<10000x64xf32, #tpu.memory_space<vmem_shared>> -> memref<624x64xf32, #tpu.memory_space<vmem_shared>>
      %dma_start3A_55 = arith.constant 0 : i32
      %dma_start3A_56 = tpu.memref_slice %arg2[%arg0, %mul3A_0, %dma_start3A_55] : memref<2x10000x64xf32, #tpu.memory_space<hbm>> -> memref<1x624x64xf32, #tpu.memory_space<hbm>>
      %dma_start3A_57 = tpu.memref_squeeze %dma_start3A_56 : memref<1x624x64xf32, #tpu.memory_space<hbm>> -> memref<624x64xf32, #tpu.memory_space<hbm>>
      tpu.enqueue_dma source(%dma_start3A_57 : memref<624x64xf32, #tpu.memory_space<hbm>>) target(%dma_start3A_54 : memref<624x64xf32, #tpu.memory_space<vmem_shared>>) target_semaphore(%run_scoped3A : memref<!tpu.dma_semaphore, #tpu.memory_space<semaphore_mem>>)
      %dma_wait3A = arith.constant 0 : i32
      %dma_wait3A_58 = tpu.memref_slice %arg7[%mul3A_2, %dma_wait3A] : memref<10000x64xf32, #tpu.memory_space<vmem_shared>> -> memref<624x64xf32, #tpu.memory_space<vmem_shared>>
      %dma_wait3A_59 = arith.constant 0 : i32
      %dma_wait3A_60 = tpu.memref_slice %arg2[%arg0, %mul3A_0, %dma_wait3A_59] : memref<2x10000x64xf32, #tpu.memory_space<hbm>> -> memref<1x624x64xf32, #tpu.memory_space<hbm>>
      %dma_wait3A_61 = tpu.memref_squeeze %dma_wait3A_60 : memref<1x624x64xf32, #tpu.memory_space<hbm>> -> memref<624x64xf32, #tpu.memory_space<hbm>>
      tpu.wait_dma2 semaphore(%run_scoped3A : memref<!tpu.dma_semaphore, #tpu.memory_space<semaphore_mem>>) src(%dma_wait3A_61 : memref<624x64xf32, #tpu.memory_space<hbm>>) dst(%dma_wait3A_58 : memref<624x64xf32, #tpu.memory_space<vmem_shared>>)
      tpu.yield
    }) : () -> ()
    %eq3A = arith.constant 15 : i32
    %eq3A_3 = arith.cmpi eq, %arg1, %eq3A : i32
    %convert_element_type3A = arith.extui %eq3A_3 : i1 to i32
    %cond3A = arith.constant 0 : i32
    %cond3A_4 = arith.cmpi ne, %convert_element_type3A, %cond3A : i32
    scf.if %cond3A_4 {
      "tpu.region"() ({
        %run_scoped3A = tpu.sem_alloc : memref<!tpu.dma_semaphore, #tpu.memory_space<semaphore_mem>>
        %dma_start3A_53 = arith.constant 9984 : i32
        %dma_start3A_54 = arith.constant 0 : i32
        %dma_start3A_55 = tpu.memref_slice %arg7[%dma_start3A_53, %dma_start3A_54] : memref<10000x64xf32, #tpu.memory_space<vmem_shared>> -> memref<16x64xf32, #tpu.memory_space<vmem_shared>>
        %dma_start3A_56 = arith.constant 9984 : i32
        %dma_start3A_57 = arith.constant 0 : i32
        %dma_start3A_58 = tpu.memref_slice %arg2[%arg0, %dma_start3A_56, %dma_start3A_57] : memref<2x10000x64xf32, #tpu.memory_space<hbm>> -> memref<1x16x64xf32, #tpu.memory_space<hbm>>
        %dma_start3A_59 = tpu.memref_squeeze %dma_start3A_58 : memref<1x16x64xf32, #tpu.memory_space<hbm>> -> memref<16x64xf32, #tpu.memory_space<hbm>>
        tpu.enqueue_dma source(%dma_start3A_59 : memref<16x64xf32, #tpu.memory_space<hbm>>) target(%dma_start3A_55 : memref<16x64xf32, #tpu.memory_space<vmem_shared>>) target_semaphore(%run_scoped3A : memref<!tpu.dma_semaphore, #tpu.memory_space<semaphore_mem>>)
        %dma_wait3A = arith.constant 9984 : i32
        %dma_wait3A_60 = arith.constant 0 : i32
        %dma_wait3A_61 = tpu.memref_slice %arg7[%dma_wait3A, %dma_wait3A_60] : memref<10000x64xf32, #tpu.memory_space<vmem_shared>> -> memref<16x64xf32, #tpu.memory_space<vmem_shared>>
        %dma_wait3A_62 = arith.constant 9984 : i32
        %dma_wait3A_63 = arith.constant 0 : i32
        %dma_wait3A_64 = tpu.memref_slice %arg2[%arg0, %dma_wait3A_62, %dma_wait3A_63] : memref<2x10000x64xf32, #tpu.memory_space<hbm>> -> memref<1x16x64xf32, #tpu.memory_space<hbm>>
        %dma_wait3A_65 = tpu.memref_squeeze %dma_wait3A_64 : memref<1x16x64xf32, #tpu.memory_space<hbm>> -> memref<16x64xf32, #tpu.memory_space<hbm>>
        tpu.wait_dma2 semaphore(%run_scoped3A : memref<!tpu.dma_semaphore, #tpu.memory_space<semaphore_mem>>) src(%dma_wait3A_65 : memref<16x64xf32, #tpu.memory_space<hbm>>) dst(%dma_wait3A_61 : memref<16x64xf32, #tpu.memory_space<vmem_shared>>)
        tpu.yield
      }) : () -> ()
    } else {
    }
    %mul3A_5 = arith.constant 632 : i32
    %mul3A_6 = arith.muli %arg1, %mul3A_5 : i32
    %mul3A_7 = arith.constant 632 : i32
    %mul3A_8 = arith.muli %arg1, %mul3A_7 : i32
    "tpu.region"() ({
      %run_scoped3A = tpu.sem_alloc : memref<!tpu.dma_semaphore, #tpu.memory_space<semaphore_mem>>
      %dma_start3A_53 = arith.constant 0 : i32
      %dma_start3A_54 = tpu.memref_slice %arg8[%mul3A_8, %dma_start3A_53] : memref<10112x64xf32, #tpu.memory_space<vmem_shared>> -> memref<632x64xf32, #tpu.memory_space<vmem_shared>>
      %dma_start3A_55 = arith.constant 0 : i32
      %dma_start3A_56 = tpu.memref_slice %arg5[%mul3A_6, %dma_start3A_55] : memref<10112x64xf32, #tpu.memory_space<hbm>> -> memref<632x64xf32, #tpu.memory_space<hbm>>
      tpu.enqueue_dma source(%dma_start3A_56 : memref<632x64xf32, #tpu.memory_space<hbm>>) target(%dma_start3A_54 : memref<632x64xf32, #tpu.memory_space<vmem_shared>>) target_semaphore(%run_scoped3A : memref<!tpu.dma_semaphore, #tpu.memory_space<semaphore_mem>>)
      %dma_wait3A = arith.constant 0 : i32
      %dma_wait3A_57 = tpu.memref_slice %arg8[%mul3A_8, %dma_wait3A] : memref<10112x64xf32, #tpu.memory_space<vmem_shared>> -> memref<632x64xf32, #tpu.memory_space<vmem_shared>>
      %dma_wait3A_58 = arith.constant 0 : i32
      %dma_wait3A_59 = tpu.memref_slice %arg5[%mul3A_6, %dma_wait3A_58] : memref<10112x64xf32, #tpu.memory_space<hbm>> -> memref<632x64xf32, #tpu.memory_space<hbm>>
      tpu.wait_dma2 semaphore(%run_scoped3A : memref<!tpu.dma_semaphore, #tpu.memory_space<semaphore_mem>>) src(%dma_wait3A_59 : memref<632x64xf32, #tpu.memory_space<hbm>>) dst(%dma_wait3A_57 : memref<632x64xf32, #tpu.memory_space<vmem_shared>>)
      tpu.yield
    }) : () -> ()
    %barrier3A = arith.constant 0 : index
    tpu.barrier barrier_id(%barrier3A)
    %mul3A_9 = arith.constant 160 : i32
    %mul3A_10 = arith.muli %arg1, %mul3A_9 : i32
    %dma_start3A = arith.constant 0 : i32
    %dma_start3A_11 = arith.constant 0 : i32
    %dma_start3A_12 = arith.constant 0 : i32
    %dma_start3A_13 = tpu.memref_slice %arg9[%dma_start3A, %dma_start3A_11, %dma_start3A_12] : memref<2x8x128xi32, #tpu.memory_space<vmem>> -> memref<1x8x128xi32, #tpu.memory_space<vmem>>
    %dma_start3A_14 = tpu.memref_squeeze %dma_start3A_13 : memref<1x8x128xi32, #tpu.memory_space<vmem>> -> memref<8x128xi32, #tpu.memory_space<vmem>>
    %dma_start3A_15 = arith.constant 0 : i32
    %dma_start3A_16 = tpu.memref_slice %arg3[%mul3A_10, %dma_start3A_15] : memref<2560x128xi32, #tpu.memory_space<hbm>> -> memref<8x128xi32, #tpu.memory_space<hbm>>
    %dma_start3A_17 = arith.constant 0 : i32
    %dma_start3A_18 = arith.constant 0 : i32
    %dma_start3A_19 = tpu.memref_slice %arg9[%dma_start3A, %dma_start3A_17, %dma_start3A_18] : memref<2x8x128xi32, #tpu.memory_space<vmem>> -> memref<1x8x128xi32, #tpu.memory_space<vmem>>
    %dma_start3A_20 = tpu.memref_squeeze %dma_start3A_19 : memref<1x8x128xi32, #tpu.memory_space<vmem>> -> memref<8x128xi32, #tpu.memory_space<vmem>>
    %dma_start3A_21 = arith.constant 0 : i32
    %dma_start3A_22 = tpu.memref_slice %arg3[%mul3A_10, %dma_start3A_21] : memref<2560x128xi32, #tpu.memory_space<hbm>> -> memref<8x128xi32, #tpu.memory_space<hbm>>
    tpu.enqueue_dma source(%dma_start3A_22 : memref<8x128xi32, #tpu.memory_space<hbm>>) target(%dma_start3A_20 : memref<8x128xi32, #tpu.memory_space<vmem>>) target_semaphore(%arg15 : memref<!tpu.dma_semaphore, #tpu.memory_space<semaphore_mem>>)
    %mul3A_23 = arith.constant 160 : i32
    %mul3A_24 = arith.muli %arg1, %mul3A_23 : i32
    %dma_start3A_25 = arith.constant 0 : i32
    %dma_start3A_26 = arith.constant 0 : i32
    %dma_start3A_27 = arith.constant 0 : i32
    %dma_start3A_28 = tpu.memref_slice %arg10[%dma_start3A_25, %dma_start3A_26, %dma_start3A_27] : memref<2x8x128xi32, #tpu.memory_space<vmem>> -> memref<1x8x128xi32, #tpu.memory_space<vmem>>
    %dma_start3A_29 = tpu.memref_squeeze %dma_start3A_28 : memref<1x8x128xi32, #tpu.memory_space<vmem>> -> memref<8x128xi32, #tpu.memory_space<vmem>>
    %dma_start3A_30 = arith.constant 0 : i32
    %dma_start3A_31 = tpu.memref_slice %arg4[%mul3A_24, %dma_start3A_30] : memref<2560x128xi32, #tpu.memory_space<hbm>> -> memref<8x128xi32, #tpu.memory_space<hbm>>
    %dma_start3A_32 = arith.constant 0 : i32
    %dma_start3A_33 = arith.constant 0 : i32
    %dma_start3A_34 = tpu.memref_slice %arg10[%dma_start3A_25, %dma_start3A_32, %dma_start3A_33] : memref<2x8x128xi32, #tpu.memory_space<vmem>> -> memref<1x8x128xi32, #tpu.memory_space<vmem>>
    %dma_start3A_35 = tpu.memref_squeeze %dma_start3A_34 : memref<1x8x128xi32, #tpu.memory_space<vmem>> -> memref<8x128xi32, #tpu.memory_space<vmem>>
    %dma_start3A_36 = arith.constant 0 : i32
    %dma_start3A_37 = tpu.memref_slice %arg4[%mul3A_24, %dma_start3A_36] : memref<2560x128xi32, #tpu.memory_space<hbm>> -> memref<8x128xi32, #tpu.memory_space<hbm>>
    tpu.enqueue_dma source(%dma_start3A_37 : memref<8x128xi32, #tpu.memory_space<hbm>>) target(%dma_start3A_35 : memref<8x128xi32, #tpu.memory_space<vmem>>) target_semaphore(%arg16 : memref<!tpu.dma_semaphore, #tpu.memory_space<semaphore_mem>>)
    %scan3A = arith.constant 0 : i32
    %scan3A_38 = arith.constant 0 : i32
    %scan3A_39 = arith.constant 20 : i32
    %scan3A_40 = arith.addi %scan3A_38, %scan3A_39 : i32
    %scan3A_41 = arith.constant 1 : i32
    scf.for %scan3A_53 = %scan3A_38 to %scan3A_40 step %scan3A_41  : i32 {
      %rem3A = arith.constant 2 : i32
      %rem3A_54 = arith.remsi %scan3A_53, %rem3A : i32
      %mul3A_55 = arith.constant 160 : i32
      %mul3A_56 = arith.muli %arg1, %mul3A_55 : i32
      %dma_wait3A = arith.constant 0 : i32
      %dma_wait3A_57 = arith.constant 0 : i32
      %dma_wait3A_58 = tpu.memref_slice %arg9[%rem3A_54, %dma_wait3A, %dma_wait3A_57] : memref<2x8x128xi32, #tpu.memory_space<vmem>> -> memref<1x8x128xi32, #tpu.memory_space<vmem>>
      %dma_wait3A_59 = tpu.memref_squeeze %dma_wait3A_58 : memref<1x8x128xi32, #tpu.memory_space<vmem>> -> memref<8x128xi32, #tpu.memory_space<vmem>>
      %dma_wait3A_60 = arith.constant 0 : i32
      %dma_wait3A_61 = tpu.memref_slice %arg3[%mul3A_56, %dma_wait3A_60] : memref<2560x128xi32, #tpu.memory_space<hbm>> -> memref<8x128xi32, #tpu.memory_space<hbm>>
      %dma_wait3A_62 = arith.constant 0 : i32
      %dma_wait3A_63 = arith.constant 0 : i32
      %dma_wait3A_64 = tpu.memref_slice %arg9[%rem3A_54, %dma_wait3A_62, %dma_wait3A_63] : memref<2x8x128xi32, #tpu.memory_space<vmem>> -> memref<1x8x128xi32, #tpu.memory_space<vmem>>
      %dma_wait3A_65 = tpu.memref_squeeze %dma_wait3A_64 : memref<1x8x128xi32, #tpu.memory_space<vmem>> -> memref<8x128xi32, #tpu.memory_space<vmem>>
      %dma_wait3A_66 = arith.constant 0 : i32
      %dma_wait3A_67 = tpu.memref_slice %arg3[%mul3A_56, %dma_wait3A_66] : memref<2560x128xi32, #tpu.memory_space<hbm>> -> memref<8x128xi32, #tpu.memory_space<hbm>>
      tpu.wait_dma2 semaphore(%arg15 : memref<!tpu.dma_semaphore, #tpu.memory_space<semaphore_mem>>) src(%dma_wait3A_67 : memref<8x128xi32, #tpu.memory_space<hbm>>) dst(%dma_wait3A_65 : memref<8x128xi32, #tpu.memory_space<vmem>>)
      %mul3A_68 = arith.constant 160 : i32
      %mul3A_69 = arith.muli %arg1, %mul3A_68 : i32
      %dma_wait3A_70 = arith.constant 0 : i32
      %dma_wait3A_71 = arith.constant 0 : i32
      %dma_wait3A_72 = tpu.memref_slice %arg10[%rem3A_54, %dma_wait3A_70, %dma_wait3A_71] : memref<2x8x128xi32, #tpu.memory_space<vmem>> -> memref<1x8x128xi32, #tpu.memory_space<vmem>>
      %dma_wait3A_73 = tpu.memref_squeeze %dma_wait3A_72 : memref<1x8x128xi32, #tpu.memory_space<vmem>> -> memref<8x128xi32, #tpu.memory_space<vmem>>
      %dma_wait3A_74 = arith.constant 0 : i32
      %dma_wait3A_75 = tpu.memref_slice %arg4[%mul3A_69, %dma_wait3A_74] : memref<2560x128xi32, #tpu.memory_space<hbm>> -> memref<8x128xi32, #tpu.memory_space<hbm>>
      %dma_wait3A_76 = arith.constant 0 : i32
      %dma_wait3A_77 = arith.constant 0 : i32
      %dma_wait3A_78 = tpu.memref_slice %arg10[%rem3A_54, %dma_wait3A_76, %dma_wait3A_77] : memref<2x8x128xi32, #tpu.memory_space<vmem>> -> memref<1x8x128xi32, #tpu.memory_space<vmem>>
      %dma_wait3A_79 = tpu.memref_squeeze %dma_wait3A_78 : memref<1x8x128xi32, #tpu.memory_space<vmem>> -> memref<8x128xi32, #tpu.memory_space<vmem>>
      %dma_wait3A_80 = arith.constant 0 : i32
      %dma_wait3A_81 = tpu.memref_slice %arg4[%mul3A_69, %dma_wait3A_80] : memref<2560x128xi32, #tpu.memory_space<hbm>> -> memref<8x128xi32, #tpu.memory_space<hbm>>
      tpu.wait_dma2 semaphore(%arg16 : memref<!tpu.dma_semaphore, #tpu.memory_space<semaphore_mem>>) src(%dma_wait3A_81 : memref<8x128xi32, #tpu.memory_space<hbm>>) dst(%dma_wait3A_79 : memref<8x128xi32, #tpu.memory_space<vmem>>)
      %add3A = arith.constant 1 : i32
      %add3A_82 = arith.addi %scan3A_53, %add3A : i32
      %lt3A = arith.constant 20 : i32
      %lt3A_83 = arith.cmpi slt, %add3A_82, %lt3A : i32
      %convert_element_type3A_84 = arith.extui %lt3A_83 : i1 to i32
      %cond3A_85 = arith.constant 0 : i32
      %cond3A_86 = arith.cmpi ne, %convert_element_type3A_84, %cond3A_85 : i32
      scf.if %cond3A_86 {
        %mul3A_270 = arith.constant 160 : i32
        %mul3A_271 = arith.muli %arg1, %mul3A_270 : i32
        %add3A_272 = arith.constant 1 : i32
        %add3A_273 = arith.addi %scan3A_53, %add3A_272 : i32
        %mul3A_274 = arith.constant 8 : i32
        %mul3A_275 = arith.muli %add3A_273, %mul3A_274 : i32
        %add3A_276 = arith.addi %mul3A_271, %mul3A_275 : i32
        %sub3A = arith.constant 1 : i32
        %sub3A_277 = arith.subi %sub3A, %rem3A_54 : i32
        %dma_start3A_278 = arith.constant 0 : i32
        %dma_start3A_279 = arith.constant 0 : i32
        %dma_start3A_280 = tpu.memref_slice %arg9[%sub3A_277, %dma_start3A_278, %dma_start3A_279] : memref<2x8x128xi32, #tpu.memory_space<vmem>> -> memref<1x8x128xi32, #tpu.memory_space<vmem>>
        %dma_start3A_281 = tpu.memref_squeeze %dma_start3A_280 : memref<1x8x128xi32, #tpu.memory_space<vmem>> -> memref<8x128xi32, #tpu.memory_space<vmem>>
        %dma_start3A_282 = arith.constant 0 : i32
        %dma_start3A_283 = tpu.memref_slice %arg3[%add3A_276, %dma_start3A_282] : memref<2560x128xi32, #tpu.memory_space<hbm>> -> memref<8x128xi32, #tpu.memory_space<hbm>>
        %dma_start3A_284 = arith.constant 0 : i32
        %dma_start3A_285 = arith.constant 0 : i32
        %dma_start3A_286 = tpu.memref_slice %arg9[%sub3A_277, %dma_start3A_284, %dma_start3A_285] : memref<2x8x128xi32, #tpu.memory_space<vmem>> -> memref<1x8x128xi32, #tpu.memory_space<vmem>>
        %dma_start3A_287 = tpu.memref_squeeze %dma_start3A_286 : memref<1x8x128xi32, #tpu.memory_space<vmem>> -> memref<8x128xi32, #tpu.memory_space<vmem>>
        %dma_start3A_288 = arith.constant 0 : i32
        %dma_start3A_289 = tpu.memref_slice %arg3[%add3A_276, %dma_start3A_288] : memref<2560x128xi32, #tpu.memory_space<hbm>> -> memref<8x128xi32, #tpu.memory_space<hbm>>
        tpu.enqueue_dma source(%dma_start3A_289 : memref<8x128xi32, #tpu.memory_space<hbm>>) target(%dma_start3A_287 : memref<8x128xi32, #tpu.memory_space<vmem>>) target_semaphore(%arg15 : memref<!tpu.dma_semaphore, #tpu.memory_space<semaphore_mem>>)
        %sub3A_290 = arith.constant 1 : i32
        %sub3A_291 = arith.subi %sub3A_290, %rem3A_54 : i32
        %dma_start3A_292 = arith.constant 0 : i32
        %dma_start3A_293 = arith.constant 0 : i32
        %dma_start3A_294 = tpu.memref_slice %arg10[%sub3A_291, %dma_start3A_292, %dma_start3A_293] : memref<2x8x128xi32, #tpu.memory_space<vmem>> -> memref<1x8x128xi32, #tpu.memory_space<vmem>>
        %dma_start3A_295 = tpu.memref_squeeze %dma_start3A_294 : memref<1x8x128xi32, #tpu.memory_space<vmem>> -> memref<8x128xi32, #tpu.memory_space<vmem>>
        %dma_start3A_296 = arith.constant 0 : i32
        %dma_start3A_297 = tpu.memref_slice %arg4[%add3A_276, %dma_start3A_296] : memref<2560x128xi32, #tpu.memory_space<hbm>> -> memref<8x128xi32, #tpu.memory_space<hbm>>
        %dma_start3A_298 = arith.constant 0 : i32
        %dma_start3A_299 = arith.constant 0 : i32
        %dma_start3A_300 = tpu.memref_slice %arg10[%sub3A_291, %dma_start3A_298, %dma_start3A_299] : memref<2x8x128xi32, #tpu.memory_space<vmem>> -> memref<1x8x128xi32, #tpu.memory_space<vmem>>
        %dma_start3A_301 = tpu.memref_squeeze %dma_start3A_300 : memref<1x8x128xi32, #tpu.memory_space<vmem>> -> memref<8x128xi32, #tpu.memory_space<vmem>>
        %dma_start3A_302 = arith.constant 0 : i32
        %dma_start3A_303 = tpu.memref_slice %arg4[%add3A_276, %dma_start3A_302] : memref<2560x128xi32, #tpu.memory_space<hbm>> -> memref<8x128xi32, #tpu.memory_space<hbm>>
        tpu.enqueue_dma source(%dma_start3A_303 : memref<8x128xi32, #tpu.memory_space<hbm>>) target(%dma_start3A_301 : memref<8x128xi32, #tpu.memory_space<vmem>>) target_semaphore(%arg16 : memref<!tpu.dma_semaphore, #tpu.memory_space<semaphore_mem>>)
      } else {
      }
      %dma_start3A_87 = arith.constant 0 : i32
      %dma_start3A_88 = arith.constant 0 : i32
      %dma_start3A_89 = arith.constant 0 : i32
      %dma_start3A_90 = tpu.memref_slice %arg9[%rem3A_54, %dma_start3A_88, %dma_start3A_89] : memref<2x8x128xi32, #tpu.memory_space<vmem>> -> memref<1x8x128xi32, #tpu.memory_space<vmem>>
      %dma_start3A_91 = tpu.memref_squeeze %dma_start3A_90 : memref<1x8x128xi32, #tpu.memory_space<vmem>> -> memref<8x128xi32, #tpu.memory_space<vmem>>
      %dma_start3A_92 = arith.constant 0 : i32
      %dma_start3A_93 = tpu.memref_slice %dma_start3A_91[%dma_start3A_87, %dma_start3A_92] : memref<8x128xi32, #tpu.memory_space<vmem>> -> memref<1x128xi32, #tpu.memory_space<vmem>>
      %dma_start3A_94 = tpu.memref_squeeze %dma_start3A_93 : memref<1x128xi32, #tpu.memory_space<vmem>> -> memref<128xi32, #tpu.memory_space<vmem>>
      %dma_start3A_95 = arith.constant 0 : i32
      %dma_start3A_96 = arith.constant 0 : i32
      %dma_start3A_97 = tpu.memref_slice %arg7[%dma_start3A_95, %dma_start3A_96] : memref<10000x64xf32, #tpu.memory_space<vmem_shared>> -> memref<10000x64xf32, #tpu.memory_space<vmem_shared>>
      tpu.enqueue_indirect_dma source(%dma_start3A_97 : memref<10000x64xf32, #tpu.memory_space<vmem_shared>>) target(%arg11 : memref<128x64xf32, #tpu.memory_space<vmem>>) offsets(%dma_start3A_94 : memref<128xi32, #tpu.memory_space<vmem>>) semaphore(%arg13 : memref<!tpu.dma_semaphore, #tpu.memory_space<semaphore_mem>>)
      %dma_wait3A_98 = arith.constant 0 : i32
      %dma_wait3A_99 = arith.constant 0 : i32
      %dma_wait3A_100 = arith.constant 0 : i32
      %dma_wait3A_101 = tpu.memref_slice %arg9[%rem3A_54, %dma_wait3A_99, %dma_wait3A_100] : memref<2x8x128xi32, #tpu.memory_space<vmem>> -> memref<1x8x128xi32, #tpu.memory_space<vmem>>
      %dma_wait3A_102 = tpu.memref_squeeze %dma_wait3A_101 : memref<1x8x128xi32, #tpu.memory_space<vmem>> -> memref<8x128xi32, #tpu.memory_space<vmem>>
      %dma_wait3A_103 = arith.constant 0 : i32
      %dma_wait3A_104 = tpu.memref_slice %dma_wait3A_102[%dma_wait3A_98, %dma_wait3A_103] : memref<8x128xi32, #tpu.memory_space<vmem>> -> memref<1x128xi32, #tpu.memory_space<vmem>>
      %dma_wait3A_105 = tpu.memref_squeeze %dma_wait3A_104 : memref<1x128xi32, #tpu.memory_space<vmem>> -> memref<128xi32, #tpu.memory_space<vmem>>
      %dma_wait3A_106 = arith.constant 0 : i32
      %dma_wait3A_107 = arith.constant 0 : i32
      %dma_wait3A_108 = tpu.memref_slice %arg7[%dma_wait3A_106, %dma_wait3A_107] : memref<10000x64xf32, #tpu.memory_space<vmem_shared>> -> memref<10000x64xf32, #tpu.memory_space<vmem_shared>>
      tpu.wait_indirect_dma semaphore(%arg13 : memref<!tpu.dma_semaphore, #tpu.memory_space<semaphore_mem>>) src(%dma_wait3A_108 : memref<10000x64xf32, #tpu.memory_space<vmem_shared>>) dst(%arg11 : memref<128x64xf32, #tpu.memory_space<vmem>>)
      %dma_start3A_109 = arith.constant 1 : i32
      %dma_start3A_110 = arith.constant 0 : i32
      %dma_start3A_111 = arith.constant 0 : i32
      %dma_start3A_112 = tpu.memref_slice %arg9[%rem3A_54, %dma_start3A_110, %dma_start3A_111] : memref<2x8x128xi32, #tpu.memory_space<vmem>> -> memref<1x8x128xi32, #tpu.memory_space<vmem>>
      %dma_start3A_113 = tpu.memref_squeeze %dma_start3A_112 : memref<1x8x128xi32, #tpu.memory_space<vmem>> -> memref<8x128xi32, #tpu.memory_space<vmem>>
      %dma_start3A_114 = arith.constant 0 : i32
      %dma_start3A_115 = tpu.memref_slice %dma_start3A_113[%dma_start3A_109, %dma_start3A_114] : memref<8x128xi32, #tpu.memory_space<vmem>> -> memref<1x128xi32, #tpu.memory_space<vmem>>
      %dma_start3A_116 = tpu.memref_squeeze %dma_start3A_115 : memref<1x128xi32, #tpu.memory_space<vmem>> -> memref<128xi32, #tpu.memory_space<vmem>>
      %dma_start3A_117 = arith.constant 0 : i32
      %dma_start3A_118 = arith.constant 0 : i32
      %dma_start3A_119 = tpu.memref_slice %arg7[%dma_start3A_117, %dma_start3A_118] : memref<10000x64xf32, #tpu.memory_space<vmem_shared>> -> memref<10000x64xf32, #tpu.memory_space<vmem_shared>>
      tpu.enqueue_indirect_dma source(%dma_start3A_119 : memref<10000x64xf32, #tpu.memory_space<vmem_shared>>) target(%arg12 : memref<128x64xf32, #tpu.memory_space<vmem>>) offsets(%dma_start3A_116 : memref<128xi32, #tpu.memory_space<vmem>>) semaphore(%arg14 : memref<!tpu.dma_semaphore, #tpu.memory_space<semaphore_mem>>)
      %run_scoped3A = arith.constant 0 : i32
      "tpu.region"() ({
        %run_scoped3A_270 = tpu.sem_alloc : memref<!tpu.dma_semaphore, #tpu.memory_space<semaphore_mem>>
        %dma_start3A_271 = arith.constant 0 : i32
        %dma_start3A_272 = arith.constant 0 : i32
        %dma_start3A_273 = tpu.memref_slice %arg10[%rem3A_54, %dma_start3A_271, %dma_start3A_272] : memref<2x8x128xi32, #tpu.memory_space<vmem>> -> memref<1x8x128xi32, #tpu.memory_space<vmem>>
        %dma_start3A_274 = tpu.memref_squeeze %dma_start3A_273 : memref<1x8x128xi32, #tpu.memory_space<vmem>> -> memref<8x128xi32, #tpu.memory_space<vmem>>
        %dma_start3A_275 = arith.constant 0 : i32
        %dma_start3A_276 = tpu.memref_slice %dma_start3A_274[%run_scoped3A, %dma_start3A_275] : memref<8x128xi32, #tpu.memory_space<vmem>> -> memref<1x128xi32, #tpu.memory_space<vmem>>
        %dma_start3A_277 = tpu.memref_squeeze %dma_start3A_276 : memref<1x128xi32, #tpu.memory_space<vmem>> -> memref<128xi32, #tpu.memory_space<vmem>>
        %dma_start3A_278 = arith.constant 0 : i32
        %dma_start3A_279 = arith.constant 0 : i32
        %dma_start3A_280 = tpu.memref_slice %arg8[%dma_start3A_278, %dma_start3A_279] : memref<10112x64xf32, #tpu.memory_space<vmem_shared>> -> memref<10112x64xf32, #tpu.memory_space<vmem_shared>>
        tpu.enqueue_indirect_dma source(%arg11 : memref<128x64xf32, #tpu.memory_space<vmem>>) target(%dma_start3A_280 : memref<10112x64xf32, #tpu.memory_space<vmem_shared>>) offsets(%dma_start3A_277 : memref<128xi32, #tpu.memory_space<vmem>>) semaphore(%run_scoped3A_270 : memref<!tpu.dma_semaphore, #tpu.memory_space<semaphore_mem>>) {add = true}
        %dma_wait3A_281 = arith.constant 0 : i32
        %dma_wait3A_282 = arith.constant 0 : i32
        %dma_wait3A_283 = tpu.memref_slice %arg10[%rem3A_54, %dma_wait3A_281, %dma_wait3A_282] : memref<2x8x128xi32, #tpu.memory_space<vmem>> -> memref<1x8x128xi32, #tpu.memory_space<vmem>>
        %dma_wait3A_284 = tpu.memref_squeeze %dma_wait3A_283 : memref<1x8x128xi32, #tpu.memory_space<vmem>> -> memref<8x128xi32, #tpu.memory_space<vmem>>
        %dma_wait3A_285 = arith.constant 0 : i32
        %dma_wait3A_286 = tpu.memref_slice %dma_wait3A_284[%run_scoped3A, %dma_wait3A_285] : memref<8x128xi32, #tpu.memory_space<vmem>> -> memref<1x128xi32, #tpu.memory_space<vmem>>
        %dma_wait3A_287 = tpu.memref_squeeze %dma_wait3A_286 : memref<1x128xi32, #tpu.memory_space<vmem>> -> memref<128xi32, #tpu.memory_space<vmem>>
        %dma_wait3A_288 = arith.constant 0 : i32
        %dma_wait3A_289 = arith.constant 0 : i32
        %dma_wait3A_290 = tpu.memref_slice %arg8[%dma_wait3A_288, %dma_wait3A_289] : memref<10112x64xf32, #tpu.memory_space<vmem_shared>> -> memref<10112x64xf32, #tpu.memory_space<vmem_shared>>
        tpu.wait_indirect_dma semaphore(%run_scoped3A_270 : memref<!tpu.dma_semaphore, #tpu.memory_space<semaphore_mem>>) src(%arg11 : memref<128x64xf32, #tpu.memory_space<vmem>>) dst(%dma_wait3A_290 : memref<10112x64xf32, #tpu.memory_space<vmem_shared>>)
        tpu.yield
      }) : () -> ()
      %dma_wait3A_120 = arith.constant 1 : i32
      %dma_wait3A_121 = arith.constant 0 : i32
      %dma_wait3A_122 = arith.constant 0 : i32
      %dma_wait3A_123 = tpu.memref_slice %arg9[%rem3A_54, %dma_wait3A_121, %dma_wait3A_122] : memref<2x8x128xi32, #tpu.memory_space<vmem>> -> memref<1x8x128xi32, #tpu.memory_space<vmem>>
      %dma_wait3A_124 = tpu.memref_squeeze %dma_wait3A_123 : memref<1x8x128xi32, #tpu.memory_space<vmem>> -> memref<8x128xi32, #tpu.memory_space<vmem>>
      %dma_wait3A_125 = arith.constant 0 : i32
      %dma_wait3A_126 = tpu.memref_slice %dma_wait3A_124[%dma_wait3A_120, %dma_wait3A_125] : memref<8x128xi32, #tpu.memory_space<vmem>> -> memref<1x128xi32, #tpu.memory_space<vmem>>
      %dma_wait3A_127 = tpu.memref_squeeze %dma_wait3A_126 : memref<1x128xi32, #tpu.memory_space<vmem>> -> memref<128xi32, #tpu.memory_space<vmem>>
      %dma_wait3A_128 = arith.constant 0 : i32
      %dma_wait3A_129 = arith.constant 0 : i32
      %dma_wait3A_130 = tpu.memref_slice %arg7[%dma_wait3A_128, %dma_wait3A_129] : memref<10000x64xf32, #tpu.memory_space<vmem_shared>> -> memref<10000x64xf32, #tpu.memory_space<vmem_shared>>
      tpu.wait_indirect_dma semaphore(%arg14 : memref<!tpu.dma_semaphore, #tpu.memory_space<semaphore_mem>>) src(%dma_wait3A_130 : memref<10000x64xf32, #tpu.memory_space<vmem_shared>>) dst(%arg12 : memref<128x64xf32, #tpu.memory_space<vmem>>)
      %dma_start3A_131 = arith.constant 2 : i32
      %dma_start3A_132 = arith.constant 0 : i32
      %dma_start3A_133 = arith.constant 0 : i32
      %dma_start3A_134 = tpu.memref_slice %arg9[%rem3A_54, %dma_start3A_132, %dma_start3A_133] : memref<2x8x128xi32, #tpu.memory_space<vmem>> -> memref<1x8x128xi32, #tpu.memory_space<vmem>>
      %dma_start3A_135 = tpu.memref_squeeze %dma_start3A_134 : memref<1x8x128xi32, #tpu.memory_space<vmem>> -> memref<8x128xi32, #tpu.memory_space<vmem>>
      %dma_start3A_136 = arith.constant 0 : i32
      %dma_start3A_137 = tpu.memref_slice %dma_start3A_135[%dma_start3A_131, %dma_start3A_136] : memref<8x128xi32, #tpu.memory_space<vmem>> -> memref<1x128xi32, #tpu.memory_space<vmem>>
      %dma_start3A_138 = tpu.memref_squeeze %dma_start3A_137 : memref<1x128xi32, #tpu.memory_space<vmem>> -> memref<128xi32, #tpu.memory_space<vmem>>
      %dma_start3A_139 = arith.constant 0 : i32
      %dma_start3A_140 = arith.constant 0 : i32
      %dma_start3A_141 = tpu.memref_slice %arg7[%dma_start3A_139, %dma_start3A_140] : memref<10000x64xf32, #tpu.memory_space<vmem_shared>> -> memref<10000x64xf32, #tpu.memory_space<vmem_shared>>
      tpu.enqueue_indirect_dma source(%dma_start3A_141 : memref<10000x64xf32, #tpu.memory_space<vmem_shared>>) target(%arg11 : memref<128x64xf32, #tpu.memory_space<vmem>>) offsets(%dma_start3A_138 : memref<128xi32, #tpu.memory_space<vmem>>) semaphore(%arg13 : memref<!tpu.dma_semaphore, #tpu.memory_space<semaphore_mem>>)
      %run_scoped3A_142 = arith.constant 1 : i32
      "tpu.region"() ({
        %run_scoped3A_270 = tpu.sem_alloc : memref<!tpu.dma_semaphore, #tpu.memory_space<semaphore_mem>>
        %dma_start3A_271 = arith.constant 0 : i32
        %dma_start3A_272 = arith.constant 0 : i32
        %dma_start3A_273 = tpu.memref_slice %arg10[%rem3A_54, %dma_start3A_271, %dma_start3A_272] : memref<2x8x128xi32, #tpu.memory_space<vmem>> -> memref<1x8x128xi32, #tpu.memory_space<vmem>>
        %dma_start3A_274 = tpu.memref_squeeze %dma_start3A_273 : memref<1x8x128xi32, #tpu.memory_space<vmem>> -> memref<8x128xi32, #tpu.memory_space<vmem>>
        %dma_start3A_275 = arith.constant 0 : i32
        %dma_start3A_276 = tpu.memref_slice %dma_start3A_274[%run_scoped3A_142, %dma_start3A_275] : memref<8x128xi32, #tpu.memory_space<vmem>> -> memref<1x128xi32, #tpu.memory_space<vmem>>
        %dma_start3A_277 = tpu.memref_squeeze %dma_start3A_276 : memref<1x128xi32, #tpu.memory_space<vmem>> -> memref<128xi32, #tpu.memory_space<vmem>>
        %dma_start3A_278 = arith.constant 0 : i32
        %dma_start3A_279 = arith.constant 0 : i32
        %dma_start3A_280 = tpu.memref_slice %arg8[%dma_start3A_278, %dma_start3A_279] : memref<10112x64xf32, #tpu.memory_space<vmem_shared>> -> memref<10112x64xf32, #tpu.memory_space<vmem_shared>>
        tpu.enqueue_indirect_dma source(%arg12 : memref<128x64xf32, #tpu.memory_space<vmem>>) target(%dma_start3A_280 : memref<10112x64xf32, #tpu.memory_space<vmem_shared>>) offsets(%dma_start3A_277 : memref<128xi32, #tpu.memory_space<vmem>>) semaphore(%run_scoped3A_270 : memref<!tpu.dma_semaphore, #tpu.memory_space<semaphore_mem>>) {add = true}
        %dma_wait3A_281 = arith.constant 0 : i32
        %dma_wait3A_282 = arith.constant 0 : i32
        %dma_wait3A_283 = tpu.memref_slice %arg10[%rem3A_54, %dma_wait3A_281, %dma_wait3A_282] : memref<2x8x128xi32, #tpu.memory_space<vmem>> -> memref<1x8x128xi32, #tpu.memory_space<vmem>>
        %dma_wait3A_284 = tpu.memref_squeeze %dma_wait3A_283 : memref<1x8x128xi32, #tpu.memory_space<vmem>> -> memref<8x128xi32, #tpu.memory_space<vmem>>
        %dma_wait3A_285 = arith.constant 0 : i32
        %dma_wait3A_286 = tpu.memref_slice %dma_wait3A_284[%run_scoped3A_142, %dma_wait3A_285] : memref<8x128xi32, #tpu.memory_space<vmem>> -> memref<1x128xi32, #tpu.memory_space<vmem>>
        %dma_wait3A_287 = tpu.memref_squeeze %dma_wait3A_286 : memref<1x128xi32, #tpu.memory_space<vmem>> -> memref<128xi32, #tpu.memory_space<vmem>>
        %dma_wait3A_288 = arith.constant 0 : i32
        %dma_wait3A_289 = arith.constant 0 : i32
        %dma_wait3A_290 = tpu.memref_slice %arg8[%dma_wait3A_288, %dma_wait3A_289] : memref<10112x64xf32, #tpu.memory_space<vmem_shared>> -> memref<10112x64xf32, #tpu.memory_space<vmem_shared>>
        tpu.wait_indirect_dma semaphore(%run_scoped3A_270 : memref<!tpu.dma_semaphore, #tpu.memory_space<semaphore_mem>>) src(%arg12 : memref<128x64xf32, #tpu.memory_space<vmem>>) dst(%dma_wait3A_290 : memref<10112x64xf32, #tpu.memory_space<vmem_shared>>)
        tpu.yield
      }) : () -> ()
      %dma_wait3A_143 = arith.constant 2 : i32
      %dma_wait3A_144 = arith.constant 0 : i32
      %dma_wait3A_145 = arith.constant 0 : i32
      %dma_wait3A_146 = tpu.memref_slice %arg9[%rem3A_54, %dma_wait3A_144, %dma_wait3A_145] : memref<2x8x128xi32, #tpu.memory_space<vmem>> -> memref<1x8x128xi32, #tpu.memory_space<vmem>>
      %dma_wait3A_147 = tpu.memref_squeeze %dma_wait3A_146 : memref<1x8x128xi32, #tpu.memory_space<vmem>> -> memref<8x128xi32, #tpu.memory_space<vmem>>
      %dma_wait3A_148 = arith.constant 0 : i32
      %dma_wait3A_149 = tpu.memref_slice %dma_wait3A_147[%dma_wait3A_143, %dma_wait3A_148] : memref<8x128xi32, #tpu.memory_space<vmem>> -> memref<1x128xi32, #tpu.memory_space<vmem>>
      %dma_wait3A_150 = tpu.memref_squeeze %dma_wait3A_149 : memref<1x128xi32, #tpu.memory_space<vmem>> -> memref<128xi32, #tpu.memory_space<vmem>>
      %dma_wait3A_151 = arith.constant 0 : i32
      %dma_wait3A_152 = arith.constant 0 : i32
      %dma_wait3A_153 = tpu.memref_slice %arg7[%dma_wait3A_151, %dma_wait3A_152] : memref<10000x64xf32, #tpu.memory_space<vmem_shared>> -> memref<10000x64xf32, #tpu.memory_space<vmem_shared>>
      tpu.wait_indirect_dma semaphore(%arg13 : memref<!tpu.dma_semaphore, #tpu.memory_space<semaphore_mem>>) src(%dma_wait3A_153 : memref<10000x64xf32, #tpu.memory_space<vmem_shared>>) dst(%arg11 : memref<128x64xf32, #tpu.memory_space<vmem>>)
      %dma_start3A_154 = arith.constant 3 : i32
      %dma_start3A_155 = arith.constant 0 : i32
      %dma_start3A_156 = arith.constant 0 : i32
      %dma_start3A_157 = tpu.memref_slice %arg9[%rem3A_54, %dma_start3A_155, %dma_start3A_156] : memref<2x8x128xi32, #tpu.memory_space<vmem>> -> memref<1x8x128xi32, #tpu.memory_space<vmem>>
      %dma_start3A_158 = tpu.memref_squeeze %dma_start3A_157 : memref<1x8x128xi32, #tpu.memory_space<vmem>> -> memref<8x128xi32, #tpu.memory_space<vmem>>
      %dma_start3A_159 = arith.constant 0 : i32
      %dma_start3A_160 = tpu.memref_slice %dma_start3A_158[%dma_start3A_154, %dma_start3A_159] : memref<8x128xi32, #tpu.memory_space<vmem>> -> memref<1x128xi32, #tpu.memory_space<vmem>>
      %dma_start3A_161 = tpu.memref_squeeze %dma_start3A_160 : memref<1x128xi32, #tpu.memory_space<vmem>> -> memref<128xi32, #tpu.memory_space<vmem>>
      %dma_start3A_162 = arith.constant 0 : i32
      %dma_start3A_163 = arith.constant 0 : i32
      %dma_start3A_164 = tpu.memref_slice %arg7[%dma_start3A_162, %dma_start3A_163] : memref<10000x64xf32, #tpu.memory_space<vmem_shared>> -> memref<10000x64xf32, #tpu.memory_space<vmem_shared>>
      tpu.enqueue_indirect_dma source(%dma_start3A_164 : memref<10000x64xf32, #tpu.memory_space<vmem_shared>>) target(%arg12 : memref<128x64xf32, #tpu.memory_space<vmem>>) offsets(%dma_start3A_161 : memref<128xi32, #tpu.memory_space<vmem>>) semaphore(%arg14 : memref<!tpu.dma_semaphore, #tpu.memory_space<semaphore_mem>>)
      %run_scoped3A_165 = arith.constant 2 : i32
      "tpu.region"() ({
        %run_scoped3A_270 = tpu.sem_alloc : memref<!tpu.dma_semaphore, #tpu.memory_space<semaphore_mem>>
        %dma_start3A_271 = arith.constant 0 : i32
        %dma_start3A_272 = arith.constant 0 : i32
        %dma_start3A_273 = tpu.memref_slice %arg10[%rem3A_54, %dma_start3A_271, %dma_start3A_272] : memref<2x8x128xi32, #tpu.memory_space<vmem>> -> memref<1x8x128xi32, #tpu.memory_space<vmem>>
        %dma_start3A_274 = tpu.memref_squeeze %dma_start3A_273 : memref<1x8x128xi32, #tpu.memory_space<vmem>> -> memref<8x128xi32, #tpu.memory_space<vmem>>
        %dma_start3A_275 = arith.constant 0 : i32
        %dma_start3A_276 = tpu.memref_slice %dma_start3A_274[%run_scoped3A_165, %dma_start3A_275] : memref<8x128xi32, #tpu.memory_space<vmem>> -> memref<1x128xi32, #tpu.memory_space<vmem>>
        %dma_start3A_277 = tpu.memref_squeeze %dma_start3A_276 : memref<1x128xi32, #tpu.memory_space<vmem>> -> memref<128xi32, #tpu.memory_space<vmem>>
        %dma_start3A_278 = arith.constant 0 : i32
        %dma_start3A_279 = arith.constant 0 : i32
        %dma_start3A_280 = tpu.memref_slice %arg8[%dma_start3A_278, %dma_start3A_279] : memref<10112x64xf32, #tpu.memory_space<vmem_shared>> -> memref<10112x64xf32, #tpu.memory_space<vmem_shared>>
        tpu.enqueue_indirect_dma source(%arg11 : memref<128x64xf32, #tpu.memory_space<vmem>>) target(%dma_start3A_280 : memref<10112x64xf32, #tpu.memory_space<vmem_shared>>) offsets(%dma_start3A_277 : memref<128xi32, #tpu.memory_space<vmem>>) semaphore(%run_scoped3A_270 : memref<!tpu.dma_semaphore, #tpu.memory_space<semaphore_mem>>) {add = true}
        %dma_wait3A_281 = arith.constant 0 : i32
        %dma_wait3A_282 = arith.constant 0 : i32
        %dma_wait3A_283 = tpu.memref_slice %arg10[%rem3A_54, %dma_wait3A_281, %dma_wait3A_282] : memref<2x8x128xi32, #tpu.memory_space<vmem>> -> memref<1x8x128xi32, #tpu.memory_space<vmem>>
        %dma_wait3A_284 = tpu.memref_squeeze %dma_wait3A_283 : memref<1x8x128xi32, #tpu.memory_space<vmem>> -> memref<8x128xi32, #tpu.memory_space<vmem>>
        %dma_wait3A_285 = arith.constant 0 : i32
        %dma_wait3A_286 = tpu.memref_slice %dma_wait3A_284[%run_scoped3A_165, %dma_wait3A_285] : memref<8x128xi32, #tpu.memory_space<vmem>> -> memref<1x128xi32, #tpu.memory_space<vmem>>
        %dma_wait3A_287 = tpu.memref_squeeze %dma_wait3A_286 : memref<1x128xi32, #tpu.memory_space<vmem>> -> memref<128xi32, #tpu.memory_space<vmem>>
        %dma_wait3A_288 = arith.constant 0 : i32
        %dma_wait3A_289 = arith.constant 0 : i32
        %dma_wait3A_290 = tpu.memref_slice %arg8[%dma_wait3A_288, %dma_wait3A_289] : memref<10112x64xf32, #tpu.memory_space<vmem_shared>> -> memref<10112x64xf32, #tpu.memory_space<vmem_shared>>
        tpu.wait_indirect_dma semaphore(%run_scoped3A_270 : memref<!tpu.dma_semaphore, #tpu.memory_space<semaphore_mem>>) src(%arg11 : memref<128x64xf32, #tpu.memory_space<vmem>>) dst(%dma_wait3A_290 : memref<10112x64xf32, #tpu.memory_space<vmem_shared>>)
        tpu.yield
      }) : () -> ()
      %dma_wait3A_166 = arith.constant 3 : i32
      %dma_wait3A_167 = arith.constant 0 : i32
      %dma_wait3A_168 = arith.constant 0 : i32
      %dma_wait3A_169 = tpu.memref_slice %arg9[%rem3A_54, %dma_wait3A_167, %dma_wait3A_168] : memref<2x8x128xi32, #tpu.memory_space<vmem>> -> memref<1x8x128xi32, #tpu.memory_space<vmem>>
      %dma_wait3A_170 = tpu.memref_squeeze %dma_wait3A_169 : memref<1x8x128xi32, #tpu.memory_space<vmem>> -> memref<8x128xi32, #tpu.memory_space<vmem>>
      %dma_wait3A_171 = arith.constant 0 : i32
      %dma_wait3A_172 = tpu.memref_slice %dma_wait3A_170[%dma_wait3A_166, %dma_wait3A_171] : memref<8x128xi32, #tpu.memory_space<vmem>> -> memref<1x128xi32, #tpu.memory_space<vmem>>
      %dma_wait3A_173 = tpu.memref_squeeze %dma_wait3A_172 : memref<1x128xi32, #tpu.memory_space<vmem>> -> memref<128xi32, #tpu.memory_space<vmem>>
      %dma_wait3A_174 = arith.constant 0 : i32
      %dma_wait3A_175 = arith.constant 0 : i32
      %dma_wait3A_176 = tpu.memref_slice %arg7[%dma_wait3A_174, %dma_wait3A_175] : memref<10000x64xf32, #tpu.memory_space<vmem_shared>> -> memref<10000x64xf32, #tpu.memory_space<vmem_shared>>
      tpu.wait_indirect_dma semaphore(%arg14 : memref<!tpu.dma_semaphore, #tpu.memory_space<semaphore_mem>>) src(%dma_wait3A_176 : memref<10000x64xf32, #tpu.memory_space<vmem_shared>>) dst(%arg12 : memref<128x64xf32, #tpu.memory_space<vmem>>)
      %dma_start3A_177 = arith.constant 4 : i32
      %dma_start3A_178 = arith.constant 0 : i32
      %dma_start3A_179 = arith.constant 0 : i32
      %dma_start3A_180 = tpu.memref_slice %arg9[%rem3A_54, %dma_start3A_178, %dma_start3A_179] : memref<2x8x128xi32, #tpu.memory_space<vmem>> -> memref<1x8x128xi32, #tpu.memory_space<vmem>>
      %dma_start3A_181 = tpu.memref_squeeze %dma_start3A_180 : memref<1x8x128xi32, #tpu.memory_space<vmem>> -> memref<8x128xi32, #tpu.memory_space<vmem>>
      %dma_start3A_182 = arith.constant 0 : i32
      %dma_start3A_183 = tpu.memref_slice %dma_start3A_181[%dma_start3A_177, %dma_start3A_182] : memref<8x128xi32, #tpu.memory_space<vmem>> -> memref<1x128xi32, #tpu.memory_space<vmem>>
      %dma_start3A_184 = tpu.memref_squeeze %dma_start3A_183 : memref<1x128xi32, #tpu.memory_space<vmem>> -> memref<128xi32, #tpu.memory_space<vmem>>
      %dma_start3A_185 = arith.constant 0 : i32
      %dma_start3A_186 = arith.constant 0 : i32
      %dma_start3A_187 = tpu.memref_slice %arg7[%dma_start3A_185, %dma_start3A_186] : memref<10000x64xf32, #tpu.memory_space<vmem_shared>> -> memref<10000x64xf32, #tpu.memory_space<vmem_shared>>
      tpu.enqueue_indirect_dma source(%dma_start3A_187 : memref<10000x64xf32, #tpu.memory_space<vmem_shared>>) target(%arg11 : memref<128x64xf32, #tpu.memory_space<vmem>>) offsets(%dma_start3A_184 : memref<128xi32, #tpu.memory_space<vmem>>) semaphore(%arg13 : memref<!tpu.dma_semaphore, #tpu.memory_space<semaphore_mem>>)
      %run_scoped3A_188 = arith.constant 3 : i32
      "tpu.region"() ({
        %run_scoped3A_270 = tpu.sem_alloc : memref<!tpu.dma_semaphore, #tpu.memory_space<semaphore_mem>>
        %dma_start3A_271 = arith.constant 0 : i32
        %dma_start3A_272 = arith.constant 0 : i32
        %dma_start3A_273 = tpu.memref_slice %arg10[%rem3A_54, %dma_start3A_271, %dma_start3A_272] : memref<2x8x128xi32, #tpu.memory_space<vmem>> -> memref<1x8x128xi32, #tpu.memory_space<vmem>>
        %dma_start3A_274 = tpu.memref_squeeze %dma_start3A_273 : memref<1x8x128xi32, #tpu.memory_space<vmem>> -> memref<8x128xi32, #tpu.memory_space<vmem>>
        %dma_start3A_275 = arith.constant 0 : i32
        %dma_start3A_276 = tpu.memref_slice %dma_start3A_274[%run_scoped3A_188, %dma_start3A_275] : memref<8x128xi32, #tpu.memory_space<vmem>> -> memref<1x128xi32, #tpu.memory_space<vmem>>
        %dma_start3A_277 = tpu.memref_squeeze %dma_start3A_276 : memref<1x128xi32, #tpu.memory_space<vmem>> -> memref<128xi32, #tpu.memory_space<vmem>>
        %dma_start3A_278 = arith.constant 0 : i32
        %dma_start3A_279 = arith.constant 0 : i32
        %dma_start3A_280 = tpu.memref_slice %arg8[%dma_start3A_278, %dma_start3A_279] : memref<10112x64xf32, #tpu.memory_space<vmem_shared>> -> memref<10112x64xf32, #tpu.memory_space<vmem_shared>>
        tpu.enqueue_indirect_dma source(%arg12 : memref<128x64xf32, #tpu.memory_space<vmem>>) target(%dma_start3A_280 : memref<10112x64xf32, #tpu.memory_space<vmem_shared>>) offsets(%dma_start3A_277 : memref<128xi32, #tpu.memory_space<vmem>>) semaphore(%run_scoped3A_270 : memref<!tpu.dma_semaphore, #tpu.memory_space<semaphore_mem>>) {add = true}
        %dma_wait3A_281 = arith.constant 0 : i32
        %dma_wait3A_282 = arith.constant 0 : i32
        %dma_wait3A_283 = tpu.memref_slice %arg10[%rem3A_54, %dma_wait3A_281, %dma_wait3A_282] : memref<2x8x128xi32, #tpu.memory_space<vmem>> -> memref<1x8x128xi32, #tpu.memory_space<vmem>>
        %dma_wait3A_284 = tpu.memref_squeeze %dma_wait3A_283 : memref<1x8x128xi32, #tpu.memory_space<vmem>> -> memref<8x128xi32, #tpu.memory_space<vmem>>
        %dma_wait3A_285 = arith.constant 0 : i32
        %dma_wait3A_286 = tpu.memref_slice %dma_wait3A_284[%run_scoped3A_188, %dma_wait3A_285] : memref<8x128xi32, #tpu.memory_space<vmem>> -> memref<1x128xi32, #tpu.memory_space<vmem>>
        %dma_wait3A_287 = tpu.memref_squeeze %dma_wait3A_286 : memref<1x128xi32, #tpu.memory_space<vmem>> -> memref<128xi32, #tpu.memory_space<vmem>>
        %dma_wait3A_288 = arith.constant 0 : i32
        %dma_wait3A_289 = arith.constant 0 : i32
        %dma_wait3A_290 = tpu.memref_slice %arg8[%dma_wait3A_288, %dma_wait3A_289] : memref<10112x64xf32, #tpu.memory_space<vmem_shared>> -> memref<10112x64xf32, #tpu.memory_space<vmem_shared>>
        tpu.wait_indirect_dma semaphore(%run_scoped3A_270 : memref<!tpu.dma_semaphore, #tpu.memory_space<semaphore_mem>>) src(%arg12 : memref<128x64xf32, #tpu.memory_space<vmem>>) dst(%dma_wait3A_290 : memref<10112x64xf32, #tpu.memory_space<vmem_shared>>)
        tpu.yield
      }) : () -> ()
      %dma_wait3A_189 = arith.constant 4 : i32
      %dma_wait3A_190 = arith.constant 0 : i32
      %dma_wait3A_191 = arith.constant 0 : i32
      %dma_wait3A_192 = tpu.memref_slice %arg9[%rem3A_54, %dma_wait3A_190, %dma_wait3A_191] : memref<2x8x128xi32, #tpu.memory_space<vmem>> -> memref<1x8x128xi32, #tpu.memory_space<vmem>>
      %dma_wait3A_193 = tpu.memref_squeeze %dma_wait3A_192 : memref<1x8x128xi32, #tpu.memory_space<vmem>> -> memref<8x128xi32, #tpu.memory_space<vmem>>
      %dma_wait3A_194 = arith.constant 0 : i32
      %dma_wait3A_195 = tpu.memref_slice %dma_wait3A_193[%dma_wait3A_189, %dma_wait3A_194] : memref<8x128xi32, #tpu.memory_space<vmem>> -> memref<1x128xi32, #tpu.memory_space<vmem>>
      %dma_wait3A_196 = tpu.memref_squeeze %dma_wait3A_195 : memref<1x128xi32, #tpu.memory_space<vmem>> -> memref<128xi32, #tpu.memory_space<vmem>>
      %dma_wait3A_197 = arith.constant 0 : i32
      %dma_wait3A_198 = arith.constant 0 : i32
      %dma_wait3A_199 = tpu.memref_slice %arg7[%dma_wait3A_197, %dma_wait3A_198] : memref<10000x64xf32, #tpu.memory_space<vmem_shared>> -> memref<10000x64xf32, #tpu.memory_space<vmem_shared>>
      tpu.wait_indirect_dma semaphore(%arg13 : memref<!tpu.dma_semaphore, #tpu.memory_space<semaphore_mem>>) src(%dma_wait3A_199 : memref<10000x64xf32, #tpu.memory_space<vmem_shared>>) dst(%arg11 : memref<128x64xf32, #tpu.memory_space<vmem>>)
      %dma_start3A_200 = arith.constant 5 : i32
      %dma_start3A_201 = arith.constant 0 : i32
      %dma_start3A_202 = arith.constant 0 : i32
      %dma_start3A_203 = tpu.memref_slice %arg9[%rem3A_54, %dma_start3A_201, %dma_start3A_202] : memref<2x8x128xi32, #tpu.memory_space<vmem>> -> memref<1x8x128xi32, #tpu.memory_space<vmem>>
      %dma_start3A_204 = tpu.memref_squeeze %dma_start3A_203 : memref<1x8x128xi32, #tpu.memory_space<vmem>> -> memref<8x128xi32, #tpu.memory_space<vmem>>
      %dma_start3A_205 = arith.constant 0 : i32
      %dma_start3A_206 = tpu.memref_slice %dma_start3A_204[%dma_start3A_200, %dma_start3A_205] : memref<8x128xi32, #tpu.memory_space<vmem>> -> memref<1x128xi32, #tpu.memory_space<vmem>>
      %dma_start3A_207 = tpu.memref_squeeze %dma_start3A_206 : memref<1x128xi32, #tpu.memory_space<vmem>> -> memref<128xi32, #tpu.memory_space<vmem>>
      %dma_start3A_208 = arith.constant 0 : i32
      %dma_start3A_209 = arith.constant 0 : i32
      %dma_start3A_210 = tpu.memref_slice %arg7[%dma_start3A_208, %dma_start3A_209] : memref<10000x64xf32, #tpu.memory_space<vmem_shared>> -> memref<10000x64xf32, #tpu.memory_space<vmem_shared>>
      tpu.enqueue_indirect_dma source(%dma_start3A_210 : memref<10000x64xf32, #tpu.memory_space<vmem_shared>>) target(%arg12 : memref<128x64xf32, #tpu.memory_space<vmem>>) offsets(%dma_start3A_207 : memref<128xi32, #tpu.memory_space<vmem>>) semaphore(%arg14 : memref<!tpu.dma_semaphore, #tpu.memory_space<semaphore_mem>>)
      %run_scoped3A_211 = arith.constant 4 : i32
      "tpu.region"() ({
        %run_scoped3A_270 = tpu.sem_alloc : memref<!tpu.dma_semaphore, #tpu.memory_space<semaphore_mem>>
        %dma_start3A_271 = arith.constant 0 : i32
        %dma_start3A_272 = arith.constant 0 : i32
        %dma_start3A_273 = tpu.memref_slice %arg10[%rem3A_54, %dma_start3A_271, %dma_start3A_272] : memref<2x8x128xi32, #tpu.memory_space<vmem>> -> memref<1x8x128xi32, #tpu.memory_space<vmem>>
        %dma_start3A_274 = tpu.memref_squeeze %dma_start3A_273 : memref<1x8x128xi32, #tpu.memory_space<vmem>> -> memref<8x128xi32, #tpu.memory_space<vmem>>
        %dma_start3A_275 = arith.constant 0 : i32
        %dma_start3A_276 = tpu.memref_slice %dma_start3A_274[%run_scoped3A_211, %dma_start3A_275] : memref<8x128xi32, #tpu.memory_space<vmem>> -> memref<1x128xi32, #tpu.memory_space<vmem>>
        %dma_start3A_277 = tpu.memref_squeeze %dma_start3A_276 : memref<1x128xi32, #tpu.memory_space<vmem>> -> memref<128xi32, #tpu.memory_space<vmem>>
        %dma_start3A_278 = arith.constant 0 : i32
        %dma_start3A_279 = arith.constant 0 : i32
        %dma_start3A_280 = tpu.memref_slice %arg8[%dma_start3A_278, %dma_start3A_279] : memref<10112x64xf32, #tpu.memory_space<vmem_shared>> -> memref<10112x64xf32, #tpu.memory_space<vmem_shared>>
        tpu.enqueue_indirect_dma source(%arg11 : memref<128x64xf32, #tpu.memory_space<vmem>>) target(%dma_start3A_280 : memref<10112x64xf32, #tpu.memory_space<vmem_shared>>) offsets(%dma_start3A_277 : memref<128xi32, #tpu.memory_space<vmem>>) semaphore(%run_scoped3A_270 : memref<!tpu.dma_semaphore, #tpu.memory_space<semaphore_mem>>) {add = true}
        %dma_wait3A_281 = arith.constant 0 : i32
        %dma_wait3A_282 = arith.constant 0 : i32
        %dma_wait3A_283 = tpu.memref_slice %arg10[%rem3A_54, %dma_wait3A_281, %dma_wait3A_282] : memref<2x8x128xi32, #tpu.memory_space<vmem>> -> memref<1x8x128xi32, #tpu.memory_space<vmem>>
        %dma_wait3A_284 = tpu.memref_squeeze %dma_wait3A_283 : memref<1x8x128xi32, #tpu.memory_space<vmem>> -> memref<8x128xi32, #tpu.memory_space<vmem>>
        %dma_wait3A_285 = arith.constant 0 : i32
        %dma_wait3A_286 = tpu.memref_slice %dma_wait3A_284[%run_scoped3A_211, %dma_wait3A_285] : memref<8x128xi32, #tpu.memory_space<vmem>> -> memref<1x128xi32, #tpu.memory_space<vmem>>
        %dma_wait3A_287 = tpu.memref_squeeze %dma_wait3A_286 : memref<1x128xi32, #tpu.memory_space<vmem>> -> memref<128xi32, #tpu.memory_space<vmem>>
        %dma_wait3A_288 = arith.constant 0 : i32
        %dma_wait3A_289 = arith.constant 0 : i32
        %dma_wait3A_290 = tpu.memref_slice %arg8[%dma_wait3A_288, %dma_wait3A_289] : memref<10112x64xf32, #tpu.memory_space<vmem_shared>> -> memref<10112x64xf32, #tpu.memory_space<vmem_shared>>
        tpu.wait_indirect_dma semaphore(%run_scoped3A_270 : memref<!tpu.dma_semaphore, #tpu.memory_space<semaphore_mem>>) src(%arg11 : memref<128x64xf32, #tpu.memory_space<vmem>>) dst(%dma_wait3A_290 : memref<10112x64xf32, #tpu.memory_space<vmem_shared>>)
        tpu.yield
      }) : () -> ()
      %dma_wait3A_212 = arith.constant 5 : i32
      %dma_wait3A_213 = arith.constant 0 : i32
      %dma_wait3A_214 = arith.constant 0 : i32
      %dma_wait3A_215 = tpu.memref_slice %arg9[%rem3A_54, %dma_wait3A_213, %dma_wait3A_214] : memref<2x8x128xi32, #tpu.memory_space<vmem>> -> memref<1x8x128xi32, #tpu.memory_space<vmem>>
      %dma_wait3A_216 = tpu.memref_squeeze %dma_wait3A_215 : memref<1x8x128xi32, #tpu.memory_space<vmem>> -> memref<8x128xi32, #tpu.memory_space<vmem>>
      %dma_wait3A_217 = arith.constant 0 : i32
      %dma_wait3A_218 = tpu.memref_slice %dma_wait3A_216[%dma_wait3A_212, %dma_wait3A_217] : memref<8x128xi32, #tpu.memory_space<vmem>> -> memref<1x128xi32, #tpu.memory_space<vmem>>
      %dma_wait3A_219 = tpu.memref_squeeze %dma_wait3A_218 : memref<1x128xi32, #tpu.memory_space<vmem>> -> memref<128xi32, #tpu.memory_space<vmem>>
      %dma_wait3A_220 = arith.constant 0 : i32
      %dma_wait3A_221 = arith.constant 0 : i32
      %dma_wait3A_222 = tpu.memref_slice %arg7[%dma_wait3A_220, %dma_wait3A_221] : memref<10000x64xf32, #tpu.memory_space<vmem_shared>> -> memref<10000x64xf32, #tpu.memory_space<vmem_shared>>
      tpu.wait_indirect_dma semaphore(%arg14 : memref<!tpu.dma_semaphore, #tpu.memory_space<semaphore_mem>>) src(%dma_wait3A_222 : memref<10000x64xf32, #tpu.memory_space<vmem_shared>>) dst(%arg12 : memref<128x64xf32, #tpu.memory_space<vmem>>)
      %dma_start3A_223 = arith.constant 6 : i32
      %dma_start3A_224 = arith.constant 0 : i32
      %dma_start3A_225 = arith.constant 0 : i32
      %dma_start3A_226 = tpu.memref_slice %arg9[%rem3A_54, %dma_start3A_224, %dma_start3A_225] : memref<2x8x128xi32, #tpu.memory_space<vmem>> -> memref<1x8x128xi32, #tpu.memory_space<vmem>>
      %dma_start3A_227 = tpu.memref_squeeze %dma_start3A_226 : memref<1x8x128xi32, #tpu.memory_space<vmem>> -> memref<8x128xi32, #tpu.memory_space<vmem>>
      %dma_start3A_228 = arith.constant 0 : i32
      %dma_start3A_229 = tpu.memref_slice %dma_start3A_227[%dma_start3A_223, %dma_start3A_228] : memref<8x128xi32, #tpu.memory_space<vmem>> -> memref<1x128xi32, #tpu.memory_space<vmem>>
      %dma_start3A_230 = tpu.memref_squeeze %dma_start3A_229 : memref<1x128xi32, #tpu.memory_space<vmem>> -> memref<128xi32, #tpu.memory_space<vmem>>
      %dma_start3A_231 = arith.constant 0 : i32
      %dma_start3A_232 = arith.constant 0 : i32
      %dma_start3A_233 = tpu.memref_slice %arg7[%dma_start3A_231, %dma_start3A_232] : memref<10000x64xf32, #tpu.memory_space<vmem_shared>> -> memref<10000x64xf32, #tpu.memory_space<vmem_shared>>
      tpu.enqueue_indirect_dma source(%dma_start3A_233 : memref<10000x64xf32, #tpu.memory_space<vmem_shared>>) target(%arg11 : memref<128x64xf32, #tpu.memory_space<vmem>>) offsets(%dma_start3A_230 : memref<128xi32, #tpu.memory_space<vmem>>) semaphore(%arg13 : memref<!tpu.dma_semaphore, #tpu.memory_space<semaphore_mem>>)
      %run_scoped3A_234 = arith.constant 5 : i32
      "tpu.region"() ({
        %run_scoped3A_270 = tpu.sem_alloc : memref<!tpu.dma_semaphore, #tpu.memory_space<semaphore_mem>>
        %dma_start3A_271 = arith.constant 0 : i32
        %dma_start3A_272 = arith.constant 0 : i32
        %dma_start3A_273 = tpu.memref_slice %arg10[%rem3A_54, %dma_start3A_271, %dma_start3A_272] : memref<2x8x128xi32, #tpu.memory_space<vmem>> -> memref<1x8x128xi32, #tpu.memory_space<vmem>>
        %dma_start3A_274 = tpu.memref_squeeze %dma_start3A_273 : memref<1x8x128xi32, #tpu.memory_space<vmem>> -> memref<8x128xi32, #tpu.memory_space<vmem>>
        %dma_start3A_275 = arith.constant 0 : i32
        %dma_start3A_276 = tpu.memref_slice %dma_start3A_274[%run_scoped3A_234, %dma_start3A_275] : memref<8x128xi32, #tpu.memory_space<vmem>> -> memref<1x128xi32, #tpu.memory_space<vmem>>
        %dma_start3A_277 = tpu.memref_squeeze %dma_start3A_276 : memref<1x128xi32, #tpu.memory_space<vmem>> -> memref<128xi32, #tpu.memory_space<vmem>>
        %dma_start3A_278 = arith.constant 0 : i32
        %dma_start3A_279 = arith.constant 0 : i32
        %dma_start3A_280 = tpu.memref_slice %arg8[%dma_start3A_278, %dma_start3A_279] : memref<10112x64xf32, #tpu.memory_space<vmem_shared>> -> memref<10112x64xf32, #tpu.memory_space<vmem_shared>>
        tpu.enqueue_indirect_dma source(%arg12 : memref<128x64xf32, #tpu.memory_space<vmem>>) target(%dma_start3A_280 : memref<10112x64xf32, #tpu.memory_space<vmem_shared>>) offsets(%dma_start3A_277 : memref<128xi32, #tpu.memory_space<vmem>>) semaphore(%run_scoped3A_270 : memref<!tpu.dma_semaphore, #tpu.memory_space<semaphore_mem>>) {add = true}
        %dma_wait3A_281 = arith.constant 0 : i32
        %dma_wait3A_282 = arith.constant 0 : i32
        %dma_wait3A_283 = tpu.memref_slice %arg10[%rem3A_54, %dma_wait3A_281, %dma_wait3A_282] : memref<2x8x128xi32, #tpu.memory_space<vmem>> -> memref<1x8x128xi32, #tpu.memory_space<vmem>>
        %dma_wait3A_284 = tpu.memref_squeeze %dma_wait3A_283 : memref<1x8x128xi32, #tpu.memory_space<vmem>> -> memref<8x128xi32, #tpu.memory_space<vmem>>
        %dma_wait3A_285 = arith.constant 0 : i32
        %dma_wait3A_286 = tpu.memref_slice %dma_wait3A_284[%run_scoped3A_234, %dma_wait3A_285] : memref<8x128xi32, #tpu.memory_space<vmem>> -> memref<1x128xi32, #tpu.memory_space<vmem>>
        %dma_wait3A_287 = tpu.memref_squeeze %dma_wait3A_286 : memref<1x128xi32, #tpu.memory_space<vmem>> -> memref<128xi32, #tpu.memory_space<vmem>>
        %dma_wait3A_288 = arith.constant 0 : i32
        %dma_wait3A_289 = arith.constant 0 : i32
        %dma_wait3A_290 = tpu.memref_slice %arg8[%dma_wait3A_288, %dma_wait3A_289] : memref<10112x64xf32, #tpu.memory_space<vmem_shared>> -> memref<10112x64xf32, #tpu.memory_space<vmem_shared>>
        tpu.wait_indirect_dma semaphore(%run_scoped3A_270 : memref<!tpu.dma_semaphore, #tpu.memory_space<semaphore_mem>>) src(%arg12 : memref<128x64xf32, #tpu.memory_space<vmem>>) dst(%dma_wait3A_290 : memref<10112x64xf32, #tpu.memory_space<vmem_shared>>)
        tpu.yield
      }) : () -> ()
      %dma_wait3A_235 = arith.constant 6 : i32
      %dma_wait3A_236 = arith.constant 0 : i32
      %dma_wait3A_237 = arith.constant 0 : i32
      %dma_wait3A_238 = tpu.memref_slice %arg9[%rem3A_54, %dma_wait3A_236, %dma_wait3A_237] : memref<2x8x128xi32, #tpu.memory_space<vmem>> -> memref<1x8x128xi32, #tpu.memory_space<vmem>>
      %dma_wait3A_239 = tpu.memref_squeeze %dma_wait3A_238 : memref<1x8x128xi32, #tpu.memory_space<vmem>> -> memref<8x128xi32, #tpu.memory_space<vmem>>
      %dma_wait3A_240 = arith.constant 0 : i32
      %dma_wait3A_241 = tpu.memref_slice %dma_wait3A_239[%dma_wait3A_235, %dma_wait3A_240] : memref<8x128xi32, #tpu.memory_space<vmem>> -> memref<1x128xi32, #tpu.memory_space<vmem>>
      %dma_wait3A_242 = tpu.memref_squeeze %dma_wait3A_241 : memref<1x128xi32, #tpu.memory_space<vmem>> -> memref<128xi32, #tpu.memory_space<vmem>>
      %dma_wait3A_243 = arith.constant 0 : i32
      %dma_wait3A_244 = arith.constant 0 : i32
      %dma_wait3A_245 = tpu.memref_slice %arg7[%dma_wait3A_243, %dma_wait3A_244] : memref<10000x64xf32, #tpu.memory_space<vmem_shared>> -> memref<10000x64xf32, #tpu.memory_space<vmem_shared>>
      tpu.wait_indirect_dma semaphore(%arg13 : memref<!tpu.dma_semaphore, #tpu.memory_space<semaphore_mem>>) src(%dma_wait3A_245 : memref<10000x64xf32, #tpu.memory_space<vmem_shared>>) dst(%arg11 : memref<128x64xf32, #tpu.memory_space<vmem>>)
      %dma_start3A_246 = arith.constant 7 : i32
      %dma_start3A_247 = arith.constant 0 : i32
      %dma_start3A_248 = arith.constant 0 : i32
      %dma_start3A_249 = tpu.memref_slice %arg9[%rem3A_54, %dma_start3A_247, %dma_start3A_248] : memref<2x8x128xi32, #tpu.memory_space<vmem>> -> memref<1x8x128xi32, #tpu.memory_space<vmem>>
      %dma_start3A_250 = tpu.memref_squeeze %dma_start3A_249 : memref<1x8x128xi32, #tpu.memory_space<vmem>> -> memref<8x128xi32, #tpu.memory_space<vmem>>
      %dma_start3A_251 = arith.constant 0 : i32
      %dma_start3A_252 = tpu.memref_slice %dma_start3A_250[%dma_start3A_246, %dma_start3A_251] : memref<8x128xi32, #tpu.memory_space<vmem>> -> memref<1x128xi32, #tpu.memory_space<vmem>>
      %dma_start3A_253 = tpu.memref_squeeze %dma_start3A_252 : memref<1x128xi32, #tpu.memory_space<vmem>> -> memref<128xi32, #tpu.memory_space<vmem>>
      %dma_start3A_254 = arith.constant 0 : i32
      %dma_start3A_255 = arith.constant 0 : i32
      %dma_start3A_256 = tpu.memref_slice %arg7[%dma_start3A_254, %dma_start3A_255] : memref<10000x64xf32, #tpu.memory_space<vmem_shared>> -> memref<10000x64xf32, #tpu.memory_space<vmem_shared>>
      tpu.enqueue_indirect_dma source(%dma_start3A_256 : memref<10000x64xf32, #tpu.memory_space<vmem_shared>>) target(%arg12 : memref<128x64xf32, #tpu.memory_space<vmem>>) offsets(%dma_start3A_253 : memref<128xi32, #tpu.memory_space<vmem>>) semaphore(%arg14 : memref<!tpu.dma_semaphore, #tpu.memory_space<semaphore_mem>>)
      %run_scoped3A_257 = arith.constant 6 : i32
      "tpu.region"() ({
        %run_scoped3A_270 = tpu.sem_alloc : memref<!tpu.dma_semaphore, #tpu.memory_space<semaphore_mem>>
        %dma_start3A_271 = arith.constant 0 : i32
        %dma_start3A_272 = arith.constant 0 : i32
        %dma_start3A_273 = tpu.memref_slice %arg10[%rem3A_54, %dma_start3A_271, %dma_start3A_272] : memref<2x8x128xi32, #tpu.memory_space<vmem>> -> memref<1x8x128xi32, #tpu.memory_space<vmem>>
        %dma_start3A_274 = tpu.memref_squeeze %dma_start3A_273 : memref<1x8x128xi32, #tpu.memory_space<vmem>> -> memref<8x128xi32, #tpu.memory_space<vmem>>
        %dma_start3A_275 = arith.constant 0 : i32
        %dma_start3A_276 = tpu.memref_slice %dma_start3A_274[%run_scoped3A_257, %dma_start3A_275] : memref<8x128xi32, #tpu.memory_space<vmem>> -> memref<1x128xi32, #tpu.memory_space<vmem>>
        %dma_start3A_277 = tpu.memref_squeeze %dma_start3A_276 : memref<1x128xi32, #tpu.memory_space<vmem>> -> memref<128xi32, #tpu.memory_space<vmem>>
        %dma_start3A_278 = arith.constant 0 : i32
        %dma_start3A_279 = arith.constant 0 : i32
        %dma_start3A_280 = tpu.memref_slice %arg8[%dma_start3A_278, %dma_start3A_279] : memref<10112x64xf32, #tpu.memory_space<vmem_shared>> -> memref<10112x64xf32, #tpu.memory_space<vmem_shared>>
        tpu.enqueue_indirect_dma source(%arg11 : memref<128x64xf32, #tpu.memory_space<vmem>>) target(%dma_start3A_280 : memref<10112x64xf32, #tpu.memory_space<vmem_shared>>) offsets(%dma_start3A_277 : memref<128xi32, #tpu.memory_space<vmem>>) semaphore(%run_scoped3A_270 : memref<!tpu.dma_semaphore, #tpu.memory_space<semaphore_mem>>) {add = true}
        %dma_wait3A_281 = arith.constant 0 : i32
        %dma_wait3A_282 = arith.constant 0 : i32
        %dma_wait3A_283 = tpu.memref_slice %arg10[%rem3A_54, %dma_wait3A_281, %dma_wait3A_282] : memref<2x8x128xi32, #tpu.memory_space<vmem>> -> memref<1x8x128xi32, #tpu.memory_space<vmem>>
        %dma_wait3A_284 = tpu.memref_squeeze %dma_wait3A_283 : memref<1x8x128xi32, #tpu.memory_space<vmem>> -> memref<8x128xi32, #tpu.memory_space<vmem>>
        %dma_wait3A_285 = arith.constant 0 : i32
        %dma_wait3A_286 = tpu.memref_slice %dma_wait3A_284[%run_scoped3A_257, %dma_wait3A_285] : memref<8x128xi32, #tpu.memory_space<vmem>> -> memref<1x128xi32, #tpu.memory_space<vmem>>
        %dma_wait3A_287 = tpu.memref_squeeze %dma_wait3A_286 : memref<1x128xi32, #tpu.memory_space<vmem>> -> memref<128xi32, #tpu.memory_space<vmem>>
        %dma_wait3A_288 = arith.constant 0 : i32
        %dma_wait3A_289 = arith.constant 0 : i32
        %dma_wait3A_290 = tpu.memref_slice %arg8[%dma_wait3A_288, %dma_wait3A_289] : memref<10112x64xf32, #tpu.memory_space<vmem_shared>> -> memref<10112x64xf32, #tpu.memory_space<vmem_shared>>
        tpu.wait_indirect_dma semaphore(%run_scoped3A_270 : memref<!tpu.dma_semaphore, #tpu.memory_space<semaphore_mem>>) src(%arg11 : memref<128x64xf32, #tpu.memory_space<vmem>>) dst(%dma_wait3A_290 : memref<10112x64xf32, #tpu.memory_space<vmem_shared>>)
        tpu.yield
      }) : () -> ()
      %dma_wait3A_258 = arith.constant 7 : i32
      %dma_wait3A_259 = arith.constant 0 : i32
      %dma_wait3A_260 = arith.constant 0 : i32
      %dma_wait3A_261 = tpu.memref_slice %arg9[%rem3A_54, %dma_wait3A_259, %dma_wait3A_260] : memref<2x8x128xi32, #tpu.memory_space<vmem>> -> memref<1x8x128xi32, #tpu.memory_space<vmem>>
      %dma_wait3A_262 = tpu.memref_squeeze %dma_wait3A_261 : memref<1x8x128xi32, #tpu.memory_space<vmem>> -> memref<8x128xi32, #tpu.memory_space<vmem>>
      %dma_wait3A_263 = arith.constant 0 : i32
      %dma_wait3A_264 = tpu.memref_slice %dma_wait3A_262[%dma_wait3A_258, %dma_wait3A_263] : memref<8x128xi32, #tpu.memory_space<vmem>> -> memref<1x128xi32, #tpu.memory_space<vmem>>
      %dma_wait3A_265 = tpu.memref_squeeze %dma_wait3A_264 : memref<1x128xi32, #tpu.memory_space<vmem>> -> memref<128xi32, #tpu.memory_space<vmem>>
      %dma_wait3A_266 = arith.constant 0 : i32
      %dma_wait3A_267 = arith.constant 0 : i32
      %dma_wait3A_268 = tpu.memref_slice %arg7[%dma_wait3A_266, %dma_wait3A_267] : memref<10000x64xf32, #tpu.memory_space<vmem_shared>> -> memref<10000x64xf32, #tpu.memory_space<vmem_shared>>
      tpu.wait_indirect_dma semaphore(%arg14 : memref<!tpu.dma_semaphore, #tpu.memory_space<semaphore_mem>>) src(%dma_wait3A_268 : memref<10000x64xf32, #tpu.memory_space<vmem_shared>>) dst(%arg12 : memref<128x64xf32, #tpu.memory_space<vmem>>)
      %run_scoped3A_269 = arith.constant 7 : i32
      "tpu.region"() ({
        %run_scoped3A_270 = tpu.sem_alloc : memref<!tpu.dma_semaphore, #tpu.memory_space<semaphore_mem>>
        %dma_start3A_271 = arith.constant 0 : i32
        %dma_start3A_272 = arith.constant 0 : i32
        %dma_start3A_273 = tpu.memref_slice %arg10[%rem3A_54, %dma_start3A_271, %dma_start3A_272] : memref<2x8x128xi32, #tpu.memory_space<vmem>> -> memref<1x8x128xi32, #tpu.memory_space<vmem>>
        %dma_start3A_274 = tpu.memref_squeeze %dma_start3A_273 : memref<1x8x128xi32, #tpu.memory_space<vmem>> -> memref<8x128xi32, #tpu.memory_space<vmem>>
        %dma_start3A_275 = arith.constant 0 : i32
        %dma_start3A_276 = tpu.memref_slice %dma_start3A_274[%run_scoped3A_269, %dma_start3A_275] : memref<8x128xi32, #tpu.memory_space<vmem>> -> memref<1x128xi32, #tpu.memory_space<vmem>>
        %dma_start3A_277 = tpu.memref_squeeze %dma_start3A_276 : memref<1x128xi32, #tpu.memory_space<vmem>> -> memref<128xi32, #tpu.memory_space<vmem>>
        %dma_start3A_278 = arith.constant 0 : i32
        %dma_start3A_279 = arith.constant 0 : i32
        %dma_start3A_280 = tpu.memref_slice %arg8[%dma_start3A_278, %dma_start3A_279] : memref<10112x64xf32, #tpu.memory_space<vmem_shared>> -> memref<10112x64xf32, #tpu.memory_space<vmem_shared>>
        tpu.enqueue_indirect_dma source(%arg12 : memref<128x64xf32, #tpu.memory_space<vmem>>) target(%dma_start3A_280 : memref<10112x64xf32, #tpu.memory_space<vmem_shared>>) offsets(%dma_start3A_277 : memref<128xi32, #tpu.memory_space<vmem>>) semaphore(%run_scoped3A_270 : memref<!tpu.dma_semaphore, #tpu.memory_space<semaphore_mem>>) {add = true}
        %dma_wait3A_281 = arith.constant 0 : i32
        %dma_wait3A_282 = arith.constant 0 : i32
        %dma_wait3A_283 = tpu.memref_slice %arg10[%rem3A_54, %dma_wait3A_281, %dma_wait3A_282] : memref<2x8x128xi32, #tpu.memory_space<vmem>> -> memref<1x8x128xi32, #tpu.memory_space<vmem>>
        %dma_wait3A_284 = tpu.memref_squeeze %dma_wait3A_283 : memref<1x8x128xi32, #tpu.memory_space<vmem>> -> memref<8x128xi32, #tpu.memory_space<vmem>>
        %dma_wait3A_285 = arith.constant 0 : i32
        %dma_wait3A_286 = tpu.memref_slice %dma_wait3A_284[%run_scoped3A_269, %dma_wait3A_285] : memref<8x128xi32, #tpu.memory_space<vmem>> -> memref<1x128xi32, #tpu.memory_space<vmem>>
        %dma_wait3A_287 = tpu.memref_squeeze %dma_wait3A_286 : memref<1x128xi32, #tpu.memory_space<vmem>> -> memref<128xi32, #tpu.memory_space<vmem>>
        %dma_wait3A_288 = arith.constant 0 : i32
        %dma_wait3A_289 = arith.constant 0 : i32
        %dma_wait3A_290 = tpu.memref_slice %arg8[%dma_wait3A_288, %dma_wait3A_289] : memref<10112x64xf32, #tpu.memory_space<vmem_shared>> -> memref<10112x64xf32, #tpu.memory_space<vmem_shared>>
        tpu.wait_indirect_dma semaphore(%run_scoped3A_270 : memref<!tpu.dma_semaphore, #tpu.memory_space<semaphore_mem>>) src(%arg12 : memref<128x64xf32, #tpu.memory_space<vmem>>) dst(%dma_wait3A_290 : memref<10112x64xf32, #tpu.memory_space<vmem_shared>>)
        tpu.yield
      }) : () -> ()
    }
    %scan3A_42 = arith.constant 20 : i32
    %barrier3A_43 = arith.constant 0 : index
    tpu.barrier barrier_id(%barrier3A_43)
    %mul3A_44 = arith.constant 624 : i32
    %mul3A_45 = arith.muli %arg1, %mul3A_44 : i32
    %mul3A_46 = arith.constant 624 : i32
    %mul3A_47 = arith.muli %arg1, %mul3A_46 : i32
    "tpu.region"() ({
      %run_scoped3A = tpu.sem_alloc : memref<!tpu.dma_semaphore, #tpu.memory_space<semaphore_mem>>
      %dma_start3A_53 = arith.constant 0 : i32
      %dma_start3A_54 = tpu.memref_slice %arg6[%arg0, %mul3A_47, %dma_start3A_53] : memref<2x10000x64xf32, #tpu.memory_space<hbm>> -> memref<1x624x64xf32, #tpu.memory_space<hbm>>
      %dma_start3A_55 = tpu.memref_squeeze %dma_start3A_54 : memref<1x624x64xf32, #tpu.memory_space<hbm>> -> memref<624x64xf32, #tpu.memory_space<hbm>>
      %dma_start3A_56 = arith.constant 0 : i32
      %dma_start3A_57 = tpu.memref_slice %arg8[%mul3A_45, %dma_start3A_56] : memref<10112x64xf32, #tpu.memory_space<vmem_shared>> -> memref<624x64xf32, #tpu.memory_space<vmem_shared>>
      tpu.enqueue_dma source(%dma_start3A_57 : memref<624x64xf32, #tpu.memory_space<vmem_shared>>) target(%dma_start3A_55 : memref<624x64xf32, #tpu.memory_space<hbm>>) target_semaphore(%run_scoped3A : memref<!tpu.dma_semaphore, #tpu.memory_space<semaphore_mem>>)
      %dma_wait3A = arith.constant 0 : i32
      %dma_wait3A_58 = tpu.memref_slice %arg6[%arg0, %mul3A_47, %dma_wait3A] : memref<2x10000x64xf32, #tpu.memory_space<hbm>> -> memref<1x624x64xf32, #tpu.memory_space<hbm>>
      %dma_wait3A_59 = tpu.memref_squeeze %dma_wait3A_58 : memref<1x624x64xf32, #tpu.memory_space<hbm>> -> memref<624x64xf32, #tpu.memory_space<hbm>>
      %dma_wait3A_60 = arith.constant 0 : i32
      %dma_wait3A_61 = tpu.memref_slice %arg8[%mul3A_45, %dma_wait3A_60] : memref<10112x64xf32, #tpu.memory_space<vmem_shared>> -> memref<624x64xf32, #tpu.memory_space<vmem_shared>>
      tpu.wait_dma2 semaphore(%run_scoped3A : memref<!tpu.dma_semaphore, #tpu.memory_space<semaphore_mem>>) src(%dma_wait3A_61 : memref<624x64xf32, #tpu.memory_space<vmem_shared>>) dst(%dma_wait3A_59 : memref<624x64xf32, #tpu.memory_space<hbm>>)
      tpu.yield
    }) : () -> ()
    %eq3A_48 = arith.constant 15 : i32
    %eq3A_49 = arith.cmpi eq, %arg1, %eq3A_48 : i32
    %convert_element_type3A_50 = arith.extui %eq3A_49 : i1 to i32
    %cond3A_51 = arith.constant 0 : i32
    %cond3A_52 = arith.cmpi ne, %convert_element_type3A_50, %cond3A_51 : i32
    scf.if %cond3A_52 {
      "tpu.region"() ({
        %run_scoped3A = tpu.sem_alloc : memref<!tpu.dma_semaphore, #tpu.memory_space<semaphore_mem>>
        %dma_start3A_53 = arith.constant 9984 : i32
        %dma_start3A_54 = arith.constant 0 : i32
        %dma_start3A_55 = tpu.memref_slice %arg6[%arg0, %dma_start3A_53, %dma_start3A_54] : memref<2x10000x64xf32, #tpu.memory_space<hbm>> -> memref<1x16x64xf32, #tpu.memory_space<hbm>>
        %dma_start3A_56 = tpu.memref_squeeze %dma_start3A_55 : memref<1x16x64xf32, #tpu.memory_space<hbm>> -> memref<16x64xf32, #tpu.memory_space<hbm>>
        %dma_start3A_57 = arith.constant 9984 : i32
        %dma_start3A_58 = arith.constant 0 : i32
        %dma_start3A_59 = tpu.memref_slice %arg8[%dma_start3A_57, %dma_start3A_58] : memref<10112x64xf32, #tpu.memory_space<vmem_shared>> -> memref<16x64xf32, #tpu.memory_space<vmem_shared>>
        tpu.enqueue_dma source(%dma_start3A_59 : memref<16x64xf32, #tpu.memory_space<vmem_shared>>) target(%dma_start3A_56 : memref<16x64xf32, #tpu.memory_space<hbm>>) target_semaphore(%run_scoped3A : memref<!tpu.dma_semaphore, #tpu.memory_space<semaphore_mem>>)
        %dma_wait3A = arith.constant 9984 : i32
        %dma_wait3A_60 = arith.constant 0 : i32
        %dma_wait3A_61 = tpu.memref_slice %arg6[%arg0, %dma_wait3A, %dma_wait3A_60] : memref<2x10000x64xf32, #tpu.memory_space<hbm>> -> memref<1x16x64xf32, #tpu.memory_space<hbm>>
        %dma_wait3A_62 = tpu.memref_squeeze %dma_wait3A_61 : memref<1x16x64xf32, #tpu.memory_space<hbm>> -> memref<16x64xf32, #tpu.memory_space<hbm>>
        %dma_wait3A_63 = arith.constant 9984 : i32
        %dma_wait3A_64 = arith.constant 0 : i32
        %dma_wait3A_65 = tpu.memref_slice %arg8[%dma_wait3A_63, %dma_wait3A_64] : memref<10112x64xf32, #tpu.memory_space<vmem_shared>> -> memref<16x64xf32, #tpu.memory_space<vmem_shared>>
        tpu.wait_dma2 semaphore(%run_scoped3A : memref<!tpu.dma_semaphore, #tpu.memory_space<semaphore_mem>>) src(%dma_wait3A_65 : memref<16x64xf32, #tpu.memory_space<vmem_shared>>) dst(%dma_wait3A_62 : memref<16x64xf32, #tpu.memory_space<hbm>>)
        tpu.yield
      }) : () -> ()
    } else {
    }
    return
  }
}

#map = affine_map<(d0, d1) -> (0, 0, 0)>
#map1 = affine_map<(d0, d1) -> (0, 0)>
module attributes {stable_mosaic.version = 14 : i64} {
  func.func @seg(%arg0: i32, %arg1: i32, %arg2: memref<2x10000x64xf32, #tpu.memory_space<hbm>>, %arg3: memref<2560x128xi32, #tpu.memory_space<hbm>>, %arg4: memref<2560x128xi32, #tpu.memory_space<hbm>>, %arg5: memref<10112x64xf32, #tpu.memory_space<hbm>>, %arg6: memref<2x10000x64xf32, #tpu.memory_space<hbm>>, %arg7: memref<10000x64xf32, #tpu.memory_space<vmem_shared>>, %arg8: memref<10112x64xf32, #tpu.memory_space<vmem_shared>>, %arg9: memref<2x8x128xi32, #tpu.memory_space<vmem>>, %arg10: memref<2x8x128xi32, #tpu.memory_space<vmem>>, %arg11: memref<128x64xf32, #tpu.memory_space<vmem>>, %arg12: memref<128x64xf32, #tpu.memory_space<vmem>>, %arg13: memref<!tpu.dma_semaphore, #tpu.memory_space<semaphore_mem>>, %arg14: memref<!tpu.dma_semaphore, #tpu.memory_space<semaphore_mem>>, %arg15: memref<!tpu.dma_semaphore, #tpu.memory_space<semaphore_mem>>, %arg16: memref<!tpu.dma_semaphore, #tpu.memory_space<semaphore_mem>>) attributes {dimension_semantics = [#tpu.dimension_semantics<core_parallel>, #tpu.dimension_semantics<subcore_parallel>], iteration_bounds = array<i64: 2, 16>, scalar_prefetch = 0 : i64, scratch_operands = 10 : i64, tpu.core_type = #tpu.core_type<sc_vector_subcore>, window_params = [{transform_indices = #map}, {transform_indices = #map1}, {transform_indices = #map1}, {transform_indices = #map1}, {transform_indices = #map}]} {
    %mul3A = arith.constant 624 : i32
    %mul3A_0 = arith.muli %arg1, %mul3A : i32
    %mul3A_1 = arith.constant 624 : i32
    %mul3A_2 = arith.muli %arg1, %mul3A_1 : i32
    "tpu.region"() ({
      %run_scoped3A = tpu.sem_alloc : memref<!tpu.dma_semaphore, #tpu.memory_space<semaphore_mem>>
      %dma_start3A_53 = arith.constant 0 : i32
      %dma_start3A_54 = tpu.memref_slice %arg7[%mul3A_2, %dma_start3A_53] : memref<10000x64xf32, #tpu.memory_space<vmem_shared>> -> memref<624x64xf32, #tpu.memory_space<vmem_shared>>
      %dma_start3A_55 = arith.constant 0 : i32
      %dma_start3A_56 = tpu.memref_slice %arg2[%arg0, %mul3A_0, %dma_start3A_55] : memref<2x10000x64xf32, #tpu.memory_space<hbm>> -> memref<1x624x64xf32, #tpu.memory_space<hbm>>
      %dma_start3A_57 = tpu.memref_squeeze %dma_start3A_56 : memref<1x624x64xf32, #tpu.memory_space<hbm>> -> memref<624x64xf32, #tpu.memory_space<hbm>>
      tpu.enqueue_dma source(%dma_start3A_57 : memref<624x64xf32, #tpu.memory_space<hbm>>) target(%dma_start3A_54 : memref<624x64xf32, #tpu.memory_space<vmem_shared>>) target_semaphore(%run_scoped3A : memref<!tpu.dma_semaphore, #tpu.memory_space<semaphore_mem>>)
      %dma_wait3A = arith.constant 0 : i32
      %dma_wait3A_58 = tpu.memref_slice %arg7[%mul3A_2, %dma_wait3A] : memref<10000x64xf32, #tpu.memory_space<vmem_shared>> -> memref<624x64xf32, #tpu.memory_space<vmem_shared>>
      %dma_wait3A_59 = arith.constant 0 : i32
      %dma_wait3A_60 = tpu.memref_slice %arg2[%arg0, %mul3A_0, %dma_wait3A_59] : memref<2x10000x64xf32, #tpu.memory_space<hbm>> -> memref<1x624x64xf32, #tpu.memory_space<hbm>>
      %dma_wait3A_61 = tpu.memref_squeeze %dma_wait3A_60 : memref<1x624x64xf32, #tpu.memory_space<hbm>> -> memref<624x64xf32, #tpu.memory_space<hbm>>
      tpu.wait_dma2 semaphore(%run_scoped3A : memref<!tpu.dma_semaphore, #tpu.memory_space<semaphore_mem>>) src(%dma_wait3A_61 : memref<624x64xf32, #tpu.memory_space<hbm>>) dst(%dma_wait3A_58 : memref<624x64xf32, #tpu.memory_space<vmem_shared>>)
      tpu.yield
    }) : () -> ()
    %eq3A = arith.constant 15 : i32
    %eq3A_3 = arith.cmpi eq, %arg1, %eq3A : i32
    %convert_element_type3A = arith.extui %eq3A_3 : i1 to i32
    %cond3A = arith.constant 0 : i32
    %cond3A_4 = arith.cmpi ne, %convert_element_type3A, %cond3A : i32
    scf.if %cond3A_4 {
      "tpu.region"() ({
        %run_scoped3A = tpu.sem_alloc : memref<!tpu.dma_semaphore, #tpu.memory_space<semaphore_mem>>
        %dma_start3A_53 = arith.constant 9984 : i32
        %dma_start3A_54 = arith.constant 0 : i32
        %dma_start3A_55 = tpu.memref_slice %arg7[%dma_start3A_53, %dma_start3A_54] : memref<10000x64xf32, #tpu.memory_space<vmem_shared>> -> memref<16x64xf32, #tpu.memory_space<vmem_shared>>
        %dma_start3A_56 = arith.constant 9984 : i32
        %dma_start3A_57 = arith.constant 0 : i32
        %dma_start3A_58 = tpu.memref_slice %arg2[%arg0, %dma_start3A_56, %dma_start3A_57] : memref<2x10000x64xf32, #tpu.memory_space<hbm>> -> memref<1x16x64xf32, #tpu.memory_space<hbm>>
        %dma_start3A_59 = tpu.memref_squeeze %dma_start3A_58 : memref<1x16x64xf32, #tpu.memory_space<hbm>> -> memref<16x64xf32, #tpu.memory_space<hbm>>
        tpu.enqueue_dma source(%dma_start3A_59 : memref<16x64xf32, #tpu.memory_space<hbm>>) target(%dma_start3A_55 : memref<16x64xf32, #tpu.memory_space<vmem_shared>>) target_semaphore(%run_scoped3A : memref<!tpu.dma_semaphore, #tpu.memory_space<semaphore_mem>>)
        %dma_wait3A = arith.constant 9984 : i32
        %dma_wait3A_60 = arith.constant 0 : i32
        %dma_wait3A_61 = tpu.memref_slice %arg7[%dma_wait3A, %dma_wait3A_60] : memref<10000x64xf32, #tpu.memory_space<vmem_shared>> -> memref<16x64xf32, #tpu.memory_space<vmem_shared>>
        %dma_wait3A_62 = arith.constant 9984 : i32
        %dma_wait3A_63 = arith.constant 0 : i32
        %dma_wait3A_64 = tpu.memref_slice %arg2[%arg0, %dma_wait3A_62, %dma_wait3A_63] : memref<2x10000x64xf32, #tpu.memory_space<hbm>> -> memref<1x16x64xf32, #tpu.memory_space<hbm>>
        %dma_wait3A_65 = tpu.memref_squeeze %dma_wait3A_64 : memref<1x16x64xf32, #tpu.memory_space<hbm>> -> memref<16x64xf32, #tpu.memory_space<hbm>>
        tpu.wait_dma2 semaphore(%run_scoped3A : memref<!tpu.dma_semaphore, #tpu.memory_space<semaphore_mem>>) src(%dma_wait3A_65 : memref<16x64xf32, #tpu.memory_space<hbm>>) dst(%dma_wait3A_61 : memref<16x64xf32, #tpu.memory_space<vmem_shared>>)
        tpu.yield
      }) : () -> ()
    } else {
    }
    %mul3A_5 = arith.constant 632 : i32
    %mul3A_6 = arith.muli %arg1, %mul3A_5 : i32
    %mul3A_7 = arith.constant 632 : i32
    %mul3A_8 = arith.muli %arg1, %mul3A_7 : i32
    "tpu.region"() ({
      %run_scoped3A = tpu.sem_alloc : memref<!tpu.dma_semaphore, #tpu.memory_space<semaphore_mem>>
      %dma_start3A_53 = arith.constant 0 : i32
      %dma_start3A_54 = tpu.memref_slice %arg8[%mul3A_8, %dma_start3A_53] : memref<10112x64xf32, #tpu.memory_space<vmem_shared>> -> memref<632x64xf32, #tpu.memory_space<vmem_shared>>
      %dma_start3A_55 = arith.constant 0 : i32
      %dma_start3A_56 = tpu.memref_slice %arg5[%mul3A_6, %dma_start3A_55] : memref<10112x64xf32, #tpu.memory_space<hbm>> -> memref<632x64xf32, #tpu.memory_space<hbm>>
      tpu.enqueue_dma source(%dma_start3A_56 : memref<632x64xf32, #tpu.memory_space<hbm>>) target(%dma_start3A_54 : memref<632x64xf32, #tpu.memory_space<vmem_shared>>) target_semaphore(%run_scoped3A : memref<!tpu.dma_semaphore, #tpu.memory_space<semaphore_mem>>)
      %dma_wait3A = arith.constant 0 : i32
      %dma_wait3A_57 = tpu.memref_slice %arg8[%mul3A_8, %dma_wait3A] : memref<10112x64xf32, #tpu.memory_space<vmem_shared>> -> memref<632x64xf32, #tpu.memory_space<vmem_shared>>
      %dma_wait3A_58 = arith.constant 0 : i32
      %dma_wait3A_59 = tpu.memref_slice %arg5[%mul3A_6, %dma_wait3A_58] : memref<10112x64xf32, #tpu.memory_space<hbm>> -> memref<632x64xf32, #tpu.memory_space<hbm>>
      tpu.wait_dma2 semaphore(%run_scoped3A : memref<!tpu.dma_semaphore, #tpu.memory_space<semaphore_mem>>) src(%dma_wait3A_59 : memref<632x64xf32, #tpu.memory_space<hbm>>) dst(%dma_wait3A_57 : memref<632x64xf32, #tpu.memory_space<vmem_shared>>)
      tpu.yield
    }) : () -> ()
    %barrier3A = arith.constant 0 : index
    tpu.barrier barrier_id(%barrier3A)
    %mul3A_9 = arith.constant 160 : i32
    %mul3A_10 = arith.muli %arg1, %mul3A_9 : i32
    %dma_start3A = arith.constant 0 : i32
    %dma_start3A_11 = arith.constant 0 : i32
    %dma_start3A_12 = arith.constant 0 : i32
    %dma_start3A_13 = tpu.memref_slice %arg9[%dma_start3A, %dma_start3A_11, %dma_start3A_12] : memref<2x8x128xi32, #tpu.memory_space<vmem>> -> memref<1x8x128xi32, #tpu.memory_space<vmem>>
    %dma_start3A_14 = tpu.memref_squeeze %dma_start3A_13 : memref<1x8x128xi32, #tpu.memory_space<vmem>> -> memref<8x128xi32, #tpu.memory_space<vmem>>
    %dma_start3A_15 = arith.constant 0 : i32
    %dma_start3A_16 = tpu.memref_slice %arg3[%mul3A_10, %dma_start3A_15] : memref<2560x128xi32, #tpu.memory_space<hbm>> -> memref<8x128xi32, #tpu.memory_space<hbm>>
    %dma_start3A_17 = arith.constant 0 : i32
    %dma_start3A_18 = arith.constant 0 : i32
    %dma_start3A_19 = tpu.memref_slice %arg9[%dma_start3A, %dma_start3A_17, %dma_start3A_18] : memref<2x8x128xi32, #tpu.memory_space<vmem>> -> memref<1x8x128xi32, #tpu.memory_space<vmem>>
    %dma_start3A_20 = tpu.memref_squeeze %dma_start3A_19 : memref<1x8x128xi32, #tpu.memory_space<vmem>> -> memref<8x128xi32, #tpu.memory_space<vmem>>
    %dma_start3A_21 = arith.constant 0 : i32
    %dma_start3A_22 = tpu.memref_slice %arg3[%mul3A_10, %dma_start3A_21] : memref<2560x128xi32, #tpu.memory_space<hbm>> -> memref<8x128xi32, #tpu.memory_space<hbm>>
    tpu.enqueue_dma source(%dma_start3A_22 : memref<8x128xi32, #tpu.memory_space<hbm>>) target(%dma_start3A_20 : memref<8x128xi32, #tpu.memory_space<vmem>>) target_semaphore(%arg15 : memref<!tpu.dma_semaphore, #tpu.memory_space<semaphore_mem>>)
    %mul3A_23 = arith.constant 160 : i32
    %mul3A_24 = arith.muli %arg1, %mul3A_23 : i32
    %dma_start3A_25 = arith.constant 0 : i32
    %dma_start3A_26 = arith.constant 0 : i32
    %dma_start3A_27 = arith.constant 0 : i32
    %dma_start3A_28 = tpu.memref_slice %arg10[%dma_start3A_25, %dma_start3A_26, %dma_start3A_27] : memref<2x8x128xi32, #tpu.memory_space<vmem>> -> memref<1x8x128xi32, #tpu.memory_space<vmem>>
    %dma_start3A_29 = tpu.memref_squeeze %dma_start3A_28 : memref<1x8x128xi32, #tpu.memory_space<vmem>> -> memref<8x128xi32, #tpu.memory_space<vmem>>
    %dma_start3A_30 = arith.constant 0 : i32
    %dma_start3A_31 = tpu.memref_slice %arg4[%mul3A_24, %dma_start3A_30] : memref<2560x128xi32, #tpu.memory_space<hbm>> -> memref<8x128xi32, #tpu.memory_space<hbm>>
    %dma_start3A_32 = arith.constant 0 : i32
    %dma_start3A_33 = arith.constant 0 : i32
    %dma_start3A_34 = tpu.memref_slice %arg10[%dma_start3A_25, %dma_start3A_32, %dma_start3A_33] : memref<2x8x128xi32, #tpu.memory_space<vmem>> -> memref<1x8x128xi32, #tpu.memory_space<vmem>>
    %dma_start3A_35 = tpu.memref_squeeze %dma_start3A_34 : memref<1x8x128xi32, #tpu.memory_space<vmem>> -> memref<8x128xi32, #tpu.memory_space<vmem>>
    %dma_start3A_36 = arith.constant 0 : i32
    %dma_start3A_37 = tpu.memref_slice %arg4[%mul3A_24, %dma_start3A_36] : memref<2560x128xi32, #tpu.memory_space<hbm>> -> memref<8x128xi32, #tpu.memory_space<hbm>>
    tpu.enqueue_dma source(%dma_start3A_37 : memref<8x128xi32, #tpu.memory_space<hbm>>) target(%dma_start3A_35 : memref<8x128xi32, #tpu.memory_space<vmem>>) target_semaphore(%arg16 : memref<!tpu.dma_semaphore, #tpu.memory_space<semaphore_mem>>)
    %scan3A = arith.constant 0 : i32
    %scan3A_38 = arith.constant 0 : i32
    %scan3A_39 = arith.constant 20 : i32
    %scan3A_40 = arith.addi %scan3A_38, %scan3A_39 : i32
    %scan3A_41 = arith.constant 1 : i32
    scf.for %scan3A_53 = %scan3A_38 to %scan3A_40 step %scan3A_41  : i32 {
      %rem3A = arith.constant 2 : i32
      %rem3A_54 = arith.remsi %scan3A_53, %rem3A : i32
      %mul3A_55 = arith.constant 160 : i32
      %mul3A_56 = arith.muli %arg1, %mul3A_55 : i32
      %dma_wait3A = arith.constant 0 : i32
      %dma_wait3A_57 = arith.constant 0 : i32
      %dma_wait3A_58 = tpu.memref_slice %arg9[%rem3A_54, %dma_wait3A, %dma_wait3A_57] : memref<2x8x128xi32, #tpu.memory_space<vmem>> -> memref<1x8x128xi32, #tpu.memory_space<vmem>>
      %dma_wait3A_59 = tpu.memref_squeeze %dma_wait3A_58 : memref<1x8x128xi32, #tpu.memory_space<vmem>> -> memref<8x128xi32, #tpu.memory_space<vmem>>
      %dma_wait3A_60 = arith.constant 0 : i32
      %dma_wait3A_61 = tpu.memref_slice %arg3[%mul3A_56, %dma_wait3A_60] : memref<2560x128xi32, #tpu.memory_space<hbm>> -> memref<8x128xi32, #tpu.memory_space<hbm>>
      %dma_wait3A_62 = arith.constant 0 : i32
      %dma_wait3A_63 = arith.constant 0 : i32
      %dma_wait3A_64 = tpu.memref_slice %arg9[%rem3A_54, %dma_wait3A_62, %dma_wait3A_63] : memref<2x8x128xi32, #tpu.memory_space<vmem>> -> memref<1x8x128xi32, #tpu.memory_space<vmem>>
      %dma_wait3A_65 = tpu.memref_squeeze %dma_wait3A_64 : memref<1x8x128xi32, #tpu.memory_space<vmem>> -> memref<8x128xi32, #tpu.memory_space<vmem>>
      %dma_wait3A_66 = arith.constant 0 : i32
      %dma_wait3A_67 = tpu.memref_slice %arg3[%mul3A_56, %dma_wait3A_66] : memref<2560x128xi32, #tpu.memory_space<hbm>> -> memref<8x128xi32, #tpu.memory_space<hbm>>
      tpu.wait_dma2 semaphore(%arg15 : memref<!tpu.dma_semaphore, #tpu.memory_space<semaphore_mem>>) src(%dma_wait3A_67 : memref<8x128xi32, #tpu.memory_space<hbm>>) dst(%dma_wait3A_65 : memref<8x128xi32, #tpu.memory_space<vmem>>)
      %mul3A_68 = arith.constant 160 : i32
      %mul3A_69 = arith.muli %arg1, %mul3A_68 : i32
      %dma_wait3A_70 = arith.constant 0 : i32
      %dma_wait3A_71 = arith.constant 0 : i32
      %dma_wait3A_72 = tpu.memref_slice %arg10[%rem3A_54, %dma_wait3A_70, %dma_wait3A_71] : memref<2x8x128xi32, #tpu.memory_space<vmem>> -> memref<1x8x128xi32, #tpu.memory_space<vmem>>
      %dma_wait3A_73 = tpu.memref_squeeze %dma_wait3A_72 : memref<1x8x128xi32, #tpu.memory_space<vmem>> -> memref<8x128xi32, #tpu.memory_space<vmem>>
      %dma_wait3A_74 = arith.constant 0 : i32
      %dma_wait3A_75 = tpu.memref_slice %arg4[%mul3A_69, %dma_wait3A_74] : memref<2560x128xi32, #tpu.memory_space<hbm>> -> memref<8x128xi32, #tpu.memory_space<hbm>>
      %dma_wait3A_76 = arith.constant 0 : i32
      %dma_wait3A_77 = arith.constant 0 : i32
      %dma_wait3A_78 = tpu.memref_slice %arg10[%rem3A_54, %dma_wait3A_76, %dma_wait3A_77] : memref<2x8x128xi32, #tpu.memory_space<vmem>> -> memref<1x8x128xi32, #tpu.memory_space<vmem>>
      %dma_wait3A_79 = tpu.memref_squeeze %dma_wait3A_78 : memref<1x8x128xi32, #tpu.memory_space<vmem>> -> memref<8x128xi32, #tpu.memory_space<vmem>>
      %dma_wait3A_80 = arith.constant 0 : i32
      %dma_wait3A_81 = tpu.memref_slice %arg4[%mul3A_69, %dma_wait3A_80] : memref<2560x128xi32, #tpu.memory_space<hbm>> -> memref<8x128xi32, #tpu.memory_space<hbm>>
      tpu.wait_dma2 semaphore(%arg16 : memref<!tpu.dma_semaphore, #tpu.memory_space<semaphore_mem>>) src(%dma_wait3A_81 : memref<8x128xi32, #tpu.memory_space<hbm>>) dst(%dma_wait3A_79 : memref<8x128xi32, #tpu.memory_space<vmem>>)
      %add3A = arith.constant 1 : i32
      %add3A_82 = arith.addi %scan3A_53, %add3A : i32
      %lt3A = arith.constant 20 : i32
      %lt3A_83 = arith.cmpi slt, %add3A_82, %lt3A : i32
      %convert_element_type3A_84 = arith.extui %lt3A_83 : i1 to i32
      %cond3A_85 = arith.constant 0 : i32
      %cond3A_86 = arith.cmpi ne, %convert_element_type3A_84, %cond3A_85 : i32
      scf.if %cond3A_86 {
        %mul3A_270 = arith.constant 160 : i32
        %mul3A_271 = arith.muli %arg1, %mul3A_270 : i32
        %add3A_272 = arith.constant 1 : i32
        %add3A_273 = arith.addi %scan3A_53, %add3A_272 : i32
        %mul3A_274 = arith.constant 8 : i32
        %mul3A_275 = arith.muli %add3A_273, %mul3A_274 : i32
        %add3A_276 = arith.addi %mul3A_271, %mul3A_275 : i32
        %sub3A = arith.constant 1 : i32
        %sub3A_277 = arith.subi %sub3A, %rem3A_54 : i32
        %dma_start3A_278 = arith.constant 0 : i32
        %dma_start3A_279 = arith.constant 0 : i32
        %dma_start3A_280 = tpu.memref_slice %arg9[%sub3A_277, %dma_start3A_278, %dma_start3A_279] : memref<2x8x128xi32, #tpu.memory_space<vmem>> -> memref<1x8x128xi32, #tpu.memory_space<vmem>>
        %dma_start3A_281 = tpu.memref_squeeze %dma_start3A_280 : memref<1x8x128xi32, #tpu.memory_space<vmem>> -> memref<8x128xi32, #tpu.memory_space<vmem>>
        %dma_start3A_282 = arith.constant 0 : i32
        %dma_start3A_283 = tpu.memref_slice %arg3[%add3A_276, %dma_start3A_282] : memref<2560x128xi32, #tpu.memory_space<hbm>> -> memref<8x128xi32, #tpu.memory_space<hbm>>
        %dma_start3A_284 = arith.constant 0 : i32
        %dma_start3A_285 = arith.constant 0 : i32
        %dma_start3A_286 = tpu.memref_slice %arg9[%sub3A_277, %dma_start3A_284, %dma_start3A_285] : memref<2x8x128xi32, #tpu.memory_space<vmem>> -> memref<1x8x128xi32, #tpu.memory_space<vmem>>
        %dma_start3A_287 = tpu.memref_squeeze %dma_start3A_286 : memref<1x8x128xi32, #tpu.memory_space<vmem>> -> memref<8x128xi32, #tpu.memory_space<vmem>>
        %dma_start3A_288 = arith.constant 0 : i32
        %dma_start3A_289 = tpu.memref_slice %arg3[%add3A_276, %dma_start3A_288] : memref<2560x128xi32, #tpu.memory_space<hbm>> -> memref<8x128xi32, #tpu.memory_space<hbm>>
        tpu.enqueue_dma source(%dma_start3A_289 : memref<8x128xi32, #tpu.memory_space<hbm>>) target(%dma_start3A_287 : memref<8x128xi32, #tpu.memory_space<vmem>>) target_semaphore(%arg15 : memref<!tpu.dma_semaphore, #tpu.memory_space<semaphore_mem>>)
        %sub3A_290 = arith.constant 1 : i32
        %sub3A_291 = arith.subi %sub3A_290, %rem3A_54 : i32
        %dma_start3A_292 = arith.constant 0 : i32
        %dma_start3A_293 = arith.constant 0 : i32
        %dma_start3A_294 = tpu.memref_slice %arg10[%sub3A_291, %dma_start3A_292, %dma_start3A_293] : memref<2x8x128xi32, #tpu.memory_space<vmem>> -> memref<1x8x128xi32, #tpu.memory_space<vmem>>
        %dma_start3A_295 = tpu.memref_squeeze %dma_start3A_294 : memref<1x8x128xi32, #tpu.memory_space<vmem>> -> memref<8x128xi32, #tpu.memory_space<vmem>>
        %dma_start3A_296 = arith.constant 0 : i32
        %dma_start3A_297 = tpu.memref_slice %arg4[%add3A_276, %dma_start3A_296] : memref<2560x128xi32, #tpu.memory_space<hbm>> -> memref<8x128xi32, #tpu.memory_space<hbm>>
        %dma_start3A_298 = arith.constant 0 : i32
        %dma_start3A_299 = arith.constant 0 : i32
        %dma_start3A_300 = tpu.memref_slice %arg10[%sub3A_291, %dma_start3A_298, %dma_start3A_299] : memref<2x8x128xi32, #tpu.memory_space<vmem>> -> memref<1x8x128xi32, #tpu.memory_space<vmem>>
        %dma_start3A_301 = tpu.memref_squeeze %dma_start3A_300 : memref<1x8x128xi32, #tpu.memory_space<vmem>> -> memref<8x128xi32, #tpu.memory_space<vmem>>
        %dma_start3A_302 = arith.constant 0 : i32
        %dma_start3A_303 = tpu.memref_slice %arg4[%add3A_276, %dma_start3A_302] : memref<2560x128xi32, #tpu.memory_space<hbm>> -> memref<8x128xi32, #tpu.memory_space<hbm>>
        tpu.enqueue_dma source(%dma_start3A_303 : memref<8x128xi32, #tpu.memory_space<hbm>>) target(%dma_start3A_301 : memref<8x128xi32, #tpu.memory_space<vmem>>) target_semaphore(%arg16 : memref<!tpu.dma_semaphore, #tpu.memory_space<semaphore_mem>>)
      } else {
      }
      %dma_start3A_87 = arith.constant 0 : i32
      %dma_start3A_88 = arith.constant 0 : i32
      %dma_start3A_89 = arith.constant 0 : i32
      %dma_start3A_90 = tpu.memref_slice %arg9[%rem3A_54, %dma_start3A_88, %dma_start3A_89] : memref<2x8x128xi32, #tpu.memory_space<vmem>> -> memref<1x8x128xi32, #tpu.memory_space<vmem>>
      %dma_start3A_91 = tpu.memref_squeeze %dma_start3A_90 : memref<1x8x128xi32, #tpu.memory_space<vmem>> -> memref<8x128xi32, #tpu.memory_space<vmem>>
      %dma_start3A_92 = arith.constant 0 : i32
      %dma_start3A_93 = tpu.memref_slice %dma_start3A_91[%dma_start3A_87, %dma_start3A_92] : memref<8x128xi32, #tpu.memory_space<vmem>> -> memref<1x128xi32, #tpu.memory_space<vmem>>
      %dma_start3A_94 = tpu.memref_squeeze %dma_start3A_93 : memref<1x128xi32, #tpu.memory_space<vmem>> -> memref<128xi32, #tpu.memory_space<vmem>>
      %dma_start3A_95 = arith.constant 0 : i32
      %dma_start3A_96 = arith.constant 0 : i32
      %dma_start3A_97 = tpu.memref_slice %arg7[%dma_start3A_95, %dma_start3A_96] : memref<10000x64xf32, #tpu.memory_space<vmem_shared>> -> memref<10000x64xf32, #tpu.memory_space<vmem_shared>>
      tpu.enqueue_indirect_dma source(%dma_start3A_97 : memref<10000x64xf32, #tpu.memory_space<vmem_shared>>) target(%arg11 : memref<128x64xf32, #tpu.memory_space<vmem>>) offsets(%dma_start3A_94 : memref<128xi32, #tpu.memory_space<vmem>>) semaphore(%arg13 : memref<!tpu.dma_semaphore, #tpu.memory_space<semaphore_mem>>)
      %dma_wait3A_98 = arith.constant 0 : i32
      %dma_wait3A_99 = arith.constant 0 : i32
      %dma_wait3A_100 = arith.constant 0 : i32
      %dma_wait3A_101 = tpu.memref_slice %arg9[%rem3A_54, %dma_wait3A_99, %dma_wait3A_100] : memref<2x8x128xi32, #tpu.memory_space<vmem>> -> memref<1x8x128xi32, #tpu.memory_space<vmem>>
      %dma_wait3A_102 = tpu.memref_squeeze %dma_wait3A_101 : memref<1x8x128xi32, #tpu.memory_space<vmem>> -> memref<8x128xi32, #tpu.memory_space<vmem>>
      %dma_wait3A_103 = arith.constant 0 : i32
      %dma_wait3A_104 = tpu.memref_slice %dma_wait3A_102[%dma_wait3A_98, %dma_wait3A_103] : memref<8x128xi32, #tpu.memory_space<vmem>> -> memref<1x128xi32, #tpu.memory_space<vmem>>
      %dma_wait3A_105 = tpu.memref_squeeze %dma_wait3A_104 : memref<1x128xi32, #tpu.memory_space<vmem>> -> memref<128xi32, #tpu.memory_space<vmem>>
      %dma_wait3A_106 = arith.constant 0 : i32
      %dma_wait3A_107 = arith.constant 0 : i32
      %dma_wait3A_108 = tpu.memref_slice %arg7[%dma_wait3A_106, %dma_wait3A_107] : memref<10000x64xf32, #tpu.memory_space<vmem_shared>> -> memref<10000x64xf32, #tpu.memory_space<vmem_shared>>
      tpu.wait_indirect_dma semaphore(%arg13 : memref<!tpu.dma_semaphore, #tpu.memory_space<semaphore_mem>>) src(%dma_wait3A_108 : memref<10000x64xf32, #tpu.memory_space<vmem_shared>>) dst(%arg11 : memref<128x64xf32, #tpu.memory_space<vmem>>)
      %dma_start3A_109 = arith.constant 1 : i32
      %dma_start3A_110 = arith.constant 0 : i32
      %dma_start3A_111 = arith.constant 0 : i32
      %dma_start3A_112 = tpu.memref_slice %arg9[%rem3A_54, %dma_start3A_110, %dma_start3A_111] : memref<2x8x128xi32, #tpu.memory_space<vmem>> -> memref<1x8x128xi32, #tpu.memory_space<vmem>>
      %dma_start3A_113 = tpu.memref_squeeze %dma_start3A_112 : memref<1x8x128xi32, #tpu.memory_space<vmem>> -> memref<8x128xi32, #tpu.memory_space<vmem>>
      %dma_start3A_114 = arith.constant 0 : i32
      %dma_start3A_115 = tpu.memref_slice %dma_start3A_113[%dma_start3A_109, %dma_start3A_114] : memref<8x128xi32, #tpu.memory_space<vmem>> -> memref<1x128xi32, #tpu.memory_space<vmem>>
      %dma_start3A_116 = tpu.memref_squeeze %dma_start3A_115 : memref<1x128xi32, #tpu.memory_space<vmem>> -> memref<128xi32, #tpu.memory_space<vmem>>
      %dma_start3A_117 = arith.constant 0 : i32
      %dma_start3A_118 = arith.constant 0 : i32
      %dma_start3A_119 = tpu.memref_slice %arg7[%dma_start3A_117, %dma_start3A_118] : memref<10000x64xf32, #tpu.memory_space<vmem_shared>> -> memref<10000x64xf32, #tpu.memory_space<vmem_shared>>
      tpu.enqueue_indirect_dma source(%dma_start3A_119 : memref<10000x64xf32, #tpu.memory_space<vmem_shared>>) target(%arg12 : memref<128x64xf32, #tpu.memory_space<vmem>>) offsets(%dma_start3A_116 : memref<128xi32, #tpu.memory_space<vmem>>) semaphore(%arg14 : memref<!tpu.dma_semaphore, #tpu.memory_space<semaphore_mem>>)
      %run_scoped3A = arith.constant 0 : i32
      "tpu.region"() ({
        %run_scoped3A_270 = tpu.sem_alloc : memref<!tpu.dma_semaphore, #tpu.memory_space<semaphore_mem>>
        %dma_start3A_271 = arith.constant 0 : i32
        %dma_start3A_272 = arith.constant 0 : i32
        %dma_start3A_273 = tpu.memref_slice %arg10[%rem3A_54, %dma_start3A_271, %dma_start3A_272] : memref<2x8x128xi32, #tpu.memory_space<vmem>> -> memref<1x8x128xi32, #tpu.memory_space<vmem>>
        %dma_start3A_274 = tpu.memref_squeeze %dma_start3A_273 : memref<1x8x128xi32, #tpu.memory_space<vmem>> -> memref<8x128xi32, #tpu.memory_space<vmem>>
        %dma_start3A_275 = arith.constant 0 : i32
        %dma_start3A_276 = tpu.memref_slice %dma_start3A_274[%run_scoped3A, %dma_start3A_275] : memref<8x128xi32, #tpu.memory_space<vmem>> -> memref<1x128xi32, #tpu.memory_space<vmem>>
        %dma_start3A_277 = tpu.memref_squeeze %dma_start3A_276 : memref<1x128xi32, #tpu.memory_space<vmem>> -> memref<128xi32, #tpu.memory_space<vmem>>
        %dma_start3A_278 = arith.constant 0 : i32
        %dma_start3A_279 = arith.constant 0 : i32
        %dma_start3A_280 = tpu.memref_slice %arg8[%dma_start3A_278, %dma_start3A_279] : memref<10112x64xf32, #tpu.memory_space<vmem_shared>> -> memref<10112x64xf32, #tpu.memory_space<vmem_shared>>
        tpu.enqueue_indirect_dma source(%arg11 : memref<128x64xf32, #tpu.memory_space<vmem>>) target(%dma_start3A_280 : memref<10112x64xf32, #tpu.memory_space<vmem_shared>>) offsets(%dma_start3A_277 : memref<128xi32, #tpu.memory_space<vmem>>) semaphore(%run_scoped3A_270 : memref<!tpu.dma_semaphore, #tpu.memory_space<semaphore_mem>>) {add = true}
        %dma_wait3A_281 = arith.constant 0 : i32
        %dma_wait3A_282 = arith.constant 0 : i32
        %dma_wait3A_283 = tpu.memref_slice %arg10[%rem3A_54, %dma_wait3A_281, %dma_wait3A_282] : memref<2x8x128xi32, #tpu.memory_space<vmem>> -> memref<1x8x128xi32, #tpu.memory_space<vmem>>
        %dma_wait3A_284 = tpu.memref_squeeze %dma_wait3A_283 : memref<1x8x128xi32, #tpu.memory_space<vmem>> -> memref<8x128xi32, #tpu.memory_space<vmem>>
        %dma_wait3A_285 = arith.constant 0 : i32
        %dma_wait3A_286 = tpu.memref_slice %dma_wait3A_284[%run_scoped3A, %dma_wait3A_285] : memref<8x128xi32, #tpu.memory_space<vmem>> -> memref<1x128xi32, #tpu.memory_space<vmem>>
        %dma_wait3A_287 = tpu.memref_squeeze %dma_wait3A_286 : memref<1x128xi32, #tpu.memory_space<vmem>> -> memref<128xi32, #tpu.memory_space<vmem>>
        %dma_wait3A_288 = arith.constant 0 : i32
        %dma_wait3A_289 = arith.constant 0 : i32
        %dma_wait3A_290 = tpu.memref_slice %arg8[%dma_wait3A_288, %dma_wait3A_289] : memref<10112x64xf32, #tpu.memory_space<vmem_shared>> -> memref<10112x64xf32, #tpu.memory_space<vmem_shared>>
        tpu.wait_indirect_dma semaphore(%run_scoped3A_270 : memref<!tpu.dma_semaphore, #tpu.memory_space<semaphore_mem>>) src(%arg11 : memref<128x64xf32, #tpu.memory_space<vmem>>) dst(%dma_wait3A_290 : memref<10112x64xf32, #tpu.memory_space<vmem_shared>>)
        tpu.yield
      }) : () -> ()
      %dma_wait3A_120 = arith.constant 1 : i32
      %dma_wait3A_121 = arith.constant 0 : i32
      %dma_wait3A_122 = arith.constant 0 : i32
      %dma_wait3A_123 = tpu.memref_slice %arg9[%rem3A_54, %dma_wait3A_121, %dma_wait3A_122] : memref<2x8x128xi32, #tpu.memory_space<vmem>> -> memref<1x8x128xi32, #tpu.memory_space<vmem>>
      %dma_wait3A_124 = tpu.memref_squeeze %dma_wait3A_123 : memref<1x8x128xi32, #tpu.memory_space<vmem>> -> memref<8x128xi32, #tpu.memory_space<vmem>>
      %dma_wait3A_125 = arith.constant 0 : i32
      %dma_wait3A_126 = tpu.memref_slice %dma_wait3A_124[%dma_wait3A_120, %dma_wait3A_125] : memref<8x128xi32, #tpu.memory_space<vmem>> -> memref<1x128xi32, #tpu.memory_space<vmem>>
      %dma_wait3A_127 = tpu.memref_squeeze %dma_wait3A_126 : memref<1x128xi32, #tpu.memory_space<vmem>> -> memref<128xi32, #tpu.memory_space<vmem>>
      %dma_wait3A_128 = arith.constant 0 : i32
      %dma_wait3A_129 = arith.constant 0 : i32
      %dma_wait3A_130 = tpu.memref_slice %arg7[%dma_wait3A_128, %dma_wait3A_129] : memref<10000x64xf32, #tpu.memory_space<vmem_shared>> -> memref<10000x64xf32, #tpu.memory_space<vmem_shared>>
      tpu.wait_indirect_dma semaphore(%arg14 : memref<!tpu.dma_semaphore, #tpu.memory_space<semaphore_mem>>) src(%dma_wait3A_130 : memref<10000x64xf32, #tpu.memory_space<vmem_shared>>) dst(%arg12 : memref<128x64xf32, #tpu.memory_space<vmem>>)
      %dma_start3A_131 = arith.constant 2 : i32
      %dma_start3A_132 = arith.constant 0 : i32
      %dma_start3A_133 = arith.constant 0 : i32
      %dma_start3A_134 = tpu.memref_slice %arg9[%rem3A_54, %dma_start3A_132, %dma_start3A_133] : memref<2x8x128xi32, #tpu.memory_space<vmem>> -> memref<1x8x128xi32, #tpu.memory_space<vmem>>
      %dma_start3A_135 = tpu.memref_squeeze %dma_start3A_134 : memref<1x8x128xi32, #tpu.memory_space<vmem>> -> memref<8x128xi32, #tpu.memory_space<vmem>>
      %dma_start3A_136 = arith.constant 0 : i32
      %dma_start3A_137 = tpu.memref_slice %dma_start3A_135[%dma_start3A_131, %dma_start3A_136] : memref<8x128xi32, #tpu.memory_space<vmem>> -> memref<1x128xi32, #tpu.memory_space<vmem>>
      %dma_start3A_138 = tpu.memref_squeeze %dma_start3A_137 : memref<1x128xi32, #tpu.memory_space<vmem>> -> memref<128xi32, #tpu.memory_space<vmem>>
      %dma_start3A_139 = arith.constant 0 : i32
      %dma_start3A_140 = arith.constant 0 : i32
      %dma_start3A_141 = tpu.memref_slice %arg7[%dma_start3A_139, %dma_start3A_140] : memref<10000x64xf32, #tpu.memory_space<vmem_shared>> -> memref<10000x64xf32, #tpu.memory_space<vmem_shared>>
      tpu.enqueue_indirect_dma source(%dma_start3A_141 : memref<10000x64xf32, #tpu.memory_space<vmem_shared>>) target(%arg11 : memref<128x64xf32, #tpu.memory_space<vmem>>) offsets(%dma_start3A_138 : memref<128xi32, #tpu.memory_space<vmem>>) semaphore(%arg13 : memref<!tpu.dma_semaphore, #tpu.memory_space<semaphore_mem>>)
      %run_scoped3A_142 = arith.constant 1 : i32
      "tpu.region"() ({
        %run_scoped3A_270 = tpu.sem_alloc : memref<!tpu.dma_semaphore, #tpu.memory_space<semaphore_mem>>
        %dma_start3A_271 = arith.constant 0 : i32
        %dma_start3A_272 = arith.constant 0 : i32
        %dma_start3A_273 = tpu.memref_slice %arg10[%rem3A_54, %dma_start3A_271, %dma_start3A_272] : memref<2x8x128xi32, #tpu.memory_space<vmem>> -> memref<1x8x128xi32, #tpu.memory_space<vmem>>
        %dma_start3A_274 = tpu.memref_squeeze %dma_start3A_273 : memref<1x8x128xi32, #tpu.memory_space<vmem>> -> memref<8x128xi32, #tpu.memory_space<vmem>>
        %dma_start3A_275 = arith.constant 0 : i32
        %dma_start3A_276 = tpu.memref_slice %dma_start3A_274[%run_scoped3A_142, %dma_start3A_275] : memref<8x128xi32, #tpu.memory_space<vmem>> -> memref<1x128xi32, #tpu.memory_space<vmem>>
        %dma_start3A_277 = tpu.memref_squeeze %dma_start3A_276 : memref<1x128xi32, #tpu.memory_space<vmem>> -> memref<128xi32, #tpu.memory_space<vmem>>
        %dma_start3A_278 = arith.constant 0 : i32
        %dma_start3A_279 = arith.constant 0 : i32
        %dma_start3A_280 = tpu.memref_slice %arg8[%dma_start3A_278, %dma_start3A_279] : memref<10112x64xf32, #tpu.memory_space<vmem_shared>> -> memref<10112x64xf32, #tpu.memory_space<vmem_shared>>
        tpu.enqueue_indirect_dma source(%arg12 : memref<128x64xf32, #tpu.memory_space<vmem>>) target(%dma_start3A_280 : memref<10112x64xf32, #tpu.memory_space<vmem_shared>>) offsets(%dma_start3A_277 : memref<128xi32, #tpu.memory_space<vmem>>) semaphore(%run_scoped3A_270 : memref<!tpu.dma_semaphore, #tpu.memory_space<semaphore_mem>>) {add = true}
        %dma_wait3A_281 = arith.constant 0 : i32
        %dma_wait3A_282 = arith.constant 0 : i32
        %dma_wait3A_283 = tpu.memref_slice %arg10[%rem3A_54, %dma_wait3A_281, %dma_wait3A_282] : memref<2x8x128xi32, #tpu.memory_space<vmem>> -> memref<1x8x128xi32, #tpu.memory_space<vmem>>
        %dma_wait3A_284 = tpu.memref_squeeze %dma_wait3A_283 : memref<1x8x128xi32, #tpu.memory_space<vmem>> -> memref<8x128xi32, #tpu.memory_space<vmem>>
        %dma_wait3A_285 = arith.constant 0 : i32
        %dma_wait3A_286 = tpu.memref_slice %dma_wait3A_284[%run_scoped3A_142, %dma_wait3A_285] : memref<8x128xi32, #tpu.memory_space<vmem>> -> memref<1x128xi32, #tpu.memory_space<vmem>>
        %dma_wait3A_287 = tpu.memref_squeeze %dma_wait3A_286 : memref<1x128xi32, #tpu.memory_space<vmem>> -> memref<128xi32, #tpu.memory_space<vmem>>
        %dma_wait3A_288 = arith.constant 0 : i32
        %dma_wait3A_289 = arith.constant 0 : i32
        %dma_wait3A_290 = tpu.memref_slice %arg8[%dma_wait3A_288, %dma_wait3A_289] : memref<10112x64xf32, #tpu.memory_space<vmem_shared>> -> memref<10112x64xf32, #tpu.memory_space<vmem_shared>>
        tpu.wait_indirect_dma semaphore(%run_scoped3A_270 : memref<!tpu.dma_semaphore, #tpu.memory_space<semaphore_mem>>) src(%arg12 : memref<128x64xf32, #tpu.memory_space<vmem>>) dst(%dma_wait3A_290 : memref<10112x64xf32, #tpu.memory_space<vmem_shared>>)
        tpu.yield
      }) : () -> ()
      %dma_wait3A_143 = arith.constant 2 : i32
      %dma_wait3A_144 = arith.constant 0 : i32
      %dma_wait3A_145 = arith.constant 0 : i32
      %dma_wait3A_146 = tpu.memref_slice %arg9[%rem3A_54, %dma_wait3A_144, %dma_wait3A_145] : memref<2x8x128xi32, #tpu.memory_space<vmem>> -> memref<1x8x128xi32, #tpu.memory_space<vmem>>
      %dma_wait3A_147 = tpu.memref_squeeze %dma_wait3A_146 : memref<1x8x128xi32, #tpu.memory_space<vmem>> -> memref<8x128xi32, #tpu.memory_space<vmem>>
      %dma_wait3A_148 = arith.constant 0 : i32
      %dma_wait3A_149 = tpu.memref_slice %dma_wait3A_147[%dma_wait3A_143, %dma_wait3A_148] : memref<8x128xi32, #tpu.memory_space<vmem>> -> memref<1x128xi32, #tpu.memory_space<vmem>>
      %dma_wait3A_150 = tpu.memref_squeeze %dma_wait3A_149 : memref<1x128xi32, #tpu.memory_space<vmem>> -> memref<128xi32, #tpu.memory_space<vmem>>
      %dma_wait3A_151 = arith.constant 0 : i32
      %dma_wait3A_152 = arith.constant 0 : i32
      %dma_wait3A_153 = tpu.memref_slice %arg7[%dma_wait3A_151, %dma_wait3A_152] : memref<10000x64xf32, #tpu.memory_space<vmem_shared>> -> memref<10000x64xf32, #tpu.memory_space<vmem_shared>>
      tpu.wait_indirect_dma semaphore(%arg13 : memref<!tpu.dma_semaphore, #tpu.memory_space<semaphore_mem>>) src(%dma_wait3A_153 : memref<10000x64xf32, #tpu.memory_space<vmem_shared>>) dst(%arg11 : memref<128x64xf32, #tpu.memory_space<vmem>>)
      %dma_start3A_154 = arith.constant 3 : i32
      %dma_start3A_155 = arith.constant 0 : i32
      %dma_start3A_156 = arith.constant 0 : i32
      %dma_start3A_157 = tpu.memref_slice %arg9[%rem3A_54, %dma_start3A_155, %dma_start3A_156] : memref<2x8x128xi32, #tpu.memory_space<vmem>> -> memref<1x8x128xi32, #tpu.memory_space<vmem>>
      %dma_start3A_158 = tpu.memref_squeeze %dma_start3A_157 : memref<1x8x128xi32, #tpu.memory_space<vmem>> -> memref<8x128xi32, #tpu.memory_space<vmem>>
      %dma_start3A_159 = arith.constant 0 : i32
      %dma_start3A_160 = tpu.memref_slice %dma_start3A_158[%dma_start3A_154, %dma_start3A_159] : memref<8x128xi32, #tpu.memory_space<vmem>> -> memref<1x128xi32, #tpu.memory_space<vmem>>
      %dma_start3A_161 = tpu.memref_squeeze %dma_start3A_160 : memref<1x128xi32, #tpu.memory_space<vmem>> -> memref<128xi32, #tpu.memory_space<vmem>>
      %dma_start3A_162 = arith.constant 0 : i32
      %dma_start3A_163 = arith.constant 0 : i32
      %dma_start3A_164 = tpu.memref_slice %arg7[%dma_start3A_162, %dma_start3A_163] : memref<10000x64xf32, #tpu.memory_space<vmem_shared>> -> memref<10000x64xf32, #tpu.memory_space<vmem_shared>>
      tpu.enqueue_indirect_dma source(%dma_start3A_164 : memref<10000x64xf32, #tpu.memory_space<vmem_shared>>) target(%arg12 : memref<128x64xf32, #tpu.memory_space<vmem>>) offsets(%dma_start3A_161 : memref<128xi32, #tpu.memory_space<vmem>>) semaphore(%arg14 : memref<!tpu.dma_semaphore, #tpu.memory_space<semaphore_mem>>)
      %run_scoped3A_165 = arith.constant 2 : i32
      "tpu.region"() ({
        %run_scoped3A_270 = tpu.sem_alloc : memref<!tpu.dma_semaphore, #tpu.memory_space<semaphore_mem>>
        %dma_start3A_271 = arith.constant 0 : i32
        %dma_start3A_272 = arith.constant 0 : i32
        %dma_start3A_273 = tpu.memref_slice %arg10[%rem3A_54, %dma_start3A_271, %dma_start3A_272] : memref<2x8x128xi32, #tpu.memory_space<vmem>> -> memref<1x8x128xi32, #tpu.memory_space<vmem>>
        %dma_start3A_274 = tpu.memref_squeeze %dma_start3A_273 : memref<1x8x128xi32, #tpu.memory_space<vmem>> -> memref<8x128xi32, #tpu.memory_space<vmem>>
        %dma_start3A_275 = arith.constant 0 : i32
        %dma_start3A_276 = tpu.memref_slice %dma_start3A_274[%run_scoped3A_165, %dma_start3A_275] : memref<8x128xi32, #tpu.memory_space<vmem>> -> memref<1x128xi32, #tpu.memory_space<vmem>>
        %dma_start3A_277 = tpu.memref_squeeze %dma_start3A_276 : memref<1x128xi32, #tpu.memory_space<vmem>> -> memref<128xi32, #tpu.memory_space<vmem>>
        %dma_start3A_278 = arith.constant 0 : i32
        %dma_start3A_279 = arith.constant 0 : i32
        %dma_start3A_280 = tpu.memref_slice %arg8[%dma_start3A_278, %dma_start3A_279] : memref<10112x64xf32, #tpu.memory_space<vmem_shared>> -> memref<10112x64xf32, #tpu.memory_space<vmem_shared>>
        tpu.enqueue_indirect_dma source(%arg11 : memref<128x64xf32, #tpu.memory_space<vmem>>) target(%dma_start3A_280 : memref<10112x64xf32, #tpu.memory_space<vmem_shared>>) offsets(%dma_start3A_277 : memref<128xi32, #tpu.memory_space<vmem>>) semaphore(%run_scoped3A_270 : memref<!tpu.dma_semaphore, #tpu.memory_space<semaphore_mem>>) {add = true}
        %dma_wait3A_281 = arith.constant 0 : i32
        %dma_wait3A_282 = arith.constant 0 : i32
        %dma_wait3A_283 = tpu.memref_slice %arg10[%rem3A_54, %dma_wait3A_281, %dma_wait3A_282] : memref<2x8x128xi32, #tpu.memory_space<vmem>> -> memref<1x8x128xi32, #tpu.memory_space<vmem>>
        %dma_wait3A_284 = tpu.memref_squeeze %dma_wait3A_283 : memref<1x8x128xi32, #tpu.memory_space<vmem>> -> memref<8x128xi32, #tpu.memory_space<vmem>>
        %dma_wait3A_285 = arith.constant 0 : i32
        %dma_wait3A_286 = tpu.memref_slice %dma_wait3A_284[%run_scoped3A_165, %dma_wait3A_285] : memref<8x128xi32, #tpu.memory_space<vmem>> -> memref<1x128xi32, #tpu.memory_space<vmem>>
        %dma_wait3A_287 = tpu.memref_squeeze %dma_wait3A_286 : memref<1x128xi32, #tpu.memory_space<vmem>> -> memref<128xi32, #tpu.memory_space<vmem>>
        %dma_wait3A_288 = arith.constant 0 : i32
        %dma_wait3A_289 = arith.constant 0 : i32
        %dma_wait3A_290 = tpu.memref_slice %arg8[%dma_wait3A_288, %dma_wait3A_289] : memref<10112x64xf32, #tpu.memory_space<vmem_shared>> -> memref<10112x64xf32, #tpu.memory_space<vmem_shared>>
        tpu.wait_indirect_dma semaphore(%run_scoped3A_270 : memref<!tpu.dma_semaphore, #tpu.memory_space<semaphore_mem>>) src(%arg11 : memref<128x64xf32, #tpu.memory_space<vmem>>) dst(%dma_wait3A_290 : memref<10112x64xf32, #tpu.memory_space<vmem_shared>>)
        tpu.yield
      }) : () -> ()
      %dma_wait3A_166 = arith.constant 3 : i32
      %dma_wait3A_167 = arith.constant 0 : i32
      %dma_wait3A_168 = arith.constant 0 : i32
      %dma_wait3A_169 = tpu.memref_slice %arg9[%rem3A_54, %dma_wait3A_167, %dma_wait3A_168] : memref<2x8x128xi32, #tpu.memory_space<vmem>> -> memref<1x8x128xi32, #tpu.memory_space<vmem>>
      %dma_wait3A_170 = tpu.memref_squeeze %dma_wait3A_169 : memref<1x8x128xi32, #tpu.memory_space<vmem>> -> memref<8x128xi32, #tpu.memory_space<vmem>>
      %dma_wait3A_171 = arith.constant 0 : i32
      %dma_wait3A_172 = tpu.memref_slice %dma_wait3A_170[%dma_wait3A_166, %dma_wait3A_171] : memref<8x128xi32, #tpu.memory_space<vmem>> -> memref<1x128xi32, #tpu.memory_space<vmem>>
      %dma_wait3A_173 = tpu.memref_squeeze %dma_wait3A_172 : memref<1x128xi32, #tpu.memory_space<vmem>> -> memref<128xi32, #tpu.memory_space<vmem>>
      %dma_wait3A_174 = arith.constant 0 : i32
      %dma_wait3A_175 = arith.constant 0 : i32
      %dma_wait3A_176 = tpu.memref_slice %arg7[%dma_wait3A_174, %dma_wait3A_175] : memref<10000x64xf32, #tpu.memory_space<vmem_shared>> -> memref<10000x64xf32, #tpu.memory_space<vmem_shared>>
      tpu.wait_indirect_dma semaphore(%arg14 : memref<!tpu.dma_semaphore, #tpu.memory_space<semaphore_mem>>) src(%dma_wait3A_176 : memref<10000x64xf32, #tpu.memory_space<vmem_shared>>) dst(%arg12 : memref<128x64xf32, #tpu.memory_space<vmem>>)
      %dma_start3A_177 = arith.constant 4 : i32
      %dma_start3A_178 = arith.constant 0 : i32
      %dma_start3A_179 = arith.constant 0 : i32
      %dma_start3A_180 = tpu.memref_slice %arg9[%rem3A_54, %dma_start3A_178, %dma_start3A_179] : memref<2x8x128xi32, #tpu.memory_space<vmem>> -> memref<1x8x128xi32, #tpu.memory_space<vmem>>
      %dma_start3A_181 = tpu.memref_squeeze %dma_start3A_180 : memref<1x8x128xi32, #tpu.memory_space<vmem>> -> memref<8x128xi32, #tpu.memory_space<vmem>>
      %dma_start3A_182 = arith.constant 0 : i32
      %dma_start3A_183 = tpu.memref_slice %dma_start3A_181[%dma_start3A_177, %dma_start3A_182] : memref<8x128xi32, #tpu.memory_space<vmem>> -> memref<1x128xi32, #tpu.memory_space<vmem>>
      %dma_start3A_184 = tpu.memref_squeeze %dma_start3A_183 : memref<1x128xi32, #tpu.memory_space<vmem>> -> memref<128xi32, #tpu.memory_space<vmem>>
      %dma_start3A_185 = arith.constant 0 : i32
      %dma_start3A_186 = arith.constant 0 : i32
      %dma_start3A_187 = tpu.memref_slice %arg7[%dma_start3A_185, %dma_start3A_186] : memref<10000x64xf32, #tpu.memory_space<vmem_shared>> -> memref<10000x64xf32, #tpu.memory_space<vmem_shared>>
      tpu.enqueue_indirect_dma source(%dma_start3A_187 : memref<10000x64xf32, #tpu.memory_space<vmem_shared>>) target(%arg11 : memref<128x64xf32, #tpu.memory_space<vmem>>) offsets(%dma_start3A_184 : memref<128xi32, #tpu.memory_space<vmem>>) semaphore(%arg13 : memref<!tpu.dma_semaphore, #tpu.memory_space<semaphore_mem>>)
      %run_scoped3A_188 = arith.constant 3 : i32
      "tpu.region"() ({
        %run_scoped3A_270 = tpu.sem_alloc : memref<!tpu.dma_semaphore, #tpu.memory_space<semaphore_mem>>
        %dma_start3A_271 = arith.constant 0 : i32
        %dma_start3A_272 = arith.constant 0 : i32
        %dma_start3A_273 = tpu.memref_slice %arg10[%rem3A_54, %dma_start3A_271, %dma_start3A_272] : memref<2x8x128xi32, #tpu.memory_space<vmem>> -> memref<1x8x128xi32, #tpu.memory_space<vmem>>
        %dma_start3A_274 = tpu.memref_squeeze %dma_start3A_273 : memref<1x8x128xi32, #tpu.memory_space<vmem>> -> memref<8x128xi32, #tpu.memory_space<vmem>>
        %dma_start3A_275 = arith.constant 0 : i32
        %dma_start3A_276 = tpu.memref_slice %dma_start3A_274[%run_scoped3A_188, %dma_start3A_275] : memref<8x128xi32, #tpu.memory_space<vmem>> -> memref<1x128xi32, #tpu.memory_space<vmem>>
        %dma_start3A_277 = tpu.memref_squeeze %dma_start3A_276 : memref<1x128xi32, #tpu.memory_space<vmem>> -> memref<128xi32, #tpu.memory_space<vmem>>
        %dma_start3A_278 = arith.constant 0 : i32
        %dma_start3A_279 = arith.constant 0 : i32
        %dma_start3A_280 = tpu.memref_slice %arg8[%dma_start3A_278, %dma_start3A_279] : memref<10112x64xf32, #tpu.memory_space<vmem_shared>> -> memref<10112x64xf32, #tpu.memory_space<vmem_shared>>
        tpu.enqueue_indirect_dma source(%arg12 : memref<128x64xf32, #tpu.memory_space<vmem>>) target(%dma_start3A_280 : memref<10112x64xf32, #tpu.memory_space<vmem_shared>>) offsets(%dma_start3A_277 : memref<128xi32, #tpu.memory_space<vmem>>) semaphore(%run_scoped3A_270 : memref<!tpu.dma_semaphore, #tpu.memory_space<semaphore_mem>>) {add = true}
        %dma_wait3A_281 = arith.constant 0 : i32
        %dma_wait3A_282 = arith.constant 0 : i32
        %dma_wait3A_283 = tpu.memref_slice %arg10[%rem3A_54, %dma_wait3A_281, %dma_wait3A_282] : memref<2x8x128xi32, #tpu.memory_space<vmem>> -> memref<1x8x128xi32, #tpu.memory_space<vmem>>
        %dma_wait3A_284 = tpu.memref_squeeze %dma_wait3A_283 : memref<1x8x128xi32, #tpu.memory_space<vmem>> -> memref<8x128xi32, #tpu.memory_space<vmem>>
        %dma_wait3A_285 = arith.constant 0 : i32
        %dma_wait3A_286 = tpu.memref_slice %dma_wait3A_284[%run_scoped3A_188, %dma_wait3A_285] : memref<8x128xi32, #tpu.memory_space<vmem>> -> memref<1x128xi32, #tpu.memory_space<vmem>>
        %dma_wait3A_287 = tpu.memref_squeeze %dma_wait3A_286 : memref<1x128xi32, #tpu.memory_space<vmem>> -> memref<128xi32, #tpu.memory_space<vmem>>
        %dma_wait3A_288 = arith.constant 0 : i32
        %dma_wait3A_289 = arith.constant 0 : i32
        %dma_wait3A_290 = tpu.memref_slice %arg8[%dma_wait3A_288, %dma_wait3A_289] : memref<10112x64xf32, #tpu.memory_space<vmem_shared>> -> memref<10112x64xf32, #tpu.memory_space<vmem_shared>>
        tpu.wait_indirect_dma semaphore(%run_scoped3A_270 : memref<!tpu.dma_semaphore, #tpu.memory_space<semaphore_mem>>) src(%arg12 : memref<128x64xf32, #tpu.memory_space<vmem>>) dst(%dma_wait3A_290 : memref<10112x64xf32, #tpu.memory_space<vmem_shared>>)
        tpu.yield
      }) : () -> ()
      %dma_wait3A_189 = arith.constant 4 : i32
      %dma_wait3A_190 = arith.constant 0 : i32
      %dma_wait3A_191 = arith.constant 0 : i32
      %dma_wait3A_192 = tpu.memref_slice %arg9[%rem3A_54, %dma_wait3A_190, %dma_wait3A_191] : memref<2x8x128xi32, #tpu.memory_space<vmem>> -> memref<1x8x128xi32, #tpu.memory_space<vmem>>
      %dma_wait3A_193 = tpu.memref_squeeze %dma_wait3A_192 : memref<1x8x128xi32, #tpu.memory_space<vmem>> -> memref<8x128xi32, #tpu.memory_space<vmem>>
      %dma_wait3A_194 = arith.constant 0 : i32
      %dma_wait3A_195 = tpu.memref_slice %dma_wait3A_193[%dma_wait3A_189, %dma_wait3A_194] : memref<8x128xi32, #tpu.memory_space<vmem>> -> memref<1x128xi32, #tpu.memory_space<vmem>>
      %dma_wait3A_196 = tpu.memref_squeeze %dma_wait3A_195 : memref<1x128xi32, #tpu.memory_space<vmem>> -> memref<128xi32, #tpu.memory_space<vmem>>
      %dma_wait3A_197 = arith.constant 0 : i32
      %dma_wait3A_198 = arith.constant 0 : i32
      %dma_wait3A_199 = tpu.memref_slice %arg7[%dma_wait3A_197, %dma_wait3A_198] : memref<10000x64xf32, #tpu.memory_space<vmem_shared>> -> memref<10000x64xf32, #tpu.memory_space<vmem_shared>>
      tpu.wait_indirect_dma semaphore(%arg13 : memref<!tpu.dma_semaphore, #tpu.memory_space<semaphore_mem>>) src(%dma_wait3A_199 : memref<10000x64xf32, #tpu.memory_space<vmem_shared>>) dst(%arg11 : memref<128x64xf32, #tpu.memory_space<vmem>>)
      %dma_start3A_200 = arith.constant 5 : i32
      %dma_start3A_201 = arith.constant 0 : i32
      %dma_start3A_202 = arith.constant 0 : i32
      %dma_start3A_203 = tpu.memref_slice %arg9[%rem3A_54, %dma_start3A_201, %dma_start3A_202] : memref<2x8x128xi32, #tpu.memory_space<vmem>> -> memref<1x8x128xi32, #tpu.memory_space<vmem>>
      %dma_start3A_204 = tpu.memref_squeeze %dma_start3A_203 : memref<1x8x128xi32, #tpu.memory_space<vmem>> -> memref<8x128xi32, #tpu.memory_space<vmem>>
      %dma_start3A_205 = arith.constant 0 : i32
      %dma_start3A_206 = tpu.memref_slice %dma_start3A_204[%dma_start3A_200, %dma_start3A_205] : memref<8x128xi32, #tpu.memory_space<vmem>> -> memref<1x128xi32, #tpu.memory_space<vmem>>
      %dma_start3A_207 = tpu.memref_squeeze %dma_start3A_206 : memref<1x128xi32, #tpu.memory_space<vmem>> -> memref<128xi32, #tpu.memory_space<vmem>>
      %dma_start3A_208 = arith.constant 0 : i32
      %dma_start3A_209 = arith.constant 0 : i32
      %dma_start3A_210 = tpu.memref_slice %arg7[%dma_start3A_208, %dma_start3A_209] : memref<10000x64xf32, #tpu.memory_space<vmem_shared>> -> memref<10000x64xf32, #tpu.memory_space<vmem_shared>>
      tpu.enqueue_indirect_dma source(%dma_start3A_210 : memref<10000x64xf32, #tpu.memory_space<vmem_shared>>) target(%arg12 : memref<128x64xf32, #tpu.memory_space<vmem>>) offsets(%dma_start3A_207 : memref<128xi32, #tpu.memory_space<vmem>>) semaphore(%arg14 : memref<!tpu.dma_semaphore, #tpu.memory_space<semaphore_mem>>)
      %run_scoped3A_211 = arith.constant 4 : i32
      "tpu.region"() ({
        %run_scoped3A_270 = tpu.sem_alloc : memref<!tpu.dma_semaphore, #tpu.memory_space<semaphore_mem>>
        %dma_start3A_271 = arith.constant 0 : i32
        %dma_start3A_272 = arith.constant 0 : i32
        %dma_start3A_273 = tpu.memref_slice %arg10[%rem3A_54, %dma_start3A_271, %dma_start3A_272] : memref<2x8x128xi32, #tpu.memory_space<vmem>> -> memref<1x8x128xi32, #tpu.memory_space<vmem>>
        %dma_start3A_274 = tpu.memref_squeeze %dma_start3A_273 : memref<1x8x128xi32, #tpu.memory_space<vmem>> -> memref<8x128xi32, #tpu.memory_space<vmem>>
        %dma_start3A_275 = arith.constant 0 : i32
        %dma_start3A_276 = tpu.memref_slice %dma_start3A_274[%run_scoped3A_211, %dma_start3A_275] : memref<8x128xi32, #tpu.memory_space<vmem>> -> memref<1x128xi32, #tpu.memory_space<vmem>>
        %dma_start3A_277 = tpu.memref_squeeze %dma_start3A_276 : memref<1x128xi32, #tpu.memory_space<vmem>> -> memref<128xi32, #tpu.memory_space<vmem>>
        %dma_start3A_278 = arith.constant 0 : i32
        %dma_start3A_279 = arith.constant 0 : i32
        %dma_start3A_280 = tpu.memref_slice %arg8[%dma_start3A_278, %dma_start3A_279] : memref<10112x64xf32, #tpu.memory_space<vmem_shared>> -> memref<10112x64xf32, #tpu.memory_space<vmem_shared>>
        tpu.enqueue_indirect_dma source(%arg11 : memref<128x64xf32, #tpu.memory_space<vmem>>) target(%dma_start3A_280 : memref<10112x64xf32, #tpu.memory_space<vmem_shared>>) offsets(%dma_start3A_277 : memref<128xi32, #tpu.memory_space<vmem>>) semaphore(%run_scoped3A_270 : memref<!tpu.dma_semaphore, #tpu.memory_space<semaphore_mem>>) {add = true}
        %dma_wait3A_281 = arith.constant 0 : i32
        %dma_wait3A_282 = arith.constant 0 : i32
        %dma_wait3A_283 = tpu.memref_slice %arg10[%rem3A_54, %dma_wait3A_281, %dma_wait3A_282] : memref<2x8x128xi32, #tpu.memory_space<vmem>> -> memref<1x8x128xi32, #tpu.memory_space<vmem>>
        %dma_wait3A_284 = tpu.memref_squeeze %dma_wait3A_283 : memref<1x8x128xi32, #tpu.memory_space<vmem>> -> memref<8x128xi32, #tpu.memory_space<vmem>>
        %dma_wait3A_285 = arith.constant 0 : i32
        %dma_wait3A_286 = tpu.memref_slice %dma_wait3A_284[%run_scoped3A_211, %dma_wait3A_285] : memref<8x128xi32, #tpu.memory_space<vmem>> -> memref<1x128xi32, #tpu.memory_space<vmem>>
        %dma_wait3A_287 = tpu.memref_squeeze %dma_wait3A_286 : memref<1x128xi32, #tpu.memory_space<vmem>> -> memref<128xi32, #tpu.memory_space<vmem>>
        %dma_wait3A_288 = arith.constant 0 : i32
        %dma_wait3A_289 = arith.constant 0 : i32
        %dma_wait3A_290 = tpu.memref_slice %arg8[%dma_wait3A_288, %dma_wait3A_289] : memref<10112x64xf32, #tpu.memory_space<vmem_shared>> -> memref<10112x64xf32, #tpu.memory_space<vmem_shared>>
        tpu.wait_indirect_dma semaphore(%run_scoped3A_270 : memref<!tpu.dma_semaphore, #tpu.memory_space<semaphore_mem>>) src(%arg11 : memref<128x64xf32, #tpu.memory_space<vmem>>) dst(%dma_wait3A_290 : memref<10112x64xf32, #tpu.memory_space<vmem_shared>>)
        tpu.yield
      }) : () -> ()
      %dma_wait3A_212 = arith.constant 5 : i32
      %dma_wait3A_213 = arith.constant 0 : i32
      %dma_wait3A_214 = arith.constant 0 : i32
      %dma_wait3A_215 = tpu.memref_slice %arg9[%rem3A_54, %dma_wait3A_213, %dma_wait3A_214] : memref<2x8x128xi32, #tpu.memory_space<vmem>> -> memref<1x8x128xi32, #tpu.memory_space<vmem>>
      %dma_wait3A_216 = tpu.memref_squeeze %dma_wait3A_215 : memref<1x8x128xi32, #tpu.memory_space<vmem>> -> memref<8x128xi32, #tpu.memory_space<vmem>>
      %dma_wait3A_217 = arith.constant 0 : i32
      %dma_wait3A_218 = tpu.memref_slice %dma_wait3A_216[%dma_wait3A_212, %dma_wait3A_217] : memref<8x128xi32, #tpu.memory_space<vmem>> -> memref<1x128xi32, #tpu.memory_space<vmem>>
      %dma_wait3A_219 = tpu.memref_squeeze %dma_wait3A_218 : memref<1x128xi32, #tpu.memory_space<vmem>> -> memref<128xi32, #tpu.memory_space<vmem>>
      %dma_wait3A_220 = arith.constant 0 : i32
      %dma_wait3A_221 = arith.constant 0 : i32
      %dma_wait3A_222 = tpu.memref_slice %arg7[%dma_wait3A_220, %dma_wait3A_221] : memref<10000x64xf32, #tpu.memory_space<vmem_shared>> -> memref<10000x64xf32, #tpu.memory_space<vmem_shared>>
      tpu.wait_indirect_dma semaphore(%arg14 : memref<!tpu.dma_semaphore, #tpu.memory_space<semaphore_mem>>) src(%dma_wait3A_222 : memref<10000x64xf32, #tpu.memory_space<vmem_shared>>) dst(%arg12 : memref<128x64xf32, #tpu.memory_space<vmem>>)
      %dma_start3A_223 = arith.constant 6 : i32
      %dma_start3A_224 = arith.constant 0 : i32
      %dma_start3A_225 = arith.constant 0 : i32
      %dma_start3A_226 = tpu.memref_slice %arg9[%rem3A_54, %dma_start3A_224, %dma_start3A_225] : memref<2x8x128xi32, #tpu.memory_space<vmem>> -> memref<1x8x128xi32, #tpu.memory_space<vmem>>
      %dma_start3A_227 = tpu.memref_squeeze %dma_start3A_226 : memref<1x8x128xi32, #tpu.memory_space<vmem>> -> memref<8x128xi32, #tpu.memory_space<vmem>>
      %dma_start3A_228 = arith.constant 0 : i32
      %dma_start3A_229 = tpu.memref_slice %dma_start3A_227[%dma_start3A_223, %dma_start3A_228] : memref<8x128xi32, #tpu.memory_space<vmem>> -> memref<1x128xi32, #tpu.memory_space<vmem>>
      %dma_start3A_230 = tpu.memref_squeeze %dma_start3A_229 : memref<1x128xi32, #tpu.memory_space<vmem>> -> memref<128xi32, #tpu.memory_space<vmem>>
      %dma_start3A_231 = arith.constant 0 : i32
      %dma_start3A_232 = arith.constant 0 : i32
      %dma_start3A_233 = tpu.memref_slice %arg7[%dma_start3A_231, %dma_start3A_232] : memref<10000x64xf32, #tpu.memory_space<vmem_shared>> -> memref<10000x64xf32, #tpu.memory_space<vmem_shared>>
      tpu.enqueue_indirect_dma source(%dma_start3A_233 : memref<10000x64xf32, #tpu.memory_space<vmem_shared>>) target(%arg11 : memref<128x64xf32, #tpu.memory_space<vmem>>) offsets(%dma_start3A_230 : memref<128xi32, #tpu.memory_space<vmem>>) semaphore(%arg13 : memref<!tpu.dma_semaphore, #tpu.memory_space<semaphore_mem>>)
      %run_scoped3A_234 = arith.constant 5 : i32
      "tpu.region"() ({
        %run_scoped3A_270 = tpu.sem_alloc : memref<!tpu.dma_semaphore, #tpu.memory_space<semaphore_mem>>
        %dma_start3A_271 = arith.constant 0 : i32
        %dma_start3A_272 = arith.constant 0 : i32
        %dma_start3A_273 = tpu.memref_slice %arg10[%rem3A_54, %dma_start3A_271, %dma_start3A_272] : memref<2x8x128xi32, #tpu.memory_space<vmem>> -> memref<1x8x128xi32, #tpu.memory_space<vmem>>
        %dma_start3A_274 = tpu.memref_squeeze %dma_start3A_273 : memref<1x8x128xi32, #tpu.memory_space<vmem>> -> memref<8x128xi32, #tpu.memory_space<vmem>>
        %dma_start3A_275 = arith.constant 0 : i32
        %dma_start3A_276 = tpu.memref_slice %dma_start3A_274[%run_scoped3A_234, %dma_start3A_275] : memref<8x128xi32, #tpu.memory_space<vmem>> -> memref<1x128xi32, #tpu.memory_space<vmem>>
        %dma_start3A_277 = tpu.memref_squeeze %dma_start3A_276 : memref<1x128xi32, #tpu.memory_space<vmem>> -> memref<128xi32, #tpu.memory_space<vmem>>
        %dma_start3A_278 = arith.constant 0 : i32
        %dma_start3A_279 = arith.constant 0 : i32
        %dma_start3A_280 = tpu.memref_slice %arg8[%dma_start3A_278, %dma_start3A_279] : memref<10112x64xf32, #tpu.memory_space<vmem_shared>> -> memref<10112x64xf32, #tpu.memory_space<vmem_shared>>
        tpu.enqueue_indirect_dma source(%arg12 : memref<128x64xf32, #tpu.memory_space<vmem>>) target(%dma_start3A_280 : memref<10112x64xf32, #tpu.memory_space<vmem_shared>>) offsets(%dma_start3A_277 : memref<128xi32, #tpu.memory_space<vmem>>) semaphore(%run_scoped3A_270 : memref<!tpu.dma_semaphore, #tpu.memory_space<semaphore_mem>>) {add = true}
        %dma_wait3A_281 = arith.constant 0 : i32
        %dma_wait3A_282 = arith.constant 0 : i32
        %dma_wait3A_283 = tpu.memref_slice %arg10[%rem3A_54, %dma_wait3A_281, %dma_wait3A_282] : memref<2x8x128xi32, #tpu.memory_space<vmem>> -> memref<1x8x128xi32, #tpu.memory_space<vmem>>
        %dma_wait3A_284 = tpu.memref_squeeze %dma_wait3A_283 : memref<1x8x128xi32, #tpu.memory_space<vmem>> -> memref<8x128xi32, #tpu.memory_space<vmem>>
        %dma_wait3A_285 = arith.constant 0 : i32
        %dma_wait3A_286 = tpu.memref_slice %dma_wait3A_284[%run_scoped3A_234, %dma_wait3A_285] : memref<8x128xi32, #tpu.memory_space<vmem>> -> memref<1x128xi32, #tpu.memory_space<vmem>>
        %dma_wait3A_287 = tpu.memref_squeeze %dma_wait3A_286 : memref<1x128xi32, #tpu.memory_space<vmem>> -> memref<128xi32, #tpu.memory_space<vmem>>
        %dma_wait3A_288 = arith.constant 0 : i32
        %dma_wait3A_289 = arith.constant 0 : i32
        %dma_wait3A_290 = tpu.memref_slice %arg8[%dma_wait3A_288, %dma_wait3A_289] : memref<10112x64xf32, #tpu.memory_space<vmem_shared>> -> memref<10112x64xf32, #tpu.memory_space<vmem_shared>>
        tpu.wait_indirect_dma semaphore(%run_scoped3A_270 : memref<!tpu.dma_semaphore, #tpu.memory_space<semaphore_mem>>) src(%arg12 : memref<128x64xf32, #tpu.memory_space<vmem>>) dst(%dma_wait3A_290 : memref<10112x64xf32, #tpu.memory_space<vmem_shared>>)
        tpu.yield
      }) : () -> ()
      %dma_wait3A_235 = arith.constant 6 : i32
      %dma_wait3A_236 = arith.constant 0 : i32
      %dma_wait3A_237 = arith.constant 0 : i32
      %dma_wait3A_238 = tpu.memref_slice %arg9[%rem3A_54, %dma_wait3A_236, %dma_wait3A_237] : memref<2x8x128xi32, #tpu.memory_space<vmem>> -> memref<1x8x128xi32, #tpu.memory_space<vmem>>
      %dma_wait3A_239 = tpu.memref_squeeze %dma_wait3A_238 : memref<1x8x128xi32, #tpu.memory_space<vmem>> -> memref<8x128xi32, #tpu.memory_space<vmem>>
      %dma_wait3A_240 = arith.constant 0 : i32
      %dma_wait3A_241 = tpu.memref_slice %dma_wait3A_239[%dma_wait3A_235, %dma_wait3A_240] : memref<8x128xi32, #tpu.memory_space<vmem>> -> memref<1x128xi32, #tpu.memory_space<vmem>>
      %dma_wait3A_242 = tpu.memref_squeeze %dma_wait3A_241 : memref<1x128xi32, #tpu.memory_space<vmem>> -> memref<128xi32, #tpu.memory_space<vmem>>
      %dma_wait3A_243 = arith.constant 0 : i32
      %dma_wait3A_244 = arith.constant 0 : i32
      %dma_wait3A_245 = tpu.memref_slice %arg7[%dma_wait3A_243, %dma_wait3A_244] : memref<10000x64xf32, #tpu.memory_space<vmem_shared>> -> memref<10000x64xf32, #tpu.memory_space<vmem_shared>>
      tpu.wait_indirect_dma semaphore(%arg13 : memref<!tpu.dma_semaphore, #tpu.memory_space<semaphore_mem>>) src(%dma_wait3A_245 : memref<10000x64xf32, #tpu.memory_space<vmem_shared>>) dst(%arg11 : memref<128x64xf32, #tpu.memory_space<vmem>>)
      %dma_start3A_246 = arith.constant 7 : i32
      %dma_start3A_247 = arith.constant 0 : i32
      %dma_start3A_248 = arith.constant 0 : i32
      %dma_start3A_249 = tpu.memref_slice %arg9[%rem3A_54, %dma_start3A_247, %dma_start3A_248] : memref<2x8x128xi32, #tpu.memory_space<vmem>> -> memref<1x8x128xi32, #tpu.memory_space<vmem>>
      %dma_start3A_250 = tpu.memref_squeeze %dma_start3A_249 : memref<1x8x128xi32, #tpu.memory_space<vmem>> -> memref<8x128xi32, #tpu.memory_space<vmem>>
      %dma_start3A_251 = arith.constant 0 : i32
      %dma_start3A_252 = tpu.memref_slice %dma_start3A_250[%dma_start3A_246, %dma_start3A_251] : memref<8x128xi32, #tpu.memory_space<vmem>> -> memref<1x128xi32, #tpu.memory_space<vmem>>
      %dma_start3A_253 = tpu.memref_squeeze %dma_start3A_252 : memref<1x128xi32, #tpu.memory_space<vmem>> -> memref<128xi32, #tpu.memory_space<vmem>>
      %dma_start3A_254 = arith.constant 0 : i32
      %dma_start3A_255 = arith.constant 0 : i32
      %dma_start3A_256 = tpu.memref_slice %arg7[%dma_start3A_254, %dma_start3A_255] : memref<10000x64xf32, #tpu.memory_space<vmem_shared>> -> memref<10000x64xf32, #tpu.memory_space<vmem_shared>>
      tpu.enqueue_indirect_dma source(%dma_start3A_256 : memref<10000x64xf32, #tpu.memory_space<vmem_shared>>) target(%arg12 : memref<128x64xf32, #tpu.memory_space<vmem>>) offsets(%dma_start3A_253 : memref<128xi32, #tpu.memory_space<vmem>>) semaphore(%arg14 : memref<!tpu.dma_semaphore, #tpu.memory_space<semaphore_mem>>)
      %run_scoped3A_257 = arith.constant 6 : i32
      "tpu.region"() ({
        %run_scoped3A_270 = tpu.sem_alloc : memref<!tpu.dma_semaphore, #tpu.memory_space<semaphore_mem>>
        %dma_start3A_271 = arith.constant 0 : i32
        %dma_start3A_272 = arith.constant 0 : i32
        %dma_start3A_273 = tpu.memref_slice %arg10[%rem3A_54, %dma_start3A_271, %dma_start3A_272] : memref<2x8x128xi32, #tpu.memory_space<vmem>> -> memref<1x8x128xi32, #tpu.memory_space<vmem>>
        %dma_start3A_274 = tpu.memref_squeeze %dma_start3A_273 : memref<1x8x128xi32, #tpu.memory_space<vmem>> -> memref<8x128xi32, #tpu.memory_space<vmem>>
        %dma_start3A_275 = arith.constant 0 : i32
        %dma_start3A_276 = tpu.memref_slice %dma_start3A_274[%run_scoped3A_257, %dma_start3A_275] : memref<8x128xi32, #tpu.memory_space<vmem>> -> memref<1x128xi32, #tpu.memory_space<vmem>>
        %dma_start3A_277 = tpu.memref_squeeze %dma_start3A_276 : memref<1x128xi32, #tpu.memory_space<vmem>> -> memref<128xi32, #tpu.memory_space<vmem>>
        %dma_start3A_278 = arith.constant 0 : i32
        %dma_start3A_279 = arith.constant 0 : i32
        %dma_start3A_280 = tpu.memref_slice %arg8[%dma_start3A_278, %dma_start3A_279] : memref<10112x64xf32, #tpu.memory_space<vmem_shared>> -> memref<10112x64xf32, #tpu.memory_space<vmem_shared>>
        tpu.enqueue_indirect_dma source(%arg11 : memref<128x64xf32, #tpu.memory_space<vmem>>) target(%dma_start3A_280 : memref<10112x64xf32, #tpu.memory_space<vmem_shared>>) offsets(%dma_start3A_277 : memref<128xi32, #tpu.memory_space<vmem>>) semaphore(%run_scoped3A_270 : memref<!tpu.dma_semaphore, #tpu.memory_space<semaphore_mem>>) {add = true}
        %dma_wait3A_281 = arith.constant 0 : i32
        %dma_wait3A_282 = arith.constant 0 : i32
        %dma_wait3A_283 = tpu.memref_slice %arg10[%rem3A_54, %dma_wait3A_281, %dma_wait3A_282] : memref<2x8x128xi32, #tpu.memory_space<vmem>> -> memref<1x8x128xi32, #tpu.memory_space<vmem>>
        %dma_wait3A_284 = tpu.memref_squeeze %dma_wait3A_283 : memref<1x8x128xi32, #tpu.memory_space<vmem>> -> memref<8x128xi32, #tpu.memory_space<vmem>>
        %dma_wait3A_285 = arith.constant 0 : i32
        %dma_wait3A_286 = tpu.memref_slice %dma_wait3A_284[%run_scoped3A_257, %dma_wait3A_285] : memref<8x128xi32, #tpu.memory_space<vmem>> -> memref<1x128xi32, #tpu.memory_space<vmem>>
        %dma_wait3A_287 = tpu.memref_squeeze %dma_wait3A_286 : memref<1x128xi32, #tpu.memory_space<vmem>> -> memref<128xi32, #tpu.memory_space<vmem>>
        %dma_wait3A_288 = arith.constant 0 : i32
        %dma_wait3A_289 = arith.constant 0 : i32
        %dma_wait3A_290 = tpu.memref_slice %arg8[%dma_wait3A_288, %dma_wait3A_289] : memref<10112x64xf32, #tpu.memory_space<vmem_shared>> -> memref<10112x64xf32, #tpu.memory_space<vmem_shared>>
        tpu.wait_indirect_dma semaphore(%run_scoped3A_270 : memref<!tpu.dma_semaphore, #tpu.memory_space<semaphore_mem>>) src(%arg11 : memref<128x64xf32, #tpu.memory_space<vmem>>) dst(%dma_wait3A_290 : memref<10112x64xf32, #tpu.memory_space<vmem_shared>>)
        tpu.yield
      }) : () -> ()
      %dma_wait3A_258 = arith.constant 7 : i32
      %dma_wait3A_259 = arith.constant 0 : i32
      %dma_wait3A_260 = arith.constant 0 : i32
      %dma_wait3A_261 = tpu.memref_slice %arg9[%rem3A_54, %dma_wait3A_259, %dma_wait3A_260] : memref<2x8x128xi32, #tpu.memory_space<vmem>> -> memref<1x8x128xi32, #tpu.memory_space<vmem>>
      %dma_wait3A_262 = tpu.memref_squeeze %dma_wait3A_261 : memref<1x8x128xi32, #tpu.memory_space<vmem>> -> memref<8x128xi32, #tpu.memory_space<vmem>>
      %dma_wait3A_263 = arith.constant 0 : i32
      %dma_wait3A_264 = tpu.memref_slice %dma_wait3A_262[%dma_wait3A_258, %dma_wait3A_263] : memref<8x128xi32, #tpu.memory_space<vmem>> -> memref<1x128xi32, #tpu.memory_space<vmem>>
      %dma_wait3A_265 = tpu.memref_squeeze %dma_wait3A_264 : memref<1x128xi32, #tpu.memory_space<vmem>> -> memref<128xi32, #tpu.memory_space<vmem>>
      %dma_wait3A_266 = arith.constant 0 : i32
      %dma_wait3A_267 = arith.constant 0 : i32
      %dma_wait3A_268 = tpu.memref_slice %arg7[%dma_wait3A_266, %dma_wait3A_267] : memref<10000x64xf32, #tpu.memory_space<vmem_shared>> -> memref<10000x64xf32, #tpu.memory_space<vmem_shared>>
      tpu.wait_indirect_dma semaphore(%arg14 : memref<!tpu.dma_semaphore, #tpu.memory_space<semaphore_mem>>) src(%dma_wait3A_268 : memref<10000x64xf32, #tpu.memory_space<vmem_shared>>) dst(%arg12 : memref<128x64xf32, #tpu.memory_space<vmem>>)
      %run_scoped3A_269 = arith.constant 7 : i32
      "tpu.region"() ({
        %run_scoped3A_270 = tpu.sem_alloc : memref<!tpu.dma_semaphore, #tpu.memory_space<semaphore_mem>>
        %dma_start3A_271 = arith.constant 0 : i32
        %dma_start3A_272 = arith.constant 0 : i32
        %dma_start3A_273 = tpu.memref_slice %arg10[%rem3A_54, %dma_start3A_271, %dma_start3A_272] : memref<2x8x128xi32, #tpu.memory_space<vmem>> -> memref<1x8x128xi32, #tpu.memory_space<vmem>>
        %dma_start3A_274 = tpu.memref_squeeze %dma_start3A_273 : memref<1x8x128xi32, #tpu.memory_space<vmem>> -> memref<8x128xi32, #tpu.memory_space<vmem>>
        %dma_start3A_275 = arith.constant 0 : i32
        %dma_start3A_276 = tpu.memref_slice %dma_start3A_274[%run_scoped3A_269, %dma_start3A_275] : memref<8x128xi32, #tpu.memory_space<vmem>> -> memref<1x128xi32, #tpu.memory_space<vmem>>
        %dma_start3A_277 = tpu.memref_squeeze %dma_start3A_276 : memref<1x128xi32, #tpu.memory_space<vmem>> -> memref<128xi32, #tpu.memory_space<vmem>>
        %dma_start3A_278 = arith.constant 0 : i32
        %dma_start3A_279 = arith.constant 0 : i32
        %dma_start3A_280 = tpu.memref_slice %arg8[%dma_start3A_278, %dma_start3A_279] : memref<10112x64xf32, #tpu.memory_space<vmem_shared>> -> memref<10112x64xf32, #tpu.memory_space<vmem_shared>>
        tpu.enqueue_indirect_dma source(%arg12 : memref<128x64xf32, #tpu.memory_space<vmem>>) target(%dma_start3A_280 : memref<10112x64xf32, #tpu.memory_space<vmem_shared>>) offsets(%dma_start3A_277 : memref<128xi32, #tpu.memory_space<vmem>>) semaphore(%run_scoped3A_270 : memref<!tpu.dma_semaphore, #tpu.memory_space<semaphore_mem>>) {add = true}
        %dma_wait3A_281 = arith.constant 0 : i32
        %dma_wait3A_282 = arith.constant 0 : i32
        %dma_wait3A_283 = tpu.memref_slice %arg10[%rem3A_54, %dma_wait3A_281, %dma_wait3A_282] : memref<2x8x128xi32, #tpu.memory_space<vmem>> -> memref<1x8x128xi32, #tpu.memory_space<vmem>>
        %dma_wait3A_284 = tpu.memref_squeeze %dma_wait3A_283 : memref<1x8x128xi32, #tpu.memory_space<vmem>> -> memref<8x128xi32, #tpu.memory_space<vmem>>
        %dma_wait3A_285 = arith.constant 0 : i32
        %dma_wait3A_286 = tpu.memref_slice %dma_wait3A_284[%run_scoped3A_269, %dma_wait3A_285] : memref<8x128xi32, #tpu.memory_space<vmem>> -> memref<1x128xi32, #tpu.memory_space<vmem>>
        %dma_wait3A_287 = tpu.memref_squeeze %dma_wait3A_286 : memref<1x128xi32, #tpu.memory_space<vmem>> -> memref<128xi32, #tpu.memory_space<vmem>>
        %dma_wait3A_288 = arith.constant 0 : i32
        %dma_wait3A_289 = arith.constant 0 : i32
        %dma_wait3A_290 = tpu.memref_slice %arg8[%dma_wait3A_288, %dma_wait3A_289] : memref<10112x64xf32, #tpu.memory_space<vmem_shared>> -> memref<10112x64xf32, #tpu.memory_space<vmem_shared>>
        tpu.wait_indirect_dma semaphore(%run_scoped3A_270 : memref<!tpu.dma_semaphore, #tpu.memory_space<semaphore_mem>>) src(%arg12 : memref<128x64xf32, #tpu.memory_space<vmem>>) dst(%dma_wait3A_290 : memref<10112x64xf32, #tpu.memory_space<vmem_shared>>)
        tpu.yield
      }) : () -> ()
    }
    %scan3A_42 = arith.constant 20 : i32
    %barrier3A_43 = arith.constant 0 : index
    tpu.barrier barrier_id(%barrier3A_43)
    %mul3A_44 = arith.constant 624 : i32
    %mul3A_45 = arith.muli %arg1, %mul3A_44 : i32
    %mul3A_46 = arith.constant 624 : i32
    %mul3A_47 = arith.muli %arg1, %mul3A_46 : i32
    "tpu.region"() ({
      %run_scoped3A = tpu.sem_alloc : memref<!tpu.dma_semaphore, #tpu.memory_space<semaphore_mem>>
      %dma_start3A_53 = arith.constant 0 : i32
      %dma_start3A_54 = tpu.memref_slice %arg6[%arg0, %mul3A_47, %dma_start3A_53] : memref<2x10000x64xf32, #tpu.memory_space<hbm>> -> memref<1x624x64xf32, #tpu.memory_space<hbm>>
      %dma_start3A_55 = tpu.memref_squeeze %dma_start3A_54 : memref<1x624x64xf32, #tpu.memory_space<hbm>> -> memref<624x64xf32, #tpu.memory_space<hbm>>
      %dma_start3A_56 = arith.constant 0 : i32
      %dma_start3A_57 = tpu.memref_slice %arg8[%mul3A_45, %dma_start3A_56] : memref<10112x64xf32, #tpu.memory_space<vmem_shared>> -> memref<624x64xf32, #tpu.memory_space<vmem_shared>>
      tpu.enqueue_dma source(%dma_start3A_57 : memref<624x64xf32, #tpu.memory_space<vmem_shared>>) target(%dma_start3A_55 : memref<624x64xf32, #tpu.memory_space<hbm>>) target_semaphore(%run_scoped3A : memref<!tpu.dma_semaphore, #tpu.memory_space<semaphore_mem>>)
      %dma_wait3A = arith.constant 0 : i32
      %dma_wait3A_58 = tpu.memref_slice %arg6[%arg0, %mul3A_47, %dma_wait3A] : memref<2x10000x64xf32, #tpu.memory_space<hbm>> -> memref<1x624x64xf32, #tpu.memory_space<hbm>>
      %dma_wait3A_59 = tpu.memref_squeeze %dma_wait3A_58 : memref<1x624x64xf32, #tpu.memory_space<hbm>> -> memref<624x64xf32, #tpu.memory_space<hbm>>
      %dma_wait3A_60 = arith.constant 0 : i32
      %dma_wait3A_61 = tpu.memref_slice %arg8[%mul3A_45, %dma_wait3A_60] : memref<10112x64xf32, #tpu.memory_space<vmem_shared>> -> memref<624x64xf32, #tpu.memory_space<vmem_shared>>
      tpu.wait_dma2 semaphore(%run_scoped3A : memref<!tpu.dma_semaphore, #tpu.memory_space<semaphore_mem>>) src(%dma_wait3A_61 : memref<624x64xf32, #tpu.memory_space<vmem_shared>>) dst(%dma_wait3A_59 : memref<624x64xf32, #tpu.memory_space<hbm>>)
      tpu.yield
    }) : () -> ()
    %eq3A_48 = arith.constant 15 : i32
    %eq3A_49 = arith.cmpi eq, %arg1, %eq3A_48 : i32
    %convert_element_type3A_50 = arith.extui %eq3A_49 : i1 to i32
    %cond3A_51 = arith.constant 0 : i32
    %cond3A_52 = arith.cmpi ne, %convert_element_type3A_50, %cond3A_51 : i32
    scf.if %cond3A_52 {
      "tpu.region"() ({
        %run_scoped3A = tpu.sem_alloc : memref<!tpu.dma_semaphore, #tpu.memory_space<semaphore_mem>>
        %dma_start3A_53 = arith.constant 9984 : i32
        %dma_start3A_54 = arith.constant 0 : i32
        %dma_start3A_55 = tpu.memref_slice %arg6[%arg0, %dma_start3A_53, %dma_start3A_54] : memref<2x10000x64xf32, #tpu.memory_space<hbm>> -> memref<1x16x64xf32, #tpu.memory_space<hbm>>
        %dma_start3A_56 = tpu.memref_squeeze %dma_start3A_55 : memref<1x16x64xf32, #tpu.memory_space<hbm>> -> memref<16x64xf32, #tpu.memory_space<hbm>>
        %dma_start3A_57 = arith.constant 9984 : i32
        %dma_start3A_58 = arith.constant 0 : i32
        %dma_start3A_59 = tpu.memref_slice %arg8[%dma_start3A_57, %dma_start3A_58] : memref<10112x64xf32, #tpu.memory_space<vmem_shared>> -> memref<16x64xf32, #tpu.memory_space<vmem_shared>>
        tpu.enqueue_dma source(%dma_start3A_59 : memref<16x64xf32, #tpu.memory_space<vmem_shared>>) target(%dma_start3A_56 : memref<16x64xf32, #tpu.memory_space<hbm>>) target_semaphore(%run_scoped3A : memref<!tpu.dma_semaphore, #tpu.memory_space<semaphore_mem>>)
        %dma_wait3A = arith.constant 9984 : i32
        %dma_wait3A_60 = arith.constant 0 : i32
        %dma_wait3A_61 = tpu.memref_slice %arg6[%arg0, %dma_wait3A, %dma_wait3A_60] : memref<2x10000x64xf32, #tpu.memory_space<hbm>> -> memref<1x16x64xf32, #tpu.memory_space<hbm>>
        %dma_wait3A_62 = tpu.memref_squeeze %dma_wait3A_61 : memref<1x16x64xf32, #tpu.memory_space<hbm>> -> memref<16x64xf32, #tpu.memory_space<hbm>>
        %dma_wait3A_63 = arith.constant 9984 : i32
        %dma_wait3A_64 = arith.constant 0 : i32
        %dma_wait3A_65 = tpu.memref_slice %arg8[%dma_wait3A_63, %dma_wait3A_64] : memref<10112x64xf32, #tpu.memory_space<vmem_shared>> -> memref<16x64xf32, #tpu.memory_space<vmem_shared>>
        tpu.wait_dma2 semaphore(%run_scoped3A : memref<!tpu.dma_semaphore, #tpu.memory_space<semaphore_mem>>) src(%dma_wait3A_65 : memref<16x64xf32, #tpu.memory_space<vmem_shared>>) dst(%dma_wait3A_62 : memref<16x64xf32, #tpu.memory_space<hbm>>)
        tpu.yield
      }) : () -> ()
    } else {
    }
    return
  }
}

module attributes {stable_mosaic.version = 14 : i64} {
  func.func @body(%arg0: i32, %arg1: memref<2x1000x64xf32, #tpu.memory_space<vmem>>, %arg2: memref<128x128xf32, #tpu.memory_space<vmem>>, %arg3: memref<1x128xf32, #tpu.memory_space<vmem>>, %arg4: memref<2x1000x64xf32, #tpu.memory_space<vmem>>) attributes {dimension_semantics = [#tpu.dimension_semantics<arbitrary>], iteration_bounds = array<i64: 10>, scalar_prefetch = 0 : i64, scratch_operands = 0 : i64, tpu.core_type = #tpu.core_type<tc>, window_params = [{transform_indices = @transform_0, window_bounds = array<i64: 2, 1000, 64>}, {pipeline_mode = #tpu.pipeline_mode<synchronous>, transform_indices = @transform_1, window_bounds = array<i64: 128, 128>}, {pipeline_mode = #tpu.pipeline_mode<synchronous>, transform_indices = @transform_2, window_bounds = array<i64: 1, 128>}, {transform_indices = @transform_3, window_bounds = array<i64: 2, 1000, 64>}]} {
    %get3A = arith.constant 0 : index
    %get3A_0 = arith.constant 0 : index
    %get3A_1 = arith.constant 0 : index
    %get3A_2 = vector.load %arg1[%get3A, %get3A_0, %get3A_1] : memref<2x1000x64xf32, #tpu.memory_space<vmem>>, vector<2x1000x64xf32>
    %slice3A = vector.extract_strided_slice %get3A_2 {offsets = [0, 0, 0], sizes = [1, 1000, 64], strides = [1, 1, 1]} : vector<2x1000x64xf32> to vector<1x1000x64xf32>
    %squeeze3A = vector.shape_cast %slice3A : vector<1x1000x64xf32> to vector<1000x64xf32>
    %get3A_3 = arith.constant 0 : index
    %get3A_4 = arith.constant 0 : index
    %get3A_5 = vector.load %arg2[%get3A_3, %get3A_4] : memref<128x128xf32, #tpu.memory_space<vmem>>, vector<64x128xf32>
    %dot_general3A = arith.constant dense<0.000000e+00> : vector<1000x128xf32>
    %dot_general3A_6 = tpu.matmul %squeeze3A, %get3A_5, %dot_general3A {dimension_numbers = #tpu.dot_dimension_numbers<[1], [0], [0], [1], [0, 0, 1, 1], [], []>, transpose_lhs_hint = false} : vector<1000x64xf32>, vector<64x128xf32>, vector<1000x128xf32> -> vector<1000x128xf32>
    %slice3A_7 = vector.extract_strided_slice %get3A_2 {offsets = [1, 0, 0], sizes = [1, 1000, 64], strides = [1, 1, 1]} : vector<2x1000x64xf32> to vector<1x1000x64xf32>
    %squeeze3A_8 = vector.shape_cast %slice3A_7 : vector<1x1000x64xf32> to vector<1000x64xf32>
    %get3A_9 = arith.constant 64 : index
    %get3A_10 = arith.constant 0 : index
    %get3A_11 = vector.load %arg2[%get3A_9, %get3A_10] : memref<128x128xf32, #tpu.memory_space<vmem>>, vector<64x128xf32>
    %dot_general3A_12 = arith.constant dense<0.000000e+00> : vector<1000x128xf32>
    %dot_general3A_13 = tpu.matmul %squeeze3A_8, %get3A_11, %dot_general3A_12 {dimension_numbers = #tpu.dot_dimension_numbers<[1], [0], [0], [1], [0, 0, 1, 1], [], []>, transpose_lhs_hint = false} : vector<1000x64xf32>, vector<64x128xf32>, vector<1000x128xf32> -> vector<1000x128xf32>
    %add3A = arith.addf %dot_general3A_6, %dot_general3A_13 : vector<1000x128xf32>
    %get3A_14 = arith.constant 0 : index
    %get3A_15 = arith.constant 0 : index
    %get3A_16 = vector.load %arg3[%get3A_14, %get3A_15] : memref<1x128xf32, #tpu.memory_space<vmem>>, vector<1x128xf32>
    %add3A_17 = vector.broadcast %get3A_16 : vector<1x128xf32> to vector<1000x128xf32>
    %add3A_18 = arith.addf %add3A, %add3A_17 : vector<1000x128xf32>
    %max3A = arith.constant 0.000000e+00 : f32
    %max3A_19 = vector.broadcast %max3A : f32 to vector<1000x128xf32>
    %max3A_20 = arith.maximumf %add3A_18, %max3A_19 : vector<1000x128xf32>
    %slice3A_21 = vector.extract_strided_slice %max3A_20 {offsets = [0, 0], sizes = [1000, 64], strides = [1, 1]} : vector<1000x128xf32> to vector<1000x64xf32>
    %slice3A_22 = vector.extract_strided_slice %max3A_20 {offsets = [0, 64], sizes = [1000, 64], strides = [1, 1]} : vector<1000x128xf32> to vector<1000x64xf32>
    %stack3A = vector.shape_cast %slice3A_21 : vector<1000x64xf32> to vector<1x1000x64xf32>
    %stack3A_23 = vector.shape_cast %slice3A_22 : vector<1000x64xf32> to vector<1x1000x64xf32>
    %stack3A_24 = tpu.concatenate %stack3A, %stack3A_23 in 0 : vector<1x1000x64xf32>, vector<1x1000x64xf32> -> vector<2x1000x64xf32>
    %swap3A = arith.constant 0 : index
    %swap3A_25 = arith.constant 0 : index
    %swap3A_26 = arith.constant 0 : index
    %swap3A_27 = vector.load %arg4[%swap3A, %swap3A_25, %swap3A_26] : memref<2x1000x64xf32, #tpu.memory_space<vmem>>, vector<2x1000x64xf32>
    tpu.vector_store %arg4[%swap3A, %swap3A_25, %swap3A_26], %stack3A_24 {strides = array<i32>} : memref<2x1000x64xf32, #tpu.memory_space<vmem>>, vector<2x1000x64xf32>,
    return
  }
  func.func @transform_0(%arg0: i32) -> (i32, i32, i32) {
    %c0_i32 = arith.constant 0 : i32
    %c0_i32_0 = arith.constant 0 : i32
    %c0_i32_1 = arith.constant 0 : i32
    return %c0_i32, %arg0, %c0_i32_0 : i32, i32, i32
  }
  func.func @transform_1(%arg0: i32) -> (i32, i32) {
    %c0_i32 = arith.constant 0 : i32
    %c0_i32_0 = arith.constant 0 : i32
    %c0_i32_1 = arith.constant 0 : i32
    return %c0_i32, %c0_i32_0 : i32, i32
  }
  func.func @transform_2(%arg0: i32) -> (i32, i32) {
    %c0_i32 = arith.constant 0 : i32
    %c0_i32_0 = arith.constant 0 : i32
    %c0_i32_1 = arith.constant 0 : i32
    return %c0_i32, %c0_i32_0 : i32, i32
  }
  func.func @transform_3(%arg0: i32) -> (i32, i32, i32) {
    %c0_i32 = arith.constant 0 : i32
    %c0_i32_0 = arith.constant 0 : i32
    %c0_i32_1 = arith.constant 0 : i32
    return %c0_i32, %arg0, %c0_i32_0 : i32, i32, i32
  }
}

module attributes {stable_mosaic.version = 14 : i64} {
  func.func @body(%arg0: i32, %arg1: memref<2x1000x64xf32, #tpu.memory_space<vmem>>, %arg2: memref<128x128xf32, #tpu.memory_space<vmem>>, %arg3: memref<1x128xf32, #tpu.memory_space<vmem>>, %arg4: memref<1x128xf32, #tpu.memory_space<vmem>>, %arg5: memref<1x1xf32, #tpu.memory_space<vmem>>, %arg6: memref<1x1xf32, #tpu.memory_space<vmem>>, %arg7: memref<1x128xf32, #tpu.memory_space<vmem>>) attributes {dimension_semantics = [#tpu.dimension_semantics<arbitrary>], iteration_bounds = array<i64: 10>, scalar_prefetch = 0 : i64, scratch_operands = 1 : i64, tpu.core_type = #tpu.core_type<tc>, window_params = [{transform_indices = @transform_0, window_bounds = array<i64: 2, 1000, 64>}, {pipeline_mode = #tpu.pipeline_mode<synchronous>, transform_indices = @transform_1, window_bounds = array<i64: 128, 128>}, {pipeline_mode = #tpu.pipeline_mode<synchronous>, transform_indices = @transform_2, window_bounds = array<i64: 1, 128>}, {pipeline_mode = #tpu.pipeline_mode<synchronous>, transform_indices = @transform_3, window_bounds = array<i64: 1, 128>}, {pipeline_mode = #tpu.pipeline_mode<synchronous>, transform_indices = @transform_4, window_bounds = array<i64: 1, 1>}, {pipeline_mode = #tpu.pipeline_mode<synchronous>, transform_indices = @transform_5, window_bounds = array<i64: 1, 1>}]} {
    %get3A = arith.constant 0 : index
    %get3A_0 = arith.constant 0 : index
    %get3A_1 = arith.constant 0 : index
    %get3A_2 = vector.load %arg1[%get3A, %get3A_0, %get3A_1] : memref<2x1000x64xf32, #tpu.memory_space<vmem>>, vector<2x1000x64xf32>
    %slice3A = vector.extract_strided_slice %get3A_2 {offsets = [0, 0, 0], sizes = [1, 1000, 64], strides = [1, 1, 1]} : vector<2x1000x64xf32> to vector<1x1000x64xf32>
    %squeeze3A = vector.shape_cast %slice3A : vector<1x1000x64xf32> to vector<1000x64xf32>
    %get3A_3 = arith.constant 0 : index
    %get3A_4 = arith.constant 0 : index
    %get3A_5 = vector.load %arg2[%get3A_3, %get3A_4] : memref<128x128xf32, #tpu.memory_space<vmem>>, vector<64x128xf32>
    %dot_general3A = arith.constant dense<0.000000e+00> : vector<1000x128xf32>
    %dot_general3A_6 = tpu.matmul %squeeze3A, %get3A_5, %dot_general3A {dimension_numbers = #tpu.dot_dimension_numbers<[1], [0], [0], [1], [0, 0, 1, 1], [], []>, transpose_lhs_hint = false} : vector<1000x64xf32>, vector<64x128xf32>, vector<1000x128xf32> -> vector<1000x128xf32>
    %slice3A_7 = vector.extract_strided_slice %get3A_2 {offsets = [1, 0, 0], sizes = [1, 1000, 64], strides = [1, 1, 1]} : vector<2x1000x64xf32> to vector<1x1000x64xf32>
    %squeeze3A_8 = vector.shape_cast %slice3A_7 : vector<1x1000x64xf32> to vector<1000x64xf32>
    %get3A_9 = arith.constant 64 : index
    %get3A_10 = arith.constant 0 : index
    %get3A_11 = vector.load %arg2[%get3A_9, %get3A_10] : memref<128x128xf32, #tpu.memory_space<vmem>>, vector<64x128xf32>
    %dot_general3A_12 = arith.constant dense<0.000000e+00> : vector<1000x128xf32>
    %dot_general3A_13 = tpu.matmul %squeeze3A_8, %get3A_11, %dot_general3A_12 {dimension_numbers = #tpu.dot_dimension_numbers<[1], [0], [0], [1], [0, 0, 1, 1], [], []>, transpose_lhs_hint = false} : vector<1000x64xf32>, vector<64x128xf32>, vector<1000x128xf32> -> vector<1000x128xf32>
    %add3A = arith.addf %dot_general3A_6, %dot_general3A_13 : vector<1000x128xf32>
    %get3A_14 = arith.constant 0 : index
    %get3A_15 = arith.constant 0 : index
    %get3A_16 = vector.load %arg3[%get3A_14, %get3A_15] : memref<1x128xf32, #tpu.memory_space<vmem>>, vector<1x128xf32>
    %add3A_17 = vector.broadcast %get3A_16 : vector<1x128xf32> to vector<1000x128xf32>
    %add3A_18 = arith.addf %add3A, %add3A_17 : vector<1000x128xf32>
    %max3A = arith.constant 0.000000e+00 : f32
    %max3A_19 = vector.broadcast %max3A : f32 to vector<1000x128xf32>
    %max3A_20 = arith.maximumf %add3A_18, %max3A_19 : vector<1000x128xf32>
    %reduce_sum3A = arith.constant dense<0.000000e+00> : vector<128xf32>
    %reduce_sum3A_21 = vector.multi_reduction <add>, %max3A_20, %reduce_sum3A [0] : vector<1000x128xf32> to vector<128xf32>
    %broadcast_in_dim3A = vector.shape_cast %reduce_sum3A_21 : vector<128xf32> to vector<1x128xf32>
    %eq3A = arith.constant 0 : i32
    %eq3A_22 = arith.cmpi eq, %arg0, %eq3A : i32
    %convert_element_type3A = arith.extui %eq3A_22 : i1 to i32
    %cond3A = arith.constant 0 : i32
    %cond3A_23 = arith.cmpi ne, %convert_element_type3A, %cond3A : i32
    scf.if %cond3A_23 {
      %swap3A = arith.constant 0 : index
      %swap3A_33 = arith.constant 0 : index
      %swap3A_34 = vector.load %arg7[%swap3A, %swap3A_33] : memref<1x128xf32, #tpu.memory_space<vmem>>, vector<1x128xf32>
      tpu.vector_store %arg7[%swap3A, %swap3A_33], %broadcast_in_dim3A {strides = array<i32>} : memref<1x128xf32, #tpu.memory_space<vmem>>, vector<1x128xf32>,
    } else {
    }
    %gt3A = arith.constant 0 : i32
    %gt3A_24 = arith.cmpi sgt, %arg0, %gt3A : i32
    %convert_element_type3A_25 = arith.extui %gt3A_24 : i1 to i32
    %cond3A_26 = arith.constant 0 : i32
    %cond3A_27 = arith.cmpi ne, %convert_element_type3A_25, %cond3A_26 : i32
    scf.if %cond3A_27 {
      %get3A_33 = arith.constant 0 : index
      %get3A_34 = arith.constant 0 : index
      %get3A_35 = vector.load %arg7[%get3A_33, %get3A_34] : memref<1x128xf32, #tpu.memory_space<vmem>>, vector<1x128xf32>
      %add3A_36 = arith.addf %get3A_35, %broadcast_in_dim3A : vector<1x128xf32>
      %swap3A = arith.constant 0 : index
      %swap3A_37 = arith.constant 0 : index
      %swap3A_38 = vector.load %arg7[%swap3A, %swap3A_37] : memref<1x128xf32, #tpu.memory_space<vmem>>, vector<1x128xf32>
      tpu.vector_store %arg7[%swap3A, %swap3A_37], %add3A_36 {strides = array<i32>} : memref<1x128xf32, #tpu.memory_space<vmem>>, vector<1x128xf32>,
    } else {
    }
    %eq3A_28 = arith.constant 9 : i32
    %eq3A_29 = arith.cmpi eq, %arg0, %eq3A_28 : i32
    %convert_element_type3A_30 = arith.extui %eq3A_29 : i1 to i32
    %cond3A_31 = arith.constant 0 : i32
    %cond3A_32 = arith.cmpi ne, %convert_element_type3A_30, %cond3A_31 : i32
    scf.if %cond3A_32 {
      %get3A_33 = arith.constant 0 : index
      %get3A_34 = arith.constant 0 : index
      %get3A_35 = vector.load %arg7[%get3A_33, %get3A_34] : memref<1x128xf32, #tpu.memory_space<vmem>>, vector<1x128xf32>
      %mul3A = arith.constant 9.99999974E-5 : f32
      %mul3A_36 = vector.broadcast %mul3A : f32 to vector<1x128xf32>
      %mul3A_37 = arith.mulf %get3A_35, %mul3A_36 : vector<1x128xf32>
      %get3A_38 = arith.constant 0 : index
      %get3A_39 = arith.constant 0 : index
      %get3A_40 = vector.load %arg4[%get3A_38, %get3A_39] : memref<1x128xf32, #tpu.memory_space<vmem>>, vector<1x128xf32>
      %mul3A_41 = arith.mulf %mul3A_37, %get3A_40 : vector<1x128xf32>
      %reduce_sum3A_42 = arith.constant dense<0.000000e+00> : vector<1xf32>
      %reduce_sum3A_43 = vector.multi_reduction <add>, %mul3A_41, %reduce_sum3A_42 [1] : vector<1x128xf32> to vector<1xf32>
      %broadcast_in_dim3A_44 = vector.shape_cast %reduce_sum3A_43 : vector<1xf32> to vector<1x1xf32>
      %get3A_45 = arith.constant 0 : index
      %get3A_46 = arith.constant 0 : index
      %get3A_47 = vector.load %arg5[%get3A_45, %get3A_46] : memref<1x1xf32, #tpu.memory_space<vmem>>, vector<1x1xf32>
      %add3A_48 = arith.addf %broadcast_in_dim3A_44, %get3A_47 : vector<1x1xf32>
      %swap3A = arith.constant 0 : index
      %swap3A_49 = arith.constant 0 : index
      %swap3A_50 = vector.load %arg6[%swap3A, %swap3A_49] : memref<1x1xf32, #tpu.memory_space<vmem>>, vector<1x1xf32>
      tpu.vector_store %arg6[%swap3A, %swap3A_49], %add3A_48 {strides = array<i32>} : memref<1x1xf32, #tpu.memory_space<vmem>>, vector<1x1xf32>,
    } else {
    }
    return
  }
  func.func @transform_0(%arg0: i32) -> (i32, i32, i32) {
    %c0_i32 = arith.constant 0 : i32
    %c0_i32_0 = arith.constant 0 : i32
    %c0_i32_1 = arith.constant 0 : i32
    return %c0_i32, %arg0, %c0_i32_0 : i32, i32, i32
  }
  func.func @transform_1(%arg0: i32) -> (i32, i32) {
    %c0_i32 = arith.constant 0 : i32
    %c0_i32_0 = arith.constant 0 : i32
    %c0_i32_1 = arith.constant 0 : i32
    return %c0_i32, %c0_i32_0 : i32, i32
  }
  func.func @transform_2(%arg0: i32) -> (i32, i32) {
    %c0_i32 = arith.constant 0 : i32
    %c0_i32_0 = arith.constant 0 : i32
    %c0_i32_1 = arith.constant 0 : i32
    return %c0_i32, %c0_i32_0 : i32, i32
  }
  func.func @transform_3(%arg0: i32) -> (i32, i32) {
    %c0_i32 = arith.constant 0 : i32
    %c0_i32_0 = arith.constant 0 : i32
    %c0_i32_1 = arith.constant 0 : i32
    return %c0_i32, %c0_i32_0 : i32, i32
  }
  func.func @transform_4(%arg0: i32) -> (i32, i32) {
    %c0_i32 = arith.constant 0 : i32
    %c0_i32_0 = arith.constant 0 : i32
    %c0_i32_1 = arith.constant 0 : i32
    return %c0_i32, %c0_i32_0 : i32, i32
  }
  func.func @transform_5(%arg0: i32) -> (i32, i32) {
    %c0_i32 = arith.constant 0 : i32
    %c0_i32_0 = arith.constant 0 : i32
    %c0_i32_1 = arith.constant 0 : i32
    return %c0_i32, %c0_i32_0 : i32, i32
  }
}

</mosaic_0001>

<sc_bundles>
// kernel: kernel.6.cloned.1.call-start
scs
__scs_entry_jumppad:
0x0: {  	(pc) =	sbr.rel $0x88, $3  }
0x1: {  	(tag) =	ssettag $0x0;
	lr =	simm.s32 $0x1  }
0x2: {  	[smem:$0x3F99] =	sst lr;
	_ =	strace $0xD0000000  }
0x3: {  	_ = 	snop  }
0x4: {  	_ = 	snop  }
0x5: {  	_ = 	snop  }
0x6: {  	_ = 	snop  }
0x7: {  	_ = 	snop  }
__scs_overlays_trampoline_lowered:
0x8: {  	[smem:$0x3FA8] =	sst s0  }
0x9: {  	[smem:$0x3FA9] =	sst s1  }
0xa: {  	[smem:$0x3FAA] =	sst s2  }
0xb: {  	[smem:$0x3FAB] =	sst s3  }
0xc: {  	[smem:$0x3FAC] =	sst s4  }
0xd: {  	[smem:$0x3FAD] =	sst s5  }
0xe: {  	[smem:$0x3FAE] =	sst s6  }
0xf: {  	[smem:$0x3FAF] =	sst s7  }
0x10: {  	[smem:$0x3FB0] =	sst s8  }
0x11: {  	[smem:$0x3FB1] =	sst s9;
	s0 =	simm.s32 @!p0 $0x0  }
0x12: {  	s1 =	sld [smem:$0x3F97];
	s0 =	simm.s32 @p0 $0x1  }
0x13: {  	[smem:$0x3FB2] =	sst s0;
	s0 =	simm.s32 @!p1 $0x0  }
0x14: {  	s2 =	sld [smem:$0x3F96];
	s0 =	simm.s32 @p1 $0x1  }
0x15: {  	[smem:$0x3FB3] =	sst s0;
	s0 =	simm.s32 @!p2 $0x0  }
0x16: {  	s3 =	sld [smem:$0x3FDB];
	s0 =	simm.s32 @p2 $0x1  }
0x17: {  	s4 =	simm.s32 $0x1BF5;
	[smem:$0x3FB5] =	sst s0  }
0x18: {  	s0 =	sld [smem:$0x3F98];
	_ =	swait.ge [sflag:s4], $0x0  }
0x19: {  	s7 =	sld [smem:$0x3F99]  }
0x1a: {  	s8 =	sadd.s32 $0xFFFFE003, lr  }
0x1b: {  	s9 =	sadd.s32 $0xFFFFFEF7, lr;
	s5 =	simm.s32 $0xFFFFFFFF;
	p2 =	slt.u32 s8, $0xFFFFF086  }
0x1c: {  	p1 =	slt.u32 s9, $0xF7A;
	s5 =	simm.s32 @!p2 $0x0  }
0x1d: {  	s5 =	simm.s32 @p1 $0x1;
	p0 =	seq.s32 s7, s2  }
0x1e: {  	s7 =	smul.u32 @!p0 $0xF7A, s2;
	p2 =	seq.s32 @!p0 s5, $0x0  }
0x1f: {  	s9 =	smul.u32 $0xF7A, s1;
	s8 =	simm.s32 @!p0 $0x1BF5;
	p2 =	por !p2, p0  }
0x20: {  	[sflag:s8] =	ssyncset.s32 @!p0 $0xFFFFF086;
	s6 =	sadd.s32 @!p0 s3, s7;
	s7 =	simm.s32 @!p0 $0x108  }
0x21: {  	s3 =	sadd.s32 s3, s9;
	s6 =	sadd.s32 @!p0 $0x88, s6;
	s7 =	simm.s32 @p2 $0x1082  }
0x22: {  	[simem:s7], [sflag:s8] =	dma.local @!p0 [hbm:s6], $0xF7A  }
0x23: {  	s9 =	sor.u32 $0xD0000000, s2;
	s6 =	simm.s32 $0x108;
	_ =	swait.ge @!p0 [sflag:s8], $0x0  }
0x24: {  	s3 =	sadd.s32 $0x88, s3;
	s6 =	simm.s32 @!p1 $0x1082;
	[sflag:s4] =	ssyncset.s32 $0xFFFFF086  }
0x25: {  	[simem:s6], [sflag:s4] =	dma.local [hbm:s3], $0xF7A  }
0x26: {  	[smem:$0x3F99] =	sst s1;
	(tag) =	ssettag s2;
	_ =	strace s9  }
0x27: {  	s1 =	sld [smem:$0x3FA9]  }
0x28: {  	s2 =	sld [smem:$0x3FAA]  }
0x29: {  	s4 =	sld [smem:$0x3FAC]  }
0x2a: {  	p0 =	seq.s32 s5, $0x0;
	s5 =	sld [smem:$0x3FAD]  }
0x2b: {  	s6 =	sld [smem:$0x3FAE]  }
0x2c: {  	s7 =	sld [smem:$0x3FAF]  }
0x2d: {  	s3 =	simm.s32 $0x108;
	s8 =	sld [smem:$0x3FB0]  }
0x2e: {  	s3 =	simm.s32 @!p0 $0x1082;
	s9 =	sld [smem:$0x3FB1]  }
0x2f: {  	lr =	sadd.s32 s0, s3;
	s0 =	sld [smem:$0x3FA8]  }
0x30: {  	s3 =	sld [smem:$0x3FAB]  }
0x31: {  	[smem:$0x3FB4] =	sst s10  }
0x32: {  	s10 =	sld [smem:$0x3FB2];
	_ =	sdelay $0x3  }
0x33: {  	p0 =	seq.s32 s10, $0x1;
	s10 =	sld [smem:$0x3FB4];
	_ =	sdelay $0x3  }
0x34: {  	[smem:$0x3FB4] =	sst s10  }
0x35: {  	s10 =	sld [smem:$0x3FB3];
	_ =	sdelay $0x3  }
0x36: {  	p1 =	seq.s32 s10, $0x1;
	s10 =	sld [smem:$0x3FB4];
	_ =	sdelay $0x3  }
0x37: {  	[smem:$0x3FB4] =	sst s10  }
0x38: {  	s10 =	sld [smem:$0x3FB5]  }
0x39: {  	_ = 	snop;
	(pc) =	sbr.ind lr, $3  }
0x3a: {  	_ = 	snop  }
0x3b: {  	_ = 	snop  }
0x3c: {  	p2 =	seq.s32 s10, $0x1;
	s10 =	sld [smem:$0x3FB4]  }
0x3d: {  	_ =	shalt  }
0x3e: {  	_ =	shalt  }
0x3f: {  	_ =	shalt  }
0x40: {  	_ =	shalt  }
0x41: {  	_ =	shalt  }
0x42: {  	_ =	shalt  }
0x43: {  	_ =	shalt  }
0x44: {  	_ =	shalt  }
0x45: {  	_ =	shalt  }
0x46: {  	_ =	shalt  }
0x47: {  	_ =	shalt  }
0x48: {  	_ =	shalt  }
0x49: {  	_ =	shalt  }
0x4a: {  	_ =	shalt  }
0x4b: {  	_ =	shalt  }
0x4c: {  	_ =	shalt  }
0x4d: {  	_ =	shalt  }
0x4e: {  	_ =	shalt  }
0x4f: {  	_ =	shalt  }
0x50: {  	_ =	shalt  }
0x51: {  	_ =	shalt  }
0x52: {  	_ =	shalt  }
0x53: {  	_ =	shalt  }
0x54: {  	_ =	shalt  }
0x55: {  	_ =	shalt  }
0x56: {  	_ =	shalt  }
0x57: {  	_ =	shalt  }
0x58: {  	_ =	shalt  }
0x59: {  	_ =	shalt  }
0x5a: {  	_ =	shalt  }
0x5b: {  	_ =	shalt  }
0x5c: {  	_ =	shalt  }
0x5d: {  	_ =	shalt  }
0x5e: {  	_ =	shalt  }
0x5f: {  	_ =	shalt  }
0x60: {  	_ =	shalt  }
0x61: {  	_ =	shalt  }
0x62: {  	_ =	shalt  }
0x63: {  	_ =	shalt  }
0x64: {  	_ =	shalt  }
0x65: {  	_ =	shalt  }
0x66: {  	_ =	shalt  }
0x67: {  	_ =	shalt  }
0x68: {  	_ =	shalt  }
0x69: {  	_ =	shalt  }
0x6a: {  	_ =	shalt  }
0x6b: {  	_ =	shalt  }
0x6c: {  	_ =	shalt  }
0x6d: {  	_ =	shalt  }
0x6e: {  	_ =	shalt  }
0x6f: {  	_ =	shalt  }
0x70: {  	_ =	shalt  }
0x71: {  	_ =	shalt  }
0x72: {  	_ =	shalt  }
0x73: {  	_ =	shalt  }
0x74: {  	_ =	shalt  }
0x75: {  	_ =	shalt  }
0x76: {  	_ =	shalt  }
0x77: {  	_ =	shalt  }
0x78: {  	_ =	shalt  }
0x79: {  	_ =	shalt  }
0x7a: {  	_ =	shalt  }
0x7b: {  	_ =	shalt  }
0x7c: {  	_ =	shalt  }
0x7d: {  	_ =	shalt  }
0x7e: {  	_ =	shalt  }
0x7f: {  	_ =	shalt  }
0x80: {  	_ =	shalt  }
0x81: {  	_ =	shalt  }
0x82: {  	_ =	shalt  }
0x83: {  	_ =	shalt  }
0x84: {  	_ =	shalt  }
0x85: {  	_ =	shalt  }
0x86: {  	_ =	shalt  }
0x87: {  	_ =	shalt  }
.Lfunc_end0:
.L_simem_size_0:
called_computation_lowered:
.L_overlay_start_0:
0x88: {  	s2 =	sld [smem:$0x3FD9]  }
0x89: {  	s3 =	sld [smem:$0x3FFE];
	_ =	sdelay $0x1  }
0x8a: {  	s1 =	srdreg.scid  }
0x8b: {  	s0 =	sand.u32 $0x1, s1  }
0x8c: {  	s16 =	sshll.u32 s0, $0xA;
	s2 =	sadd.s32 s3, s2  }
0x8d: {  	s2 =	sadd.s32 s2, s16  }
0x8e: {  	[smem:$0x3FC0] =	sst s2  }
0x8f: {  	_ = 	snop  }
0x90: {  	(tm) =	ssettm $0x1  }
0x91: {  	s17 =	sld [smem:$0x3FFB];
	_ =	sdelay $0x3  }
0x92: {  	_ =	strace s17  }
0x93: {  	s2 =	sld [smem:$0x3FFC];
	_ =	sdelay $0x3  }
0x94: {  	_ =	strace s2  }
0x95: {  	s2 =	sld [smem:$0x3FFD];
	_ =	sdelay $0x3  }
0x96: {  	_ =	strace s2  }
0x97: {  	_ =	strace $0x8FFFFFFF  }
0x98: {  	s18 =	sld [smem:$0x3FDB];
	_ =	sdelay $0x1  }
0x99: {  	s19 =	simm.s32 $_scs_section_size  }
0x9a: {  	s4 =	simm.s32 $_size__tile_overlayer_lowered;
	s5 =	simm.s32 $_tile_overlayer_lowered  }
0x9b: {  	s22 =	simm.s32 $0x1BFF;
	s21 =	sshll.u32 s5, $0x1;
	s2 =	sadd.s32 s19, s18  }
0x9c: {  	s6 =	simm.s32 $0x0;
	s20 =	sshll.u32 s4, $0x1;
	s4 =	sadd.s32 s21, s2  }
0x9d: {  	[timem:s6], [sflag:s22] =	dma.local [hbm:s4], s20  }
0x9e: {  	_ =	swait.ge [sflag:s22], s20  }
0x9f: {  	s3 =	ssub.s32 $0x0, s20;
	[sflag:s22] =	ssyncset.done $0x0  }
0xa0: {  	[sflag:s22] =	ssyncadd.s32 s3;
	_ =	sdelay $0x1  }
0xa1: {  	s23 =	simm.s32 $0x1B8B  }
0xa2: {  	_ =	swait.ge [sflag:s23], $0x1  }
0xa3: {  	[sflag:s23] =	ssyncset.done $0x0  }
0xa4: {  	s25 =	simm.s32 $0x1B8E;
	s24 =	sld [smem:$0x3FFE];
	[sflag:s23] =	ssyncadd.s32 $0xFFFFFFFF  }
0xa5: {  	s26 =	simm.s32 $execute0_lowered;
	[smem:$0x3FD2] =	sst s25  }
0xa6: {  	s4 =	sshll.u32 s26, $0x1;
	_ =	strace $0x80000046;
	[dreg:$0x1] =	wrdreg $0xFFFFFFFF  }
0xa7: {  	s28 =	simm.s32 $_size_execute0_lowered;
	s2 =	sadd.s32 s2, s4;
	[dreg:$0x0] =	wrdreg $0x0  }
0xa8: {  	s4 =	sshll.u32 s28, $0x1;
	[dreg:$0x2] =	wrdreg s2  }
0xa9: {  	[dreg:$0x3] =	wrdreg s4  }
0xaa: {  	[dreg:$0x4] =	wrdreg $0xC0  }
0xab: {  	_ =	task [dreg:s6], $0x5FFFF  }
0xac: {  	[dreg:$0x1] =	wrdreg $0xFFFFFFFF  }
0xad: {  	[dreg:$0x0] =	wrdreg $0x60  }
0xae: {  	[dreg:$0x2] =	wrdreg s24  }
0xaf: {  	[dreg:$0x3] =	wrdreg $0x0  }
0xb0: {  	[dreg:$0x4] =	wrdreg $0x9C400  }
0xb1: {  	[dreg:$0x5] =	wrdreg $0x9  }
0xb2: {  	_ =	task.clear_ibuf [dreg:s6], $0x6FFFF;
	_ =	strace $0x90000046  }
0xb3: {  	s29 =	simm.s32 $0x9;
	_ =	strace $0x80000048  }
0xb4: {  	_ =	swait.ge [sflag:s29], $0x1  }
0xb5: {  	[sflag:s29] =	ssyncadd.s32 $0xFFFFFFFF  }
0xb6: {  	_ =	strace $0x90000048  }
0xb7: {  	_ =	sfence  }
0xb8: {  	s30 =	sld [smem:$0x0];
	_ =	sdelay $0x2  }
0xb9: {  	s31 =	sshll.u32 s1, $0xD;
	s1 =	sshrl.u32 s1, $0x2  }
0xba: {  	s3 =	sand.u32 $0x4000, s31;
	s1 =	sadd.s32 s1, s30  }
0xbb: {  	s0 =	sor.u32 s3, s0;
	s1 =	sshll.u32 s1, $0x11  }
0xbc: {  	s0 =	sor.u32 s1, s0  }
0xbd: {  	s0 =	sadd.s32 $0x8F2B, s0  }
0xbe: {  	[sflag:s0] =	ssyncadd.remote.s32 $0x1  }
0xbf: {  	_ =	sfence.sel $0xFFFF  }
0xc0: {  	[dreg:$0x0] =	wrdreg $0xFFFFFFFF;
	(pc) =	sbr.abs _section_cstart, $3  }
0xc1: {  	[dreg:$0x1] =	wrdreg $0xFFFFFFFF  }
0xc2: {  	_ =	task.clear_ibuf [dreg:s6], $0x2FFFF;
	_ =	strace $0x9FFFFFFF  }
0xc3: {  	(tm) =	ssettm $0x7FFFFFFF  }
tec
execute0_lowered:
.L_overlay_start_1:
0x0: {  	(tag) =	ssettag $0x1  }
0x1: {  	s0 =	rddreg [dreg:$0x0]  }
0x2: {  	s2 =	rddreg [dreg:$0x1]  }
0x3: {  	s3 =	rddreg [dreg:$0x2];
	s4 =	simm.s32 $0x0  }
0x4: {  	s16 =	stileid.u32;
	s6 =	srdreg.scid;
	s17 =	simm.s32 $0x5  }
0x5: {  	s28 =	simm.s32 $0x14A40;
	s29 =	simm.s32 $0x1;
	s1 =	smul.u32 $0xA00, s16  }
0x6: {  	s30 =	simm.s32 $0x18A40;
	s31 =	simm.s32 $0x2;
	s5 =	smul.u32 $0x2780, s16  }
0x7: {  	[smem:$0x7FF] =	sst s4;
	s6 =	sand.u32 $0x1, s6;
	s12 =	smul.u32 $0x13800, s16  }
0x8: {  	s7 =	sadd.s32 $0x15600, s0;
	s23 =	smul.u32 $0x4F000, s16;
	s25 =	sshll.u32 s16, $0x6  }
0x9: {  	s18 =	sadd.s32 $0x138000, s2;
	p0 =	sne.s32 s16, $0xF;
	_ =	strace $0x80000047  }
0xa: {  	s8 =	ssub.s32 $0x2, s6;
	s6 =	smul.u32 $0x138800, s6;
	s18 =	sshrl.u32 @!p0 s18, $0x3  }
0xb: {  	s1 =	sadd.s32 s1, s0;
	s5 =	sadd.s32 s5, s0;
	s9 =	sshrl.u32 s8, $0x1  }
0xc: {  	s0 =	sadd.s32 $0x8B000, s0;
	s14 =	sadd.s32 s12, s2;
	s26 =	sadd.s32 s12, s3  }
0xd: {  	s13 =	ssub.s32 s8, s9;
	s22 =	sadd.s32 s12, s6;
	s10 =	sshrl.u32 s6, $0x3  }
0xe: {  	s6 =	sor.u32 $0x1C05, s25;
	s8 =	sshrl.u32 s23, $0x2;
	s5 =	sadd.s32 $0x63800, s5  }
0xf: {  	s9 =	sadd.s32 $0xB600, s1;
	s21 =	sadd.s32 $0x1680, s1;
	s16 =	sshrl.u32 s14, $0x3  }
0x10: {  	s23 =	simm.s32 $0x4;
	s11 =	sshrl.u32 s22, $0x3;
	s15 =	sadd.s32 $0x27000, s10  }
0x11: {  	s19 =	sadd.s32 s8, s3;
	[dreg:$0x6] =	wrdreg s5;
	s10 =	sadd.s32 $0x1600, s1  }
0x12: {  	s13 =	smax.u32 s13, $0x1;
	s22 =	simm.s32 $0x3;
	s24 =	sadd.s32 s7, s11  }
0x13: {  	s7 =	sadd.s32 s7, s15;
	s11 =	sadd.s32 s0, s11;
	s12 =	sadd.s32 s0, s15  }
0x14: {  	s0 =	sadd.s32 $0x138000, s3;
	s15 =	sadd.s32 $0xB680, s1;
	[dreg:$0x4] =	wrdreg s24  }
0x15: {  	s19 =	sshrl.u32 s19, $0x3;
	[dreg:$0x5] =	wrdreg s7;
	s24 =	sshrl.u32 s26, $0x3  }
0x16: {  	s25 =	sshrl.u32 @!p0 s0, $0x3;
	s26 =	simm.s32 $0x80;
	s0 =	simm.s32 $0x0  }
.LBB2_1:
0x17: {  	s1 =	rddreg [dreg:$0x4]  }
0x18: {  	[spmem:s16], [sflag:s6] =	dma.local [hbm:s1], $0x2700  }
0x19: {  	_ =	swait.ge [sflag:s17], $0x2700  }
0x1a: {  	[sflag:s17] =	ssyncset.done $0x0  }
0x1b: {  	s1 =	rddreg [dreg:$0x5];
	[sflag:s17] =	ssyncadd.s32 $0xFFFFD900  }
0x1c: {  	[spmem:s18], [sflag:s6] =	dma.local @!p0 [hbm:s1], $0x100  }
0x1d: {  	s1 =	simm.s32 @!p0 $0x5  }
0x1e: {  	_ =	swait.ge @!p0 [sflag:s1], $0x100  }
0x1f: {  	[sflag:s1] =	ssyncset.done @!p0 $0x0  }
0x20: {  	s20 =	rddreg [dreg:$0x6];
	[sflag:s1] =	ssyncadd.s32 @!p0 $0xFFFFFF00  }
0x21: {  	[spmem:s19], [sflag:s6] =	dma.local [hbm:s20], $0x2780  }
0x22: {  	_ =	swait.ge [sflag:s17], $0x2780  }
0x23: {  	[sflag:s17] =	ssyncset.done $0x0  }
0x24: {  	[sflag:s17] =	ssyncadd.s32 $0xFFFFD880  }
0x25: {  	s5 =	simm.s32 $0x13A40;
	[bflag:$0x0] =	sbarrier.arrive $0xFFFF  }
0x26: {  	[tilespmem:s5], [sflag:$0x3] =	stream.linear.gather [hbm4b:s9+s4], $0x400, $0x38;
	[tilespmem:$0x1CA40] =	vst v63  }
0x27: {  	s7 =	simm.s32 $0x14240  }
0x28: {  	[tilespmem:s7], [sflag:$0x4] =	stream.linear.gather [hbm4b:s10+s4], $0x400, $0x38;
	[tilespmem:$0x1CA40] =	vst v63  }
0x29: {  	_ =	swait.ge [sflag:s22], $0x400  }
0x2a: {  	[sflag:s22] =	ssyncset.done $0x0  }
0x2b: {  	[sflag:s22] =	ssyncadd.s32 $0xFFFFFC00  }
0x2c: {  	_ =	swait.ge [sflag:s23], $0x400  }
0x2d: {  	p1 =	por $0x0, $0x0;
	s1 =	sand.u32 $0x400, s4;
	[sflag:s23] =	ssyncset.done $0x0  }
0x2e: {  	s14 =	simm.s32 @!p1 $0x0;
	s5 =	ssub.s32 @!p1 $0x13E40, s1;
	[sflag:s23] =	ssyncadd.s32 $0xFFFFFC00  }
0x2f: {  	[tilespmem:s5], [sflag:$0x3] =	stream.linear.gather @!p1 [hbm4b:s15+s14], $0x400, $0x38;
	[tilespmem:$0x1CA40] =	vst v63  }
0x30: {  	s5 =	ssub.s32 @!p1 $0x14640, s1  }
0x31: {  	[tilespmem:s5], [sflag:$0x4] =	stream.linear.gather @!p1 [hbm4b:s21+s14], $0x400, $0x38;
	[tilespmem:$0x1CA40] =	vst v63  }
0x32: {  	s8 =	sor.u32 $0x13A40, s1  }
0x33: {  	[tilespmem:s28], [sflag:$0x1] =	stream.indirect.gather [spmem:s2], $0x40, s8, s26, $0xb8;
	[tilespmem:$0x1CA40] =	vst v63  }
0x34: {  	_ =	swait.ge [sflag:s29], $0x2000  }
0x35: {  	[sflag:s29] =	ssyncset.done $0x0  }
0x36: {  	s14 =	sadd.s32 $0x13AC0, s1;
	[sflag:s29] =	ssyncadd.s32 $0xFFFFE000  }
0x37: {  	[tilespmem:s30], [sflag:$0x2] =	stream.indirect.gather [spmem:s2], $0x40, s14, s26, $0xb8;
	[tilespmem:$0x1CA40] =	vst v63  }
0x38: {  	s20 =	sor.u32 $0x14240, s1  }
0x39: {  	[spmem:s3] =	stream.indirect.scatter.add.f32 [tilespmem:s28], [sflag:$0x5], $0x40, s20, s26, $0xb8;
	[tilespmem:$0x1CA40] =	vst v63  }
0x3a: {  	_ =	swait.ge [sflag:s17], $0x2000  }
0x3b: {  	[sflag:s17] =	ssyncset.done $0x0  }
0x3c: {  	[sflag:s17] =	ssyncadd.s32 $0xFFFFE000  }
0x3d: {  	_ =	swait.ge [sflag:s31], $0x2000  }
0x3e: {  	[sflag:s31] =	ssyncset.done $0x0  }
0x3f: {  	s7 =	sadd.s32 $0x13B40, s1;
	[sflag:s31] =	ssyncadd.s32 $0xFFFFE000  }
0x40: {  	[tilespmem:s28], [sflag:$0x1] =	stream.indirect.gather [spmem:s2], $0x40, s7, s26, $0xb8;
	[tilespmem:$0x1CA40] =	vst v63  }
0x41: {  	s8 =	sadd.s32 $0x142C0, s1  }
0x42: {  	[spmem:s3] =	stream.indirect.scatter.add.f32 [tilespmem:s30], [sflag:$0x5], $0x40, s8, s26, $0xb8;
	[tilespmem:$0x1CA40] =	vst v63  }
0x43: {  	_ =	swait.ge [sflag:s17], $0x2000  }
0x44: {  	[sflag:s17] =	ssyncset.done $0x0  }
0x45: {  	[sflag:s17] =	ssyncadd.s32 $0xFFFFE000  }
0x46: {  	_ =	swait.ge [sflag:s29], $0x2000  }
0x47: {  	[sflag:s29] =	ssyncset.done $0x0  }
0x48: {  	s14 =	sadd.s32 $0x13BC0, s1;
	[sflag:s29] =	ssyncadd.s32 $0xFFFFE000  }
0x49: {  	[tilespmem:s30], [sflag:$0x2] =	stream.indirect.gather [spmem:s2], $0x40, s14, s26, $0xb8;
	[tilespmem:$0x1CA40] =	vst v63  }
0x4a: {  	s20 =	sadd.s32 $0x14340, s1  }
0x4b: {  	[spmem:s3] =	stream.indirect.scatter.add.f32 [tilespmem:s28], [sflag:$0x5], $0x40, s20, s26, $0xb8;
	[tilespmem:$0x1CA40] =	vst v63  }
0x4c: {  	_ =	swait.ge [sflag:s17], $0x2000  }
0x4d: {  	[sflag:s17] =	ssyncset.done $0x0  }
0x4e: {  	[sflag:s17] =	ssyncadd.s32 $0xFFFFE000  }
0x4f: {  	_ =	swait.ge [sflag:s31], $0x2000  }
0x50: {  	[sflag:s31] =	ssyncset.done $0x0  }
0x51: {  	s7 =	sadd.s32 $0x13C40, s1;
	[sflag:s31] =	ssyncadd.s32 $0xFFFFE000  }
0x52: {  	[tilespmem:s28], [sflag:$0x1] =	stream.indirect.gather [spmem:s2], $0x40, s7, s26, $0xb8;
	[tilespmem:$0x1CA40] =	vst v63  }
0x53: {  	s8 =	sadd.s32 $0x143C0, s1  }
0x54: {  	[spmem:s3] =	stream.indirect.scatter.add.f32 [tilespmem:s30], [sflag:$0x5], $0x40, s8, s26, $0xb8;
	[tilespmem:$0x1CA40] =	vst v63  }
0x55: {  	_ =	swait.ge [sflag:s17], $0x2000  }
0x56: {  	[sflag:s17] =	ssyncset.done $0x0  }
0x57: {  	[sflag:s17] =	ssyncadd.s32 $0xFFFFE000  }
0x58: {  	_ =	swait.ge [sflag:s29], $0x2000  }
0x59: {  	[sflag:s29] =	ssyncset.done $0x0  }
0x5a: {  	s14 =	sadd.s32 $0x13CC0, s1;
	[sflag:s29] =	ssyncadd.s32 $0xFFFFE000  }
0x5b: {  	[tilespmem:s30], [sflag:$0x2] =	stream.indirect.gather [spmem:s2], $0x40, s14, s26, $0xb8;
	[tilespmem:$0x1CA40] =	vst v63  }
0x5c: {  	s20 =	sadd.s32 $0x14440, s1  }
0x5d: {  	[spmem:s3] =	stream.indirect.scatter.add.f32 [tilespmem:s28], [sflag:$0x5], $0x40, s20, s26, $0xb8;
	[tilespmem:$0x1CA40] =	vst v63  }
0x5e: {  	_ =	swait.ge [sflag:s17], $0x2000  }
0x5f: {  	[sflag:s17] =	ssyncset.done $0x0  }
0x60: {  	[sflag:s17] =	ssyncadd.s32 $0xFFFFE000  }
0x61: {  	_ =	swait.ge [sflag:s31], $0x2000  }
0x62: {  	[sflag:s31] =	ssyncset.done $0x0  }
0x63: {  	s7 =	sadd.s32 $0x13D40, s1;
	[sflag:s31] =	ssyncadd.s32 $0xFFFFE000  }
0x64: {  	[tilespmem:s28], [sflag:$0x1] =	stream.indirect.gather [spmem:s2], $0x40, s7, s26, $0xb8;
	[tilespmem:$0x1CA40] =	vst v63  }
0x65: {  	s8 =	sadd.s32 $0x144C0, s1  }
0x66: {  	[spmem:s3] =	stream.indirect.scatter.add.f32 [tilespmem:s30], [sflag:$0x5], $0x40, s8, s26, $0xb8;
	[tilespmem:$0x1CA40] =	vst v63  }
0x67: {  	_ =	swait.ge [sflag:s17], $0x2000  }
0x68: {  	[sflag:s17] =	ssyncset.done $0x0  }
0x69: {  	[sflag:s17] =	ssyncadd.s32 $0xFFFFE000  }
0x6a: {  	_ =	swait.ge [sflag:s29], $0x2000  }
0x6b: {  	[sflag:s29] =	ssyncset.done $0x0  }
0x6c: {  	s14 =	sadd.s32 $0x13DC0, s1;
	[sflag:s29] =	ssyncadd.s32 $0xFFFFE000  }
0x6d: {  	[tilespmem:s30], [sflag:$0x2] =	stream.indirect.gather [spmem:s2], $0x40, s14, s26, $0xb8;
	[tilespmem:$0x1CA40] =	vst v63  }
0x6e: {  	s20 =	sadd.s32 $0x14540, s1  }
0x6f: {  	[spmem:s3] =	stream.indirect.scatter.add.f32 [tilespmem:s28], [sflag:$0x5], $0x40, s20, s26, $0xb8;
	[tilespmem:$0x1CA40] =	vst v63  }
0x70: {  	_ =	swait.ge [sflag:s17], $0x2000  }
0x71: {  	[sflag:s17] =	ssyncset.done $0x0  }
0x72: {  	[sflag:s17] =	ssyncadd.s32 $0xFFFFE000  }
0x73: {  	_ =	swait.ge [sflag:s31], $0x2000  }
0x74: {  	[sflag:s31] =	ssyncset.done $0x0  }
0x75: {  	s1 =	sadd.s32 $0x145C0, s1;
	[sflag:s31] =	ssyncadd.s32 $0xFFFFE000  }
0x76: {  	[spmem:s3] =	stream.indirect.scatter.add.f32 [tilespmem:s30], [sflag:$0x5], $0x40, s1, s26, $0xb8;
	[tilespmem:$0x1CA40] =	vst v63  }
0x77: {  	s14 =	smov.u32 s21;
	_ =	swait.ge [sflag:s17], $0x2000  }
0x78: {  	s20 =	sadd.s32 $0x80, s15;
	s1 =	simm.s32 $0x400;
	[sflag:s17] =	ssyncset.done $0x0  }
.LBB2_2:
0x79: {  	[sflag:s17] =	ssyncadd.s32 $0xFFFFE000  }
0x7a: {  	s14 =	sadd.s32 $0x80, s14;
	s7 =	smov.u32 s1;
	s1 =	sadd.s32 $0x400, s1  }
0x7b: {  	_ =	swait.ge [sflag:s22], $0x400;
	p1 =	sne.s32 s1, $0x5000  }
0x7c: {  	[sflag:s22] =	ssyncset.done $0x0  }
0x7d: {  	[sflag:s22] =	ssyncadd.s32 $0xFFFFFC00  }
0x7e: {  	_ =	swait.ge [sflag:s23], $0x400  }
0x7f: {  	s5 =	sand.u32 $0x400, s7;
	p2 =	seq.s32 s7, $0x4C00;
	[sflag:s23] =	ssyncset.done $0x0  }
0x80: {  	s7 =	ssub.s32 @!p2 $0x13E40, s5;
	s8 =	simm.s32 @!p2 $0x0;
	[sflag:s23] =	ssyncadd.s32 $0xFFFFFC00  }
0x81: {  	[tilespmem:s7], [sflag:$0x3] =	stream.linear.gather @!p2 [hbm4b:s20+s8], $0x400, $0x38;
	[tilespmem:$0x1CA40] =	vst v63  }
0x82: {  	s7 =	ssub.s32 @!p2 $0x14640, s5  }
0x83: {  	[tilespmem:s7], [sflag:$0x4] =	stream.linear.gather @!p2 [hbm4b:s14+s8], $0x400, $0x38;
	[tilespmem:$0x1CA40] =	vst v63  }
0x84: {  	s7 =	sor.u32 $0x13A40, s5  }
0x85: {  	[tilespmem:s28], [sflag:$0x1] =	stream.indirect.gather [spmem:s2], $0x40, s7, s26, $0xb8;
	[tilespmem:$0x1CA40] =	vst v63  }
0x86: {  	_ =	swait.ge [sflag:s29], $0x2000  }
0x87: {  	[sflag:s29] =	ssyncset.done $0x0  }
0x88: {  	s7 =	sadd.s32 $0x13AC0, s5;
	[sflag:s29] =	ssyncadd.s32 $0xFFFFE000  }
0x89: {  	[tilespmem:s30], [sflag:$0x2] =	stream.indirect.gather [spmem:s2], $0x40, s7, s26, $0xb8;
	[tilespmem:$0x1CA40] =	vst v63  }
0x8a: {  	s7 =	sor.u32 $0x14240, s5  }
0x8b: {  	[spmem:s3] =	stream.indirect.scatter.add.f32 [tilespmem:s28], [sflag:$0x5], $0x40, s7, s26, $0xb8;
	[tilespmem:$0x1CA40] =	vst v63  }
0x8c: {  	_ =	swait.ge [sflag:s17], $0x2000  }
0x8d: {  	[sflag:s17] =	ssyncset.done $0x0  }
0x8e: {  	[sflag:s17] =	ssyncadd.s32 $0xFFFFE000  }
0x8f: {  	_ =	swait.ge [sflag:s31], $0x2000  }
0x90: {  	[sflag:s31] =	ssyncset.done $0x0  }
0x91: {  	s7 =	sadd.s32 $0x13B40, s5;
	[sflag:s31] =	ssyncadd.s32 $0xFFFFE000  }
0x92: {  	[tilespmem:s28], [sflag:$0x1] =	stream.indirect.gather [spmem:s2], $0x40, s7, s26, $0xb8;
	[tilespmem:$0x1CA40] =	vst v63  }
0x93: {  	s7 =	sadd.s32 $0x142C0, s5  }
0x94: {  	[spmem:s3] =	stream.indirect.scatter.add.f32 [tilespmem:s30], [sflag:$0x5], $0x40, s7, s26, $0xb8;
	[tilespmem:$0x1CA40] =	vst v63  }
0x95: {  	_ =	swait.ge [sflag:s17], $0x2000  }
0x96: {  	[sflag:s17] =	ssyncset.done $0x0  }
0x97: {  	[sflag:s17] =	ssyncadd.s32 $0xFFFFE000  }
0x98: {  	_ =	swait.ge [sflag:s29], $0x2000  }
0x99: {  	[sflag:s29] =	ssyncset.done $0x0  }
0x9a: {  	s7 =	sadd.s32 $0x13BC0, s5;
	[sflag:s29] =	ssyncadd.s32 $0xFFFFE000  }
0x9b: {  	[tilespmem:s30], [sflag:$0x2] =	stream.indirect.gather [spmem:s2], $0x40, s7, s26, $0xb8;
	[tilespmem:$0x1CA40] =	vst v63  }
0x9c: {  	s7 =	sadd.s32 $0x14340, s5  }
0x9d: {  	[spmem:s3] =	stream.indirect.scatter.add.f32 [tilespmem:s28], [sflag:$0x5], $0x40, s7, s26, $0xb8;
	[tilespmem:$0x1CA40] =	vst v63  }
0x9e: {  	_ =	swait.ge [sflag:s17], $0x2000  }
0x9f: {  	[sflag:s17] =	ssyncset.done $0x0  }
0xa0: {  	[sflag:s17] =	ssyncadd.s32 $0xFFFFE000  }
0xa1: {  	_ =	swait.ge [sflag:s31], $0x2000  }
0xa2: {  	[sflag:s31] =	ssyncset.done $0x0  }
0xa3: {  	s7 =	sadd.s32 $0x13C40, s5;
	[sflag:s31] =	ssyncadd.s32 $0xFFFFE000  }
0xa4: {  	[tilespmem:s28], [sflag:$0x1] =	stream.indirect.gather [spmem:s2], $0x40, s7, s26, $0xb8;
	[tilespmem:$0x1CA40] =	vst v63  }
0xa5: {  	s7 =	sadd.s32 $0x143C0, s5  }
0xa6: {  	[spmem:s3] =	stream.indirect.scatter.add.f32 [tilespmem:s30], [sflag:$0x5], $0x40, s7, s26, $0xb8;
	[tilespmem:$0x1CA40] =	vst v63  }
0xa7: {  	_ =	swait.ge [sflag:s17], $0x2000  }
0xa8: {  	[sflag:s17] =	ssyncset.done $0x0  }
0xa9: {  	[sflag:s17] =	ssyncadd.s32 $0xFFFFE000  }
0xaa: {  	_ =	swait.ge [sflag:s29], $0x2000  }
0xab: {  	[sflag:s29] =	ssyncset.done $0x0  }
0xac: {  	s7 =	sadd.s32 $0x13CC0, s5;
	[sflag:s29] =	ssyncadd.s32 $0xFFFFE000  }
0xad: {  	[tilespmem:s30], [sflag:$0x2] =	stream.indirect.gather [spmem:s2], $0x40, s7, s26, $0xb8;
	[tilespmem:$0x1CA40] =	vst v63  }
0xae: {  	s7 =	sadd.s32 $0x14440, s5  }
0xaf: {  	[spmem:s3] =	stream.indirect.scatter.add.f32 [tilespmem:s28], [sflag:$0x5], $0x40, s7, s26, $0xb8;
	[tilespmem:$0x1CA40] =	vst v63  }
0xb0: {  	_ =	swait.ge [sflag:s17], $0x2000  }
0xb1: {  	[sflag:s17] =	ssyncset.done $0x0  }
0xb2: {  	[sflag:s17] =	ssyncadd.s32 $0xFFFFE000  }
0xb3: {  	_ =	swait.ge [sflag:s31], $0x2000  }
0xb4: {  	[sflag:s31] =	ssyncset.done $0x0  }
0xb5: {  	s7 =	sadd.s32 $0x13D40, s5;
	[sflag:s31] =	ssyncadd.s32 $0xFFFFE000  }
0xb6: {  	[tilespmem:s28], [sflag:$0x1] =	stream.indirect.gather [spmem:s2], $0x40, s7, s26, $0xb8;
	[tilespmem:$0x1CA40] =	vst v63  }
0xb7: {  	s7 =	sadd.s32 $0x144C0, s5  }
0xb8: {  	[spmem:s3] =	stream.indirect.scatter.add.f32 [tilespmem:s30], [sflag:$0x5], $0x40, s7, s26, $0xb8;
	[tilespmem:$0x1CA40] =	vst v63  }
0xb9: {  	_ =	swait.ge [sflag:s17], $0x2000  }
0xba: {  	[sflag:s17] =	ssyncset.done $0x0  }
0xbb: {  	[sflag:s17] =	ssyncadd.s32 $0xFFFFE000  }
0xbc: {  	_ =	swait.ge [sflag:s29], $0x2000  }
0xbd: {  	[sflag:s29] =	ssyncset.done $0x0  }
0xbe: {  	s7 =	sadd.s32 $0x13DC0, s5;
	[sflag:s29] =	ssyncadd.s32 $0xFFFFE000  }
0xbf: {  	[tilespmem:s30], [sflag:$0x2] =	stream.indirect.gather [spmem:s2], $0x40, s7, s26, $0xb8;
	[tilespmem:$0x1CA40] =	vst v63  }
0xc0: {  	s7 =	sadd.s32 $0x14540, s5  }
0xc1: {  	[spmem:s3] =	stream.indirect.scatter.add.f32 [tilespmem:s28], [sflag:$0x5], $0x40, s7, s26, $0xb8;
	[tilespmem:$0x1CA40] =	vst v63  }
0xc2: {  	_ =	swait.ge [sflag:s17], $0x2000  }
0xc3: {  	[sflag:s17] =	ssyncset.done $0x0  }
0xc4: {  	[sflag:s17] =	ssyncadd.s32 $0xFFFFE000  }
0xc5: {  	_ =	swait.ge [sflag:s31], $0x2000  }
.Ltmp0:
0xc6: {  	[sflag:s31] =	ssyncset.done $0x0;
	(pc) =	sbr.rel @p1 .LBB2_2-.Ltmp0, $4  }
0xc7: {  	s5 =	sadd.s32 $0x145C0, s5;
	[sflag:s31] =	ssyncadd.s32 $0xFFFFE000  }
0xc8: {  	[spmem:s3] =	stream.indirect.scatter.add.f32 [tilespmem:s30], [sflag:$0x5], $0x40, s5, s26, $0xb8;
	[tilespmem:$0x1CA40] =	vst v63  }
0xc9: {  	_ =	swait.ge [sflag:s17], $0x2000  }
0xca: {  	s20 =	sadd.s32 $0x80, s20;
	[sflag:s17] =	ssyncset.done $0x0  }
0xcb: {  	[sflag:s17] =	ssyncadd.s32 $0xFFFFE000  }
0xcc: {  	[bflag:$0x0] =	sbarrier.arrive $0xFFFF  }
0xcd: {  	[hbm:s11], [sflag:s6] =	dma.local [spmem:s24], $0x2700  }
0xce: {  	s0 =	sadd.s32 $0x1, s0;
	_ =	swait.ge [sflag:s17], $0x2700  }
0xcf: {  	p1 =	sne.s32 s0, s13;
	[sflag:s17] =	ssyncset.done $0x0  }
.Ltmp1:
0xd0: {  	s1 =	simm.s32 @!p0 $0x5;
	[sflag:s17] =	ssyncadd.s32 $0xFFFFD900;
	(pc) =	sbr.rel @p1 .LBB2_1-.Ltmp1, $4  }
0xd1: {  	[hbm:s12], [sflag:s6] =	dma.local @!p0 [spmem:s25], $0x100  }
0xd2: {  	_ =	swait.ge @!p0 [sflag:s1], $0x100  }
0xd3: {  	[sflag:s1] =	ssyncset.done @!p0 $0x0  }
0xd4: {  	[sflag:s1] =	ssyncadd.s32 @!p0 $0xFFFFFF00  }
0xd5: {  	_ =	sfence.sel $0x180000  }
0xd6: {  	[bflag:$0x0] =	sbarrier.arrive $0xFFFF  }
0xd7: {  	_ =	strace $0x90000047  }
0xd8: {  	s0 =	stileid.u32;
	[bflag:$0x2] =	sbarrier.arrive $0xFFFF  }
0xd9: {  	p0 =	sne.s32 s0, $0x0;
	s0 =	rddreg [dreg:$0x3]  }
0xda: {  	s0 =	sadd.s32 @!p0 $0x100000, s0  }
0xdb: {  	[sflag:s0] =	ssyncadd.tile.s32 @!p0 $0x1;
	_ =	shalt  }
.Lfunc_end2:
_tile_overlayer_lowered:
.L_overlay_start_2:
0xdc: {  	(tag) =	ssettag $0x2  }
0xdd: {  	s0 =	rddreg [dreg:$0x0];
	s2 =	stileid.u32  }
0xde: {  	s1 =	rddreg [dreg:$0x1];
	p0 =	sne.s32 s2, $0x0  }
0xdf: {  	s3 =	rddreg [dreg:$0x2];
	[bflag:$0x3] =	sbarrier.arrive $0xFFFF;
	s2 =	simm.s32 @!p0 $0x1C05  }
0xe0: {  	[timem:s3], [sflag:s2] =	dma.local @!p0 [hbm:s0], s1  }
0xe1: {  	s0 =	simm.s32 @!p0 $0x5  }
0xe2: {  	_ =	swait.ge @!p0 [sflag:s0], s1  }
0xe3: {  	s1 =	ssub.s32 @!p0 $0x0, s1;
	[sflag:s0] =	ssyncset.done @!p0 $0x0  }
0xe4: {  	[sflag:s0] =	ssyncadd.s32 @!p0 s1  }
0xe5: {  	[bflag:$0x3] =	sbarrier.arrive $0xFFFF  }
0xe6: {  	_ =	shalt  }

// kernel: kernel.9.cloned.1.call-start
scs
__scs_entry_jumppad:
0x0: {  	(pc) =	sbr.rel $0x88, $3  }
0x1: {  	(tag) =	ssettag $0x0;
	lr =	simm.s32 $0x1  }
0x2: {  	[smem:$0x3F99] =	sst lr;
	_ =	strace $0xD0000000  }
0x3: {  	_ = 	snop  }
0x4: {  	_ = 	snop  }
0x5: {  	_ = 	snop  }
0x6: {  	_ = 	snop  }
0x7: {  	_ = 	snop  }
__scs_overlays_trampoline_lowered:
0x8: {  	[smem:$0x3FA8] =	sst s0  }
0x9: {  	[smem:$0x3FA9] =	sst s1  }
0xa: {  	[smem:$0x3FAA] =	sst s2  }
0xb: {  	[smem:$0x3FAB] =	sst s3  }
0xc: {  	[smem:$0x3FAC] =	sst s4  }
0xd: {  	[smem:$0x3FAD] =	sst s5  }
0xe: {  	[smem:$0x3FAE] =	sst s6  }
0xf: {  	[smem:$0x3FAF] =	sst s7  }
0x10: {  	[smem:$0x3FB0] =	sst s8  }
0x11: {  	[smem:$0x3FB1] =	sst s9;
	s0 =	simm.s32 @!p0 $0x0  }
0x12: {  	s1 =	sld [smem:$0x3F97];
	s0 =	simm.s32 @p0 $0x1  }
0x13: {  	[smem:$0x3FB2] =	sst s0;
	s0 =	simm.s32 @!p1 $0x0  }
0x14: {  	s2 =	sld [smem:$0x3F96];
	s0 =	simm.s32 @p1 $0x1  }
0x15: {  	[smem:$0x3FB3] =	sst s0;
	s0 =	simm.s32 @!p2 $0x0  }
0x16: {  	s3 =	sld [smem:$0x3FDB];
	s0 =	simm.s32 @p2 $0x1  }
0x17: {  	s4 =	simm.s32 $0x1BF5;
	[smem:$0x3FB5] =	sst s0  }
0x18: {  	s0 =	sld [smem:$0x3F98];
	_ =	swait.ge [sflag:s4], $0x0  }
0x19: {  	s7 =	sld [smem:$0x3F99]  }
0x1a: {  	s8 =	sadd.s32 $0xFFFFE003, lr  }
0x1b: {  	s9 =	sadd.s32 $0xFFFFFEF7, lr;
	s5 =	simm.s32 $0xFFFFFFFF;
	p2 =	slt.u32 s8, $0xFFFFF086  }
0x1c: {  	p1 =	slt.u32 s9, $0xF7A;
	s5 =	simm.s32 @!p2 $0x0  }
0x1d: {  	s5 =	simm.s32 @p1 $0x1;
	p0 =	seq.s32 s7, s2  }
0x1e: {  	s7 =	smul.u32 @!p0 $0xF7A, s2;
	p2 =	seq.s32 @!p0 s5, $0x0  }
0x1f: {  	s9 =	smul.u32 $0xF7A, s1;
	s8 =	simm.s32 @!p0 $0x1BF5;
	p2 =	por !p2, p0  }
0x20: {  	[sflag:s8] =	ssyncset.s32 @!p0 $0xFFFFF086;
	s6 =	sadd.s32 @!p0 s3, s7;
	s7 =	simm.s32 @!p0 $0x108  }
0x21: {  	s3 =	sadd.s32 s3, s9;
	s6 =	sadd.s32 @!p0 $0x88, s6;
	s7 =	simm.s32 @p2 $0x1082  }
0x22: {  	[simem:s7], [sflag:s8] =	dma.local @!p0 [hbm:s6], $0xF7A  }
0x23: {  	s9 =	sor.u32 $0xD0000000, s2;
	s6 =	simm.s32 $0x108;
	_ =	swait.ge @!p0 [sflag:s8], $0x0  }
0x24: {  	s3 =	sadd.s32 $0x88, s3;
	s6 =	simm.s32 @!p1 $0x1082;
	[sflag:s4] =	ssyncset.s32 $0xFFFFF086  }
0x25: {  	[simem:s6], [sflag:s4] =	dma.local [hbm:s3], $0xF7A  }
0x26: {  	[smem:$0x3F99] =	sst s1;
	(tag) =	ssettag s2;
	_ =	strace s9  }
0x27: {  	s1 =	sld [smem:$0x3FA9]  }
0x28: {  	s2 =	sld [smem:$0x3FAA]  }
0x29: {  	s4 =	sld [smem:$0x3FAC]  }
0x2a: {  	p0 =	seq.s32 s5, $0x0;
	s5 =	sld [smem:$0x3FAD]  }
0x2b: {  	s6 =	sld [smem:$0x3FAE]  }
0x2c: {  	s7 =	sld [smem:$0x3FAF]  }
0x2d: {  	s3 =	simm.s32 $0x108;
	s8 =	sld [smem:$0x3FB0]  }
0x2e: {  	s3 =	simm.s32 @!p0 $0x1082;
	s9 =	sld [smem:$0x3FB1]  }
0x2f: {  	lr =	sadd.s32 s0, s3;
	s0 =	sld [smem:$0x3FA8]  }
0x30: {  	s3 =	sld [smem:$0x3FAB]  }
0x31: {  	[smem:$0x3FB4] =	sst s10  }
0x32: {  	s10 =	sld [smem:$0x3FB2];
	_ =	sdelay $0x3  }
0x33: {  	p0 =	seq.s32 s10, $0x1;
	s10 =	sld [smem:$0x3FB4];
	_ =	sdelay $0x3  }
0x34: {  	[smem:$0x3FB4] =	sst s10  }
0x35: {  	s10 =	sld [smem:$0x3FB3];
	_ =	sdelay $0x3  }
0x36: {  	p1 =	seq.s32 s10, $0x1;
	s10 =	sld [smem:$0x3FB4];
	_ =	sdelay $0x3  }
0x37: {  	[smem:$0x3FB4] =	sst s10  }
0x38: {  	s10 =	sld [smem:$0x3FB5]  }
0x39: {  	_ = 	snop;
	(pc) =	sbr.ind lr, $3  }
0x3a: {  	_ = 	snop  }
0x3b: {  	_ = 	snop  }
0x3c: {  	p2 =	seq.s32 s10, $0x1;
	s10 =	sld [smem:$0x3FB4]  }
0x3d: {  	_ =	shalt  }
0x3e: {  	_ =	shalt  }
0x3f: {  	_ =	shalt  }
0x40: {  	_ =	shalt  }
0x41: {  	_ =	shalt  }
0x42: {  	_ =	shalt  }
0x43: {  	_ =	shalt  }
0x44: {  	_ =	shalt  }
0x45: {  	_ =	shalt  }
0x46: {  	_ =	shalt  }
0x47: {  	_ =	shalt  }
0x48: {  	_ =	shalt  }
0x49: {  	_ =	shalt  }
0x4a: {  	_ =	shalt  }
0x4b: {  	_ =	shalt  }
0x4c: {  	_ =	shalt  }
0x4d: {  	_ =	shalt  }
0x4e: {  	_ =	shalt  }
0x4f: {  	_ =	shalt  }
0x50: {  	_ =	shalt  }
0x51: {  	_ =	shalt  }
0x52: {  	_ =	shalt  }
0x53: {  	_ =	shalt  }
0x54: {  	_ =	shalt  }
0x55: {  	_ =	shalt  }
0x56: {  	_ =	shalt  }
0x57: {  	_ =	shalt  }
0x58: {  	_ =	shalt  }
0x59: {  	_ =	shalt  }
0x5a: {  	_ =	shalt  }
0x5b: {  	_ =	shalt  }
0x5c: {  	_ =	shalt  }
0x5d: {  	_ =	shalt  }
0x5e: {  	_ =	shalt  }
0x5f: {  	_ =	shalt  }
0x60: {  	_ =	shalt  }
0x61: {  	_ =	shalt  }
0x62: {  	_ =	shalt  }
0x63: {  	_ =	shalt  }
0x64: {  	_ =	shalt  }
0x65: {  	_ =	shalt  }
0x66: {  	_ =	shalt  }
0x67: {  	_ =	shalt  }
0x68: {  	_ =	shalt  }
0x69: {  	_ =	shalt  }
0x6a: {  	_ =	shalt  }
0x6b: {  	_ =	shalt  }
0x6c: {  	_ =	shalt  }
0x6d: {  	_ =	shalt  }
0x6e: {  	_ =	shalt  }
0x6f: {  	_ =	shalt  }
0x70: {  	_ =	shalt  }
0x71: {  	_ =	shalt  }
0x72: {  	_ =	shalt  }
0x73: {  	_ =	shalt  }
0x74: {  	_ =	shalt  }
0x75: {  	_ =	shalt  }
0x76: {  	_ =	shalt  }
0x77: {  	_ =	shalt  }
0x78: {  	_ =	shalt  }
0x79: {  	_ =	shalt  }
0x7a: {  	_ =	shalt  }
0x7b: {  	_ =	shalt  }
0x7c: {  	_ =	shalt  }
0x7d: {  	_ =	shalt  }
0x7e: {  	_ =	shalt  }
0x7f: {  	_ =	shalt  }
0x80: {  	_ =	shalt  }
0x81: {  	_ =	shalt  }
0x82: {  	_ =	shalt  }
0x83: {  	_ =	shalt  }
0x84: {  	_ =	shalt  }
0x85: {  	_ =	shalt  }
0x86: {  	_ =	shalt  }
0x87: {  	_ =	shalt  }
.Lfunc_end0:
.L_simem_size_0:
called_computation.1_lowered:
.L_overlay_start_0:
0x88: {  	s2 =	sld [smem:$0x3FD9]  }
0x89: {  	s3 =	sld [smem:$0x3FFE];
	_ =	sdelay $0x1  }
0x8a: {  	s1 =	srdreg.scid  }
0x8b: {  	s0 =	sand.u32 $0x1, s1  }
0x8c: {  	s16 =	sshll.u32 s0, $0xA;
	s2 =	sadd.s32 s3, s2  }
0x8d: {  	s2 =	sadd.s32 s2, s16  }
0x8e: {  	[smem:$0x3FC0] =	sst s2  }
0x8f: {  	_ = 	snop  }
0x90: {  	(tm) =	ssettm $0x1  }
0x91: {  	s17 =	sld [smem:$0x3FFB];
	_ =	sdelay $0x3  }
0x92: {  	_ =	strace s17  }
0x93: {  	s2 =	sld [smem:$0x3FFC];
	_ =	sdelay $0x3  }
0x94: {  	_ =	strace s2  }
0x95: {  	s2 =	sld [smem:$0x3FFD];
	_ =	sdelay $0x3  }
0x96: {  	_ =	strace s2  }
0x97: {  	_ =	strace $0x8FFFFFFF  }
0x98: {  	s18 =	sld [smem:$0x3FDB];
	_ =	sdelay $0x1  }
0x99: {  	s19 =	simm.s32 $_scs_section_size  }
0x9a: {  	s4 =	simm.s32 $_size__tile_overlayer_lowered;
	s5 =	simm.s32 $_tile_overlayer_lowered  }
0x9b: {  	s22 =	simm.s32 $0x1BFF;
	s21 =	sshll.u32 s5, $0x1;
	s2 =	sadd.s32 s19, s18  }
0x9c: {  	s6 =	simm.s32 $0x0;
	s20 =	sshll.u32 s4, $0x1;
	s4 =	sadd.s32 s21, s2  }
0x9d: {  	[timem:s6], [sflag:s22] =	dma.local [hbm:s4], s20  }
0x9e: {  	_ =	swait.ge [sflag:s22], s20  }
0x9f: {  	s3 =	ssub.s32 $0x0, s20;
	[sflag:s22] =	ssyncset.done $0x0  }
0xa0: {  	[sflag:s22] =	ssyncadd.s32 s3;
	_ =	sdelay $0x1  }
0xa1: {  	s23 =	simm.s32 $0x1B8B  }
0xa2: {  	_ =	swait.ge [sflag:s23], $0x1  }
0xa3: {  	[sflag:s23] =	ssyncset.done $0x0  }
0xa4: {  	s25 =	simm.s32 $0x1B8E;
	s24 =	sld [smem:$0x3FFE];
	[sflag:s23] =	ssyncadd.s32 $0xFFFFFFFF  }
0xa5: {  	s26 =	simm.s32 $execute0_lowered;
	[smem:$0x3FD2] =	sst s25  }
0xa6: {  	s4 =	sshll.u32 s26, $0x1;
	_ =	strace $0x80000049;
	[dreg:$0x1] =	wrdreg $0xFFFFFFFF  }
0xa7: {  	s28 =	simm.s32 $_size_execute0_lowered;
	s2 =	sadd.s32 s2, s4;
	[dreg:$0x0] =	wrdreg $0x0  }
0xa8: {  	s4 =	sshll.u32 s28, $0x1;
	[dreg:$0x2] =	wrdreg s2  }
0xa9: {  	[dreg:$0x3] =	wrdreg s4  }
0xaa: {  	[dreg:$0x4] =	wrdreg $0xC0  }
0xab: {  	_ =	task [dreg:s6], $0x5FFFF  }
0xac: {  	[dreg:$0x1] =	wrdreg $0xFFFFFFFF  }
0xad: {  	[dreg:$0x0] =	wrdreg $0x60  }
0xae: {  	[dreg:$0x2] =	wrdreg s24  }
0xaf: {  	[dreg:$0x3] =	wrdreg $0x0  }
0xb0: {  	[dreg:$0x4] =	wrdreg $0x9C400  }
0xb1: {  	[dreg:$0x5] =	wrdreg $0x9  }
0xb2: {  	_ =	task.clear_ibuf [dreg:s6], $0x6FFFF;
	_ =	strace $0x90000049  }
0xb3: {  	s29 =	simm.s32 $0x9;
	_ =	strace $0x8000004B  }
0xb4: {  	_ =	swait.ge [sflag:s29], $0x1  }
0xb5: {  	[sflag:s29] =	ssyncadd.s32 $0xFFFFFFFF  }
0xb6: {  	_ =	strace $0x9000004B  }
0xb7: {  	_ =	sfence  }
0xb8: {  	s30 =	sld [smem:$0x0];
	_ =	sdelay $0x2  }
0xb9: {  	s31 =	sshll.u32 s1, $0xD;
	s1 =	sshrl.u32 s1, $0x2  }
0xba: {  	s3 =	sand.u32 $0x4000, s31;
	s1 =	sadd.s32 s1, s30  }
0xbb: {  	s0 =	sor.u32 s3, s0;
	s1 =	sshll.u32 s1, $0x11  }
0xbc: {  	s0 =	sor.u32 s1, s0  }
0xbd: {  	s0 =	sadd.s32 $0x8F2B, s0  }
0xbe: {  	[sflag:s0] =	ssyncadd.remote.s32 $0x1  }
0xbf: {  	_ =	sfence.sel $0xFFFF  }
0xc0: {  	[dreg:$0x0] =	wrdreg $0xFFFFFFFF;
	(pc) =	sbr.abs _section_cstart, $3  }
0xc1: {  	[dreg:$0x1] =	wrdreg $0xFFFFFFFF  }
0xc2: {  	_ =	task.clear_ibuf [dreg:s6], $0x2FFFF;
	_ =	strace $0x9FFFFFFF  }
0xc3: {  	(tm) =	ssettm $0x7FFFFFFF  }
tec
execute0_lowered:
.L_overlay_start_1:
0x0: {  	(tag) =	ssettag $0x1  }
0x1: {  	s0 =	rddreg [dreg:$0x0]  }
0x2: {  	s2 =	rddreg [dreg:$0x1]  }
0x3: {  	s3 =	rddreg [dreg:$0x2];
	s4 =	simm.s32 $0x0  }
0x4: {  	s16 =	stileid.u32;
	s6 =	srdreg.scid;
	s17 =	simm.s32 $0x5  }
0x5: {  	s28 =	simm.s32 $0x14A40;
	s29 =	simm.s32 $0x1;
	s1 =	smul.u32 $0xA00, s16  }
0x6: {  	s30 =	simm.s32 $0x18A40;
	s31 =	simm.s32 $0x2;
	s5 =	smul.u32 $0x2780, s16  }
0x7: {  	[smem:$0x7FF] =	sst s4;
	s6 =	sand.u32 $0x1, s6;
	s12 =	smul.u32 $0x13800, s16  }
0x8: {  	s7 =	sadd.s32 $0x15600, s0;
	s23 =	smul.u32 $0x4F000, s16;
	s25 =	sshll.u32 s16, $0x6  }
0x9: {  	s18 =	sadd.s32 $0x138000, s2;
	p0 =	sne.s32 s16, $0xF;
	_ =	strace $0x8000004A  }
0xa: {  	s8 =	ssub.s32 $0x2, s6;
	s6 =	smul.u32 $0x138800, s6;
	s18 =	sshrl.u32 @!p0 s18, $0x3  }
0xb: {  	s1 =	sadd.s32 s1, s0;
	s5 =	sadd.s32 s5, s0;
	s9 =	sshrl.u32 s8, $0x1  }
0xc: {  	s0 =	sadd.s32 $0x8B000, s0;
	s14 =	sadd.s32 s12, s2;
	s26 =	sadd.s32 s12, s3  }
0xd: {  	s13 =	ssub.s32 s8, s9;
	s22 =	sadd.s32 s12, s6;
	s10 =	sshrl.u32 s6, $0x3  }
0xe: {  	s6 =	sor.u32 $0x1C05, s25;
	s8 =	sshrl.u32 s23, $0x2;
	s5 =	sadd.s32 $0x63800, s5  }
0xf: {  	s9 =	sadd.s32 $0xB600, s1;
	s21 =	sadd.s32 $0x1680, s1;
	s16 =	sshrl.u32 s14, $0x3  }
0x10: {  	s23 =	simm.s32 $0x4;
	s11 =	sshrl.u32 s22, $0x3;
	s15 =	sadd.s32 $0x27000, s10  }
0x11: {  	s19 =	sadd.s32 s8, s3;
	[dreg:$0x6] =	wrdreg s5;
	s10 =	sadd.s32 $0x1600, s1  }
0x12: {  	s13 =	smax.u32 s13, $0x1;
	s22 =	simm.s32 $0x3;
	s24 =	sadd.s32 s7, s11  }
0x13: {  	s7 =	sadd.s32 s7, s15;
	s11 =	sadd.s32 s0, s11;
	s12 =	sadd.s32 s0, s15  }
0x14: {  	s0 =	sadd.s32 $0x138000, s3;
	s15 =	sadd.s32 $0xB680, s1;
	[dreg:$0x4] =	wrdreg s24  }
0x15: {  	s19 =	sshrl.u32 s19, $0x3;
	[dreg:$0x5] =	wrdreg s7;
	s24 =	sshrl.u32 s26, $0x3  }
0x16: {  	s25 =	sshrl.u32 @!p0 s0, $0x3;
	s26 =	simm.s32 $0x80;
	s0 =	simm.s32 $0x0  }
.LBB2_1:
0x17: {  	s1 =	rddreg [dreg:$0x4]  }
0x18: {  	[spmem:s16], [sflag:s6] =	dma.local [hbm:s1], $0x2700  }
0x19: {  	_ =	swait.ge [sflag:s17], $0x2700  }
0x1a: {  	[sflag:s17] =	ssyncset.done $0x0  }
0x1b: {  	s1 =	rddreg [dreg:$0x5];
	[sflag:s17] =	ssyncadd.s32 $0xFFFFD900  }
0x1c: {  	[spmem:s18], [sflag:s6] =	dma.local @!p0 [hbm:s1], $0x100  }
0x1d: {  	s1 =	simm.s32 @!p0 $0x5  }
0x1e: {  	_ =	swait.ge @!p0 [sflag:s1], $0x100  }
0x1f: {  	[sflag:s1] =	ssyncset.done @!p0 $0x0  }
0x20: {  	s20 =	rddreg [dreg:$0x6];
	[sflag:s1] =	ssyncadd.s32 @!p0 $0xFFFFFF00  }
0x21: {  	[spmem:s19], [sflag:s6] =	dma.local [hbm:s20], $0x2780  }
0x22: {  	_ =	swait.ge [sflag:s17], $0x2780  }
0x23: {  	[sflag:s17] =	ssyncset.done $0x0  }
0x24: {  	[sflag:s17] =	ssyncadd.s32 $0xFFFFD880  }
0x25: {  	s5 =	simm.s32 $0x13A40;
	[bflag:$0x0] =	sbarrier.arrive $0xFFFF  }
0x26: {  	[tilespmem:s5], [sflag:$0x3] =	stream.linear.gather [hbm4b:s9+s4], $0x400, $0x38;
	[tilespmem:$0x1CA40] =	vst v63  }
0x27: {  	s7 =	simm.s32 $0x14240  }
0x28: {  	[tilespmem:s7], [sflag:$0x4] =	stream.linear.gather [hbm4b:s10+s4], $0x400, $0x38;
	[tilespmem:$0x1CA40] =	vst v63  }
0x29: {  	_ =	swait.ge [sflag:s22], $0x400  }
0x2a: {  	[sflag:s22] =	ssyncset.done $0x0  }
0x2b: {  	[sflag:s22] =	ssyncadd.s32 $0xFFFFFC00  }
0x2c: {  	_ =	swait.ge [sflag:s23], $0x400  }
0x2d: {  	p1 =	por $0x0, $0x0;
	s1 =	sand.u32 $0x400, s4;
	[sflag:s23] =	ssyncset.done $0x0  }
0x2e: {  	s14 =	simm.s32 @!p1 $0x0;
	s5 =	ssub.s32 @!p1 $0x13E40, s1;
	[sflag:s23] =	ssyncadd.s32 $0xFFFFFC00  }
0x2f: {  	[tilespmem:s5], [sflag:$0x3] =	stream.linear.gather @!p1 [hbm4b:s15+s14], $0x400, $0x38;
	[tilespmem:$0x1CA40] =	vst v63  }
0x30: {  	s5 =	ssub.s32 @!p1 $0x14640, s1  }
0x31: {  	[tilespmem:s5], [sflag:$0x4] =	stream.linear.gather @!p1 [hbm4b:s21+s14], $0x400, $0x38;
	[tilespmem:$0x1CA40] =	vst v63  }
0x32: {  	s8 =	sor.u32 $0x13A40, s1  }
0x33: {  	[tilespmem:s28], [sflag:$0x1] =	stream.indirect.gather [spmem:s2], $0x40, s8, s26, $0xb8;
	[tilespmem:$0x1CA40] =	vst v63  }
0x34: {  	_ =	swait.ge [sflag:s29], $0x2000  }
0x35: {  	[sflag:s29] =	ssyncset.done $0x0  }
0x36: {  	s14 =	sadd.s32 $0x13AC0, s1;
	[sflag:s29] =	ssyncadd.s32 $0xFFFFE000  }
0x37: {  	[tilespmem:s30], [sflag:$0x2] =	stream.indirect.gather [spmem:s2], $0x40, s14, s26, $0xb8;
	[tilespmem:$0x1CA40] =	vst v63  }
0x38: {  	s20 =	sor.u32 $0x14240, s1  }
0x39: {  	[spmem:s3] =	stream.indirect.scatter.add.f32 [tilespmem:s28], [sflag:$0x5], $0x40, s20, s26, $0xb8;
	[tilespmem:$0x1CA40] =	vst v63  }
0x3a: {  	_ =	swait.ge [sflag:s17], $0x2000  }
0x3b: {  	[sflag:s17] =	ssyncset.done $0x0  }
0x3c: {  	[sflag:s17] =	ssyncadd.s32 $0xFFFFE000  }
0x3d: {  	_ =	swait.ge [sflag:s31], $0x2000  }
0x3e: {  	[sflag:s31] =	ssyncset.done $0x0  }
0x3f: {  	s7 =	sadd.s32 $0x13B40, s1;
	[sflag:s31] =	ssyncadd.s32 $0xFFFFE000  }
0x40: {  	[tilespmem:s28], [sflag:$0x1] =	stream.indirect.gather [spmem:s2], $0x40, s7, s26, $0xb8;
	[tilespmem:$0x1CA40] =	vst v63  }
0x41: {  	s8 =	sadd.s32 $0x142C0, s1  }
0x42: {  	[spmem:s3] =	stream.indirect.scatter.add.f32 [tilespmem:s30], [sflag:$0x5], $0x40, s8, s26, $0xb8;
	[tilespmem:$0x1CA40] =	vst v63  }
0x43: {  	_ =	swait.ge [sflag:s17], $0x2000  }
0x44: {  	[sflag:s17] =	ssyncset.done $0x0  }
0x45: {  	[sflag:s17] =	ssyncadd.s32 $0xFFFFE000  }
0x46: {  	_ =	swait.ge [sflag:s29], $0x2000  }
0x47: {  	[sflag:s29] =	ssyncset.done $0x0  }
0x48: {  	s14 =	sadd.s32 $0x13BC0, s1;
	[sflag:s29] =	ssyncadd.s32 $0xFFFFE000  }
0x49: {  	[tilespmem:s30], [sflag:$0x2] =	stream.indirect.gather [spmem:s2], $0x40, s14, s26, $0xb8;
	[tilespmem:$0x1CA40] =	vst v63  }
0x4a: {  	s20 =	sadd.s32 $0x14340, s1  }
0x4b: {  	[spmem:s3] =	stream.indirect.scatter.add.f32 [tilespmem:s28], [sflag:$0x5], $0x40, s20, s26, $0xb8;
	[tilespmem:$0x1CA40] =	vst v63  }
0x4c: {  	_ =	swait.ge [sflag:s17], $0x2000  }
0x4d: {  	[sflag:s17] =	ssyncset.done $0x0  }
0x4e: {  	[sflag:s17] =	ssyncadd.s32 $0xFFFFE000  }
0x4f: {  	_ =	swait.ge [sflag:s31], $0x2000  }
0x50: {  	[sflag:s31] =	ssyncset.done $0x0  }
0x51: {  	s7 =	sadd.s32 $0x13C40, s1;
	[sflag:s31] =	ssyncadd.s32 $0xFFFFE000  }
0x52: {  	[tilespmem:s28], [sflag:$0x1] =	stream.indirect.gather [spmem:s2], $0x40, s7, s26, $0xb8;
	[tilespmem:$0x1CA40] =	vst v63  }
0x53: {  	s8 =	sadd.s32 $0x143C0, s1  }
0x54: {  	[spmem:s3] =	stream.indirect.scatter.add.f32 [tilespmem:s30], [sflag:$0x5], $0x40, s8, s26, $0xb8;
	[tilespmem:$0x1CA40] =	vst v63  }
0x55: {  	_ =	swait.ge [sflag:s17], $0x2000  }
0x56: {  	[sflag:s17] =	ssyncset.done $0x0  }
0x57: {  	[sflag:s17] =	ssyncadd.s32 $0xFFFFE000  }
0x58: {  	_ =	swait.ge [sflag:s29], $0x2000  }
0x59: {  	[sflag:s29] =	ssyncset.done $0x0  }
0x5a: {  	s14 =	sadd.s32 $0x13CC0, s1;
	[sflag:s29] =	ssyncadd.s32 $0xFFFFE000  }
0x5b: {  	[tilespmem:s30], [sflag:$0x2] =	stream.indirect.gather [spmem:s2], $0x40, s14, s26, $0xb8;
	[tilespmem:$0x1CA40] =	vst v63  }
0x5c: {  	s20 =	sadd.s32 $0x14440, s1  }
0x5d: {  	[spmem:s3] =	stream.indirect.scatter.add.f32 [tilespmem:s28], [sflag:$0x5], $0x40, s20, s26, $0xb8;
	[tilespmem:$0x1CA40] =	vst v63  }
0x5e: {  	_ =	swait.ge [sflag:s17], $0x2000  }
0x5f: {  	[sflag:s17] =	ssyncset.done $0x0  }
0x60: {  	[sflag:s17] =	ssyncadd.s32 $0xFFFFE000  }
0x61: {  	_ =	swait.ge [sflag:s31], $0x2000  }
0x62: {  	[sflag:s31] =	ssyncset.done $0x0  }
0x63: {  	s7 =	sadd.s32 $0x13D40, s1;
	[sflag:s31] =	ssyncadd.s32 $0xFFFFE000  }
0x64: {  	[tilespmem:s28], [sflag:$0x1] =	stream.indirect.gather [spmem:s2], $0x40, s7, s26, $0xb8;
	[tilespmem:$0x1CA40] =	vst v63  }
0x65: {  	s8 =	sadd.s32 $0x144C0, s1  }
0x66: {  	[spmem:s3] =	stream.indirect.scatter.add.f32 [tilespmem:s30], [sflag:$0x5], $0x40, s8, s26, $0xb8;
	[tilespmem:$0x1CA40] =	vst v63  }
0x67: {  	_ =	swait.ge [sflag:s17], $0x2000  }
0x68: {  	[sflag:s17] =	ssyncset.done $0x0  }
0x69: {  	[sflag:s17] =	ssyncadd.s32 $0xFFFFE000  }
0x6a: {  	_ =	swait.ge [sflag:s29], $0x2000  }
0x6b: {  	[sflag:s29] =	ssyncset.done $0x0  }
0x6c: {  	s14 =	sadd.s32 $0x13DC0, s1;
	[sflag:s29] =	ssyncadd.s32 $0xFFFFE000  }
0x6d: {  	[tilespmem:s30], [sflag:$0x2] =	stream.indirect.gather [spmem:s2], $0x40, s14, s26, $0xb8;
	[tilespmem:$0x1CA40] =	vst v63  }
0x6e: {  	s20 =	sadd.s32 $0x14540, s1  }
0x6f: {  	[spmem:s3] =	stream.indirect.scatter.add.f32 [tilespmem:s28], [sflag:$0x5], $0x40, s20, s26, $0xb8;
	[tilespmem:$0x1CA40] =	vst v63  }
0x70: {  	_ =	swait.ge [sflag:s17], $0x2000  }
0x71: {  	[sflag:s17] =	ssyncset.done $0x0  }
0x72: {  	[sflag:s17] =	ssyncadd.s32 $0xFFFFE000  }
0x73: {  	_ =	swait.ge [sflag:s31], $0x2000  }
0x74: {  	[sflag:s31] =	ssyncset.done $0x0  }
0x75: {  	s1 =	sadd.s32 $0x145C0, s1;
	[sflag:s31] =	ssyncadd.s32 $0xFFFFE000  }
0x76: {  	[spmem:s3] =	stream.indirect.scatter.add.f32 [tilespmem:s30], [sflag:$0x5], $0x40, s1, s26, $0xb8;
	[tilespmem:$0x1CA40] =	vst v63  }
0x77: {  	s14 =	smov.u32 s21;
	_ =	swait.ge [sflag:s17], $0x2000  }
0x78: {  	s20 =	sadd.s32 $0x80, s15;
	s1 =	simm.s32 $0x400;
	[sflag:s17] =	ssyncset.done $0x0  }
.LBB2_2:
0x79: {  	[sflag:s17] =	ssyncadd.s32 $0xFFFFE000  }
0x7a: {  	s14 =	sadd.s32 $0x80, s14;
	s7 =	smov.u32 s1;
	s1 =	sadd.s32 $0x400, s1  }
0x7b: {  	_ =	swait.ge [sflag:s22], $0x400;
	p1 =	sne.s32 s1, $0x5000  }
0x7c: {  	[sflag:s22] =	ssyncset.done $0x0  }
0x7d: {  	[sflag:s22] =	ssyncadd.s32 $0xFFFFFC00  }
0x7e: {  	_ =	swait.ge [sflag:s23], $0x400  }
0x7f: {  	s5 =	sand.u32 $0x400, s7;
	p2 =	seq.s32 s7, $0x4C00;
	[sflag:s23] =	ssyncset.done $0x0  }
0x80: {  	s7 =	ssub.s32 @!p2 $0x13E40, s5;
	s8 =	simm.s32 @!p2 $0x0;
	[sflag:s23] =	ssyncadd.s32 $0xFFFFFC00  }
0x81: {  	[tilespmem:s7], [sflag:$0x3] =	stream.linear.gather @!p2 [hbm4b:s20+s8], $0x400, $0x38;
	[tilespmem:$0x1CA40] =	vst v63  }
0x82: {  	s7 =	ssub.s32 @!p2 $0x14640, s5  }
0x83: {  	[tilespmem:s7], [sflag:$0x4] =	stream.linear.gather @!p2 [hbm4b:s14+s8], $0x400, $0x38;
	[tilespmem:$0x1CA40] =	vst v63  }
0x84: {  	s7 =	sor.u32 $0x13A40, s5  }
0x85: {  	[tilespmem:s28], [sflag:$0x1] =	stream.indirect.gather [spmem:s2], $0x40, s7, s26, $0xb8;
	[tilespmem:$0x1CA40] =	vst v63  }
0x86: {  	_ =	swait.ge [sflag:s29], $0x2000  }
0x87: {  	[sflag:s29] =	ssyncset.done $0x0  }
0x88: {  	s7 =	sadd.s32 $0x13AC0, s5;
	[sflag:s29] =	ssyncadd.s32 $0xFFFFE000  }
0x89: {  	[tilespmem:s30], [sflag:$0x2] =	stream.indirect.gather [spmem:s2], $0x40, s7, s26, $0xb8;
	[tilespmem:$0x1CA40] =	vst v63  }
0x8a: {  	s7 =	sor.u32 $0x14240, s5  }
0x8b: {  	[spmem:s3] =	stream.indirect.scatter.add.f32 [tilespmem:s28], [sflag:$0x5], $0x40, s7, s26, $0xb8;
	[tilespmem:$0x1CA40] =	vst v63  }
0x8c: {  	_ =	swait.ge [sflag:s17], $0x2000  }
0x8d: {  	[sflag:s17] =	ssyncset.done $0x0  }
0x8e: {  	[sflag:s17] =	ssyncadd.s32 $0xFFFFE000  }
0x8f: {  	_ =	swait.ge [sflag:s31], $0x2000  }
0x90: {  	[sflag:s31] =	ssyncset.done $0x0  }
0x91: {  	s7 =	sadd.s32 $0x13B40, s5;
	[sflag:s31] =	ssyncadd.s32 $0xFFFFE000  }
0x92: {  	[tilespmem:s28], [sflag:$0x1] =	stream.indirect.gather [spmem:s2], $0x40, s7, s26, $0xb8;
	[tilespmem:$0x1CA40] =	vst v63  }
0x93: {  	s7 =	sadd.s32 $0x142C0, s5  }
0x94: {  	[spmem:s3] =	stream.indirect.scatter.add.f32 [tilespmem:s30], [sflag:$0x5], $0x40, s7, s26, $0xb8;
	[tilespmem:$0x1CA40] =	vst v63  }
0x95: {  	_ =	swait.ge [sflag:s17], $0x2000  }
0x96: {  	[sflag:s17] =	ssyncset.done $0x0  }
0x97: {  	[sflag:s17] =	ssyncadd.s32 $0xFFFFE000  }
0x98: {  	_ =	swait.ge [sflag:s29], $0x2000  }
0x99: {  	[sflag:s29] =	ssyncset.done $0x0  }
0x9a: {  	s7 =	sadd.s32 $0x13BC0, s5;
	[sflag:s29] =	ssyncadd.s32 $0xFFFFE000  }
0x9b: {  	[tilespmem:s30], [sflag:$0x2] =	stream.indirect.gather [spmem:s2], $0x40, s7, s26, $0xb8;
	[tilespmem:$0x1CA40] =	vst v63  }
0x9c: {  	s7 =	sadd.s32 $0x14340, s5  }
0x9d: {  	[spmem:s3] =	stream.indirect.scatter.add.f32 [tilespmem:s28], [sflag:$0x5], $0x40, s7, s26, $0xb8;
	[tilespmem:$0x1CA40] =	vst v63  }
0x9e: {  	_ =	swait.ge [sflag:s17], $0x2000  }
0x9f: {  	[sflag:s17] =	ssyncset.done $0x0  }
0xa0: {  	[sflag:s17] =	ssyncadd.s32 $0xFFFFE000  }
0xa1: {  	_ =	swait.ge [sflag:s31], $0x2000  }
0xa2: {  	[sflag:s31] =	ssyncset.done $0x0  }
0xa3: {  	s7 =	sadd.s32 $0x13C40, s5;
	[sflag:s31] =	ssyncadd.s32 $0xFFFFE000  }
0xa4: {  	[tilespmem:s28], [sflag:$0x1] =	stream.indirect.gather [spmem:s2], $0x40, s7, s26, $0xb8;
	[tilespmem:$0x1CA40] =	vst v63  }
0xa5: {  	s7 =	sadd.s32 $0x143C0, s5  }
0xa6: {  	[spmem:s3] =	stream.indirect.scatter.add.f32 [tilespmem:s30], [sflag:$0x5], $0x40, s7, s26, $0xb8;
	[tilespmem:$0x1CA40] =	vst v63  }
0xa7: {  	_ =	swait.ge [sflag:s17], $0x2000  }
0xa8: {  	[sflag:s17] =	ssyncset.done $0x0  }
0xa9: {  	[sflag:s17] =	ssyncadd.s32 $0xFFFFE000  }
0xaa: {  	_ =	swait.ge [sflag:s29], $0x2000  }
0xab: {  	[sflag:s29] =	ssyncset.done $0x0  }
0xac: {  	s7 =	sadd.s32 $0x13CC0, s5;
	[sflag:s29] =	ssyncadd.s32 $0xFFFFE000  }
0xad: {  	[tilespmem:s30], [sflag:$0x2] =	stream.indirect.gather [spmem:s2], $0x40, s7, s26, $0xb8;
	[tilespmem:$0x1CA40] =	vst v63  }
0xae: {  	s7 =	sadd.s32 $0x14440, s5  }
0xaf: {  	[spmem:s3] =	stream.indirect.scatter.add.f32 [tilespmem:s28], [sflag:$0x5], $0x40, s7, s26, $0xb8;
	[tilespmem:$0x1CA40] =	vst v63  }
0xb0: {  	_ =	swait.ge [sflag:s17], $0x2000  }
0xb1: {  	[sflag:s17] =	ssyncset.done $0x0  }
0xb2: {  	[sflag:s17] =	ssyncadd.s32 $0xFFFFE000  }
0xb3: {  	_ =	swait.ge [sflag:s31], $0x2000  }
0xb4: {  	[sflag:s31] =	ssyncset.done $0x0  }
0xb5: {  	s7 =	sadd.s32 $0x13D40, s5;
	[sflag:s31] =	ssyncadd.s32 $0xFFFFE000  }
0xb6: {  	[tilespmem:s28], [sflag:$0x1] =	stream.indirect.gather [spmem:s2], $0x40, s7, s26, $0xb8;
	[tilespmem:$0x1CA40] =	vst v63  }
0xb7: {  	s7 =	sadd.s32 $0x144C0, s5  }
0xb8: {  	[spmem:s3] =	stream.indirect.scatter.add.f32 [tilespmem:s30], [sflag:$0x5], $0x40, s7, s26, $0xb8;
	[tilespmem:$0x1CA40] =	vst v63  }
0xb9: {  	_ =	swait.ge [sflag:s17], $0x2000  }
0xba: {  	[sflag:s17] =	ssyncset.done $0x0  }
0xbb: {  	[sflag:s17] =	ssyncadd.s32 $0xFFFFE000  }
0xbc: {  	_ =	swait.ge [sflag:s29], $0x2000  }
0xbd: {  	[sflag:s29] =	ssyncset.done $0x0  }
0xbe: {  	s7 =	sadd.s32 $0x13DC0, s5;
	[sflag:s29] =	ssyncadd.s32 $0xFFFFE000  }
0xbf: {  	[tilespmem:s30], [sflag:$0x2] =	stream.indirect.gather [spmem:s2], $0x40, s7, s26, $0xb8;
	[tilespmem:$0x1CA40] =	vst v63  }
0xc0: {  	s7 =	sadd.s32 $0x14540, s5  }
0xc1: {  	[spmem:s3] =	stream.indirect.scatter.add.f32 [tilespmem:s28], [sflag:$0x5], $0x40, s7, s26, $0xb8;
	[tilespmem:$0x1CA40] =	vst v63  }
0xc2: {  	_ =	swait.ge [sflag:s17], $0x2000  }
0xc3: {  	[sflag:s17] =	ssyncset.done $0x0  }
0xc4: {  	[sflag:s17] =	ssyncadd.s32 $0xFFFFE000  }
0xc5: {  	_ =	swait.ge [sflag:s31], $0x2000  }
.Ltmp0:
0xc6: {  	[sflag:s31] =	ssyncset.done $0x0;
	(pc) =	sbr.rel @p1 .LBB2_2-.Ltmp0, $4  }
0xc7: {  	s5 =	sadd.s32 $0x145C0, s5;
	[sflag:s31] =	ssyncadd.s32 $0xFFFFE000  }
0xc8: {  	[spmem:s3] =	stream.indirect.scatter.add.f32 [tilespmem:s30], [sflag:$0x5], $0x40, s5, s26, $0xb8;
	[tilespmem:$0x1CA40] =	vst v63  }
0xc9: {  	_ =	swait.ge [sflag:s17], $0x2000  }
0xca: {  	s20 =	sadd.s32 $0x80, s20;
	[sflag:s17] =	ssyncset.done $0x0  }
0xcb: {  	[sflag:s17] =	ssyncadd.s32 $0xFFFFE000  }
0xcc: {  	[bflag:$0x0] =	sbarrier.arrive $0xFFFF  }
0xcd: {  	[hbm:s11], [sflag:s6] =	dma.local [spmem:s24], $0x2700  }
0xce: {  	s0 =	sadd.s32 $0x1, s0;
	_ =	swait.ge [sflag:s17], $0x2700  }
0xcf: {  	p1 =	sne.s32 s0, s13;
	[sflag:s17] =	ssyncset.done $0x0  }
.Ltmp1:
0xd0: {  	s1 =	simm.s32 @!p0 $0x5;
	[sflag:s17] =	ssyncadd.s32 $0xFFFFD900;
	(pc) =	sbr.rel @p1 .LBB2_1-.Ltmp1, $4  }
0xd1: {  	[hbm:s12], [sflag:s6] =	dma.local @!p0 [spmem:s25], $0x100  }
0xd2: {  	_ =	swait.ge @!p0 [sflag:s1], $0x100  }
0xd3: {  	[sflag:s1] =	ssyncset.done @!p0 $0x0  }
0xd4: {  	[sflag:s1] =	ssyncadd.s32 @!p0 $0xFFFFFF00  }
0xd5: {  	_ =	sfence.sel $0x180000  }
0xd6: {  	[bflag:$0x0] =	sbarrier.arrive $0xFFFF  }
0xd7: {  	_ =	strace $0x9000004A  }
0xd8: {  	s0 =	stileid.u32;
	[bflag:$0x2] =	sbarrier.arrive $0xFFFF  }
0xd9: {  	p0 =	sne.s32 s0, $0x0;
	s0 =	rddreg [dreg:$0x3]  }
0xda: {  	s0 =	sadd.s32 @!p0 $0x100000, s0  }
0xdb: {  	[sflag:s0] =	ssyncadd.tile.s32 @!p0 $0x1;
	_ =	shalt  }
.Lfunc_end2:
_tile_overlayer_lowered:
.L_overlay_start_2:
0xdc: {  	(tag) =	ssettag $0x2  }
0xdd: {  	s0 =	rddreg [dreg:$0x0];
	s2 =	stileid.u32  }
0xde: {  	s1 =	rddreg [dreg:$0x1];
	p0 =	sne.s32 s2, $0x0  }
0xdf: {  	s3 =	rddreg [dreg:$0x2];
	[bflag:$0x3] =	sbarrier.arrive $0xFFFF;
	s2 =	simm.s32 @!p0 $0x1C05  }
0xe0: {  	[timem:s3], [sflag:s2] =	dma.local @!p0 [hbm:s0], s1  }
0xe1: {  	s0 =	simm.s32 @!p0 $0x5  }
0xe2: {  	_ =	swait.ge @!p0 [sflag:s0], s1  }
0xe3: {  	s1 =	ssub.s32 @!p0 $0x0, s1;
	[sflag:s0] =	ssyncset.done @!p0 $0x0  }
0xe4: {  	[sflag:s0] =	ssyncadd.s32 @!p0 s1  }
0xe5: {  	[bflag:$0x3] =	sbarrier.arrive $0xFFFF  }
0xe6: {  	_ =	shalt  }

</sc_bundles>
